<compile_context>
chip_gen: v7x
topology: tpu7x:2x2x1
jax: 0.10.2.dev20260603
libtpu: 0.0.44.dev20260713+nightly
codegen_flags: <defaults>
</compile_context>

<pallas_src>
import functools

import jax
import jax.numpy as jnp
from jax import lax
from jax.experimental import pallas as pl
from jax.experimental.pallas import tpu as pltpu
from jax.experimental.pallas import tpu_sc as plsc

_D = 64
_DH = 32
_SEQ = 200
_ROWS = 7
_NW = 14
_CHUNK = 112
_LANES = 16
_NCH = _DH // _LANES
_K = 4


def _emb_body(ids_hbm, tableT_hbm, out_hbm,
              idx_v, slab0_v, slab1_v, partial_v, sem0, sem1):
    sid = lax.axis_index("s")
    cid = lax.axis_index("c")
    doff = pl.multiple_of(cid * _DH, _DH)

    @pl.when(sid < _NW)
    def _():
        nb = jnp.where(sid % 2 == 0, 28, 22)
        pltpu.sync_copy(ids_hbm.at[sid], idx_v)
        iota = lax.iota(jnp.int32, _LANES)

        def batch_ids(b):
            chunk = idx_v[pl.ds(((_K * b) // _LANES) * _LANES, _LANES)]
            jo = (_K * b) % _LANES
            return [jnp.sum(jnp.where(iota == jo + k, chunk, 0))
                    for k in range(_K)]

        def issue(b, slab, sem):
            for k, idj in enumerate(batch_ids(b)):
                tile_col = pl.multiple_of((idj // 128) * 128, 128)
                pltpu.async_copy(
                    tableT_hbm.at[pl.ds(doff, _DH), pl.ds(tile_col, 128)],
                    slab.at[k], sem)

        def drain(slab, sem):
            for k in range(_K):
                pltpu.make_async_copy(
                    tableT_hbm.at[pl.ds(0, _DH), pl.ds(0, 128)],
                    slab.at[k], sem).wait()

        def process(b, slab, acc):
            acc = list(acc)
            for k, idj in enumerate(batch_ids(b)):
                lanes = jnp.full((_LANES,), idj % 128, jnp.int32)
                for c in range(_NCH):
                    col = plsc.load_gather(
                        slab.at[k], [iota + c * _LANES, lanes])
                    acc[c] = acc[c] + col
            return tuple(acc)

        issue(0, slab0_v, sem0)

        def body(b2, acc):
            b = 2 * b2
            issue(b + 1, slab1_v, sem1)
            drain(slab0_v, sem0)
            acc = process(b, slab0_v, acc)

            @pl.when(b + 2 < nb)
            def _():
                issue(b + 2, slab0_v, sem0)

            drain(slab1_v, sem1)
            return process(b + 1, slab1_v, acc)

        acc = lax.fori_loop(
            0, nb // 2, body,
            tuple(jnp.zeros((_LANES,), jnp.float32) for _ in range(_NCH)))
        for c in range(_NCH):
            partial_v[pl.ds(c * _LANES, _LANES)] = acc[c]
        pltpu.sync_copy(partial_v, out_hbm.at[cid * 16 + sid])

    @pl.when(sid >= _NW)
    def _():
        for c in range(_NCH):
            partial_v[pl.ds(c * _LANES, _LANES)] = jnp.zeros(
                (_LANES,), jnp.float32)
        pltpu.sync_copy(partial_v, out_hbm.at[cid * 16 + sid])


_emb_kernel = functools.partial(
    pl.kernel,
    out_type=jax.ShapeDtypeStruct((32, _DH), jnp.float32),
    mesh=plsc.VectorSubcoreMesh(
        core_axis_name="c", subcore_axis_name="s"),
    compiler_params=pltpu.CompilerParams(needs_layout_passes=False),
    scratch_types=[
        pltpu.VMEM((_CHUNK,), jnp.int32),
        pltpu.VMEM((_K, _DH, 128), jnp.float32),
        pltpu.VMEM((_K, _DH, 128), jnp.float32),
        pltpu.VMEM((_DH,), jnp.float32),
        pltpu.SemaphoreType.DMA,
        pltpu.SemaphoreType.DMA,
    ],
)(_emb_body)


def _reduce_body(p_ref, w_ref, o_ref):
    wp = p_ref[...] * w_ref[...]
    lo = jnp.sum(wp[0:16, :], axis=0)
    hi = jnp.sum(wp[16:32, :], axis=0)
    o_ref[...] = jnp.concatenate([lo, hi])[None, :]


_reduce_kernel = pl.pallas_call(
    _reduce_body,
    out_shape=jax.ShapeDtypeStruct((1, _D), jnp.float32),
)


def kernel(inputs, table):
    ratio = inputs[:, 0]
    ids = inputs[:, 1:].astype(jnp.int32)
    ids_p = jnp.concatenate(
        [ids, jnp.zeros((_ROWS, 2 * _CHUNK - _SEQ), jnp.int32)],
        axis=1).reshape(_NW, _CHUNK)
    partials = _emb_kernel(ids_p, table.T)
    w14 = jnp.repeat(ratio * (1.0 / _SEQ), 2)
    w16 = jnp.concatenate([w14, jnp.zeros((2,), jnp.float32)])
    w32 = jnp.concatenate([w16, w16])[:, None]
    return _reduce_kernel(partials, w32)

# --- scband reference (transcript-rebuilt; emitter-appended) ---
"""Pipeline reference for scband-embedding-network-52458730554047 (READ-ONLY COPY).

The authoritative reference and input builder live on the scoring server;
editing this copy changes nothing except your own understanding.
"""

import jax, jax.numpy as jnp
import numpy as np

VOCAB = 1000000
EMBED_DIM = 64
ROWS = 7
SEQ = 200

def setup_inputs(seed: int = 0) -> dict:
    key = jax.random.key(seed)
    k1, k2, k3 = jax.random.split(key, 3)
    ids = jax.random.randint(k1, (ROWS, SEQ), 0, VOCAB).astype(jnp.float32)
    ratio = jax.random.uniform(k2, (ROWS, 1), dtype=jnp.float32)
    inputs = jnp.concatenate([ratio, ids], axis=1)  # [7, SEQ+1]
    table = jax.random.normal(k3, (VOCAB, EMBED_DIM), dtype=jnp.float32) * 0.02
    return {"inputs": inputs, "table": table}

def reference(inputs, table):
    # inputs: [7, L+1]; col 0 = ratio (float), cols 1: = token ids (stored as float)
    ids = inputs[:, 1:].astype(jnp.int32)          # [7, L]
    emb = jnp.take(table, ids, axis=0)             # [7, L, d]  (embedding gather)
    mean_emb = jnp.mean(emb, axis=1)               # [7, d]   (mean over seq, per row)
    ratio = inputs[:, 0][None, :]                  # [1, 7]
    out = jnp.matmul(ratio, mean_emb)              # [1, d]
    return out

if __name__ == "__main__":
    import jax
    _d = setup_inputs()
    print(jax.jit(kernel)(*tuple(_d.values())))

</pallas_src>

<mosaic_0001>
#map = affine_map<(d0, d1) -> (0, 0)>
module attributes {stable_mosaic.version = 14 : i64} {
  func.func @_emb_body(%arg0: i32, %arg1: i32, %arg2: memref<14x112xi32, #tpu.memory_space<hbm>>, %arg3: memref<64x1000000xf32, #tpu.memory_space<hbm>>, %arg4: memref<32x32xf32, #tpu.memory_space<hbm>>, %arg5: memref<112xi32, #tpu.memory_space<vmem>>, %arg6: memref<4x32x128xf32, #tpu.memory_space<vmem>>, %arg7: memref<4x32x128xf32, #tpu.memory_space<vmem>>, %arg8: memref<32xf32, #tpu.memory_space<vmem>>, %arg9: memref<!tpu.dma_semaphore, #tpu.memory_space<semaphore_mem>>, %arg10: memref<!tpu.dma_semaphore, #tpu.memory_space<semaphore_mem>>) attributes {dimension_semantics = [#tpu.dimension_semantics<core_parallel>, #tpu.dimension_semantics<subcore_parallel>], iteration_bounds = array<i64: 2, 16>, scalar_prefetch = 0 : i64, scratch_operands = 6 : i64, tpu.core_type = #tpu.core_type<sc_vector_subcore>, window_params = [{transform_indices = #map}, {transform_indices = #map}, {transform_indices = #map}]} {
    %mul3A = arith.constant 32 : i32
    %mul3A_0 = arith.muli %arg0, %mul3A : i32
    %multiple_of3A = tpu.assume_multiple %mul3A_0, 32 : i32
    %lt3A = arith.constant 14 : i32
    %lt3A_1 = arith.cmpi slt, %arg1, %lt3A : i32
    %convert_element_type3A = arith.extui %lt3A_1 : i1 to i32
    %cond3A = arith.constant 0 : i32
    %cond3A_2 = arith.cmpi ne, %convert_element_type3A, %cond3A : i32
    scf.if %cond3A_2 {
      %jit3A = arith.constant 2 : i32
      %eq3A = arith.constant 0 : i32
      %eq3A_7 = arith.cmpi eq, %jit3A, %eq3A : i32
      %jit3A_8 = arith.constant 1 : i32
      %select_n3A = arith.select %eq3A_7, %jit3A_8, %jit3A : i32
      %rem3A = arith.remsi %arg1, %select_n3A : i32
      %ne3A = arith.constant 0 : i32
      %ne3A_9 = arith.cmpi ne, %rem3A, %ne3A : i32
      %lt3A_10 = arith.constant 0 : i32
      %lt3A_11 = arith.cmpi slt, %rem3A, %lt3A_10 : i32
      %lt3A_12 = arith.constant 0 : i32
      %lt3A_13 = arith.cmpi slt, %select_n3A, %lt3A_12 : i32
      %ne3A_14 = arith.xori %lt3A_11, %lt3A_13 : i1
      %and3A = arith.andi %ne3A_14, %ne3A_9 : i1
      %add3A = arith.addi %rem3A, %select_n3A : i32
      %select_n3A_15 = arith.select %and3A, %add3A, %rem3A : i32
      %eq3A_16 = arith.constant 0 : i32
      %eq3A_17 = arith.cmpi eq, %select_n3A_15, %eq3A_16 : i32
      %jit3A_18 = arith.constant 28 : i32
      %jit3A_19 = arith.constant 22 : i32
      %select_n3A_20 = arith.select %eq3A_17, %jit3A_18, %jit3A_19 : i32
      "tpu.region"() ({
        %run_scoped3A = tpu.sem_alloc : memref<!tpu.dma_semaphore, #tpu.memory_space<semaphore_mem>>
        %dma_start3A_252 = arith.constant 0 : i32
        %dma_start3A_253 = tpu.memref_slice %arg2[%arg1, %dma_start3A_252] : memref<14x112xi32, #tpu.memory_space<hbm>> -> memref<1x112xi32, #tpu.memory_space<hbm>>
        %dma_start3A_254 = tpu.memref_squeeze %dma_start3A_253 : memref<1x112xi32, #tpu.memory_space<hbm>> -> memref<112xi32, #tpu.memory_space<hbm>>
        %dma_start3A_255 = arith.constant 0 : i32
        %dma_start3A_256 = tpu.memref_slice %arg2[%arg1, %dma_start3A_255] : memref<14x112xi32, #tpu.memory_space<hbm>> -> memref<1x112xi32, #tpu.memory_space<hbm>>
        %dma_start3A_257 = tpu.memref_squeeze %dma_start3A_256 : memref<1x112xi32, #tpu.memory_space<hbm>> -> memref<112xi32, #tpu.memory_space<hbm>>
        tpu.enqueue_dma source(%dma_start3A_257 : memref<112xi32, #tpu.memory_space<hbm>>) target(%arg5 : memref<112xi32, #tpu.memory_space<vmem>>) target_semaphore(%run_scoped3A : memref<!tpu.dma_semaphore, #tpu.memory_space<semaphore_mem>>)
        %dma_wait3A = arith.constant 0 : i32
        %dma_wait3A_258 = tpu.memref_slice %arg2[%arg1, %dma_wait3A] : memref<14x112xi32, #tpu.memory_space<hbm>> -> memref<1x112xi32, #tpu.memory_space<hbm>>
        %dma_wait3A_259 = tpu.memref_squeeze %dma_wait3A_258 : memref<1x112xi32, #tpu.memory_space<hbm>> -> memref<112xi32, #tpu.memory_space<hbm>>
        %dma_wait3A_260 = arith.constant 0 : i32
        %dma_wait3A_261 = tpu.memref_slice %arg2[%arg1, %dma_wait3A_260] : memref<14x112xi32, #tpu.memory_space<hbm>> -> memref<1x112xi32, #tpu.memory_space<hbm>>
        %dma_wait3A_262 = tpu.memref_squeeze %dma_wait3A_261 : memref<1x112xi32, #tpu.memory_space<hbm>> -> memref<112xi32, #tpu.memory_space<hbm>>
        tpu.wait_dma2 semaphore(%run_scoped3A : memref<!tpu.dma_semaphore, #tpu.memory_space<semaphore_mem>>) src(%dma_wait3A_262 : memref<112xi32, #tpu.memory_space<hbm>>) dst(%arg5 : memref<112xi32, #tpu.memory_space<vmem>>)
        tpu.yield
      }) : () -> ()
      %iota3A = tpu.iota {dimensions = array<i32: 0>} : vector<16xi32>
      %get3A = arith.constant 0 : index
      %get3A_21 = tpu.vector_load %arg5[%get3A] {strides = array<i32>} : memref<112xi32, #tpu.memory_space<vmem>>, vector<16xi32>,
      %eq3A_22 = arith.constant 0 : i32
      %eq3A_23 = vector.broadcast %eq3A_22 : i32 to vector<16xi32>
      %eq3A_24 = arith.cmpi eq, %iota3A, %eq3A_23 : vector<16xi32>
      %jit3A_25 = arith.constant 0 : i32
      %broadcast_in_dim3A = vector.broadcast %jit3A_25 : i32 to vector<16xi32>
      %select_n3A_26 = arith.select %eq3A_24, %get3A_21, %broadcast_in_dim3A : vector<16xi1>, vector<16xi32>
      %reduce_sum3A = arith.constant true
      %reduce_sum3A_27 = vector.broadcast %reduce_sum3A : i1 to vector<16xi1>
      %reduce_sum3A_28 = tpu.scan <sum>, %select_n3A_26 masked %reduce_sum3A_27 : vector<16xi32>, vector<16xi1> -> vector<16xi32>
      %reduce_sum3A_29 = vector.extract %reduce_sum3A_28[15] : i32 from vector<16xi32>
      %eq3A_30 = arith.constant 1 : i32
      %eq3A_31 = vector.broadcast %eq3A_30 : i32 to vector<16xi32>
      %eq3A_32 = arith.cmpi eq, %iota3A, %eq3A_31 : vector<16xi32>
      %jit3A_33 = arith.constant 0 : i32
      %broadcast_in_dim3A_34 = vector.broadcast %jit3A_33 : i32 to vector<16xi32>
      %select_n3A_35 = arith.select %eq3A_32, %get3A_21, %broadcast_in_dim3A_34 : vector<16xi1>, vector<16xi32>
      %reduce_sum3A_36 = arith.constant true
      %reduce_sum3A_37 = vector.broadcast %reduce_sum3A_36 : i1 to vector<16xi1>
      %reduce_sum3A_38 = tpu.scan <sum>, %select_n3A_35 masked %reduce_sum3A_37 : vector<16xi32>, vector<16xi1> -> vector<16xi32>
      %reduce_sum3A_39 = vector.extract %reduce_sum3A_38[15] : i32 from vector<16xi32>
      %eq3A_40 = arith.constant 2 : i32
      %eq3A_41 = vector.broadcast %eq3A_40 : i32 to vector<16xi32>
      %eq3A_42 = arith.cmpi eq, %iota3A, %eq3A_41 : vector<16xi32>
      %jit3A_43 = arith.constant 0 : i32
      %broadcast_in_dim3A_44 = vector.broadcast %jit3A_43 : i32 to vector<16xi32>
      %select_n3A_45 = arith.select %eq3A_42, %get3A_21, %broadcast_in_dim3A_44 : vector<16xi1>, vector<16xi32>
      %reduce_sum3A_46 = arith.constant true
      %reduce_sum3A_47 = vector.broadcast %reduce_sum3A_46 : i1 to vector<16xi1>
      %reduce_sum3A_48 = tpu.scan <sum>, %select_n3A_45 masked %reduce_sum3A_47 : vector<16xi32>, vector<16xi1> -> vector<16xi32>
      %reduce_sum3A_49 = vector.extract %reduce_sum3A_48[15] : i32 from vector<16xi32>
      %eq3A_50 = arith.constant 3 : i32
      %eq3A_51 = vector.broadcast %eq3A_50 : i32 to vector<16xi32>
      %eq3A_52 = arith.cmpi eq, %iota3A, %eq3A_51 : vector<16xi32>
      %jit3A_53 = arith.constant 0 : i32
      %broadcast_in_dim3A_54 = vector.broadcast %jit3A_53 : i32 to vector<16xi32>
      %select_n3A_55 = arith.select %eq3A_52, %get3A_21, %broadcast_in_dim3A_54 : vector<16xi1>, vector<16xi32>
      %reduce_sum3A_56 = arith.constant true
      %reduce_sum3A_57 = vector.broadcast %reduce_sum3A_56 : i1 to vector<16xi1>
      %reduce_sum3A_58 = tpu.scan <sum>, %select_n3A_55 masked %reduce_sum3A_57 : vector<16xi32>, vector<16xi1> -> vector<16xi32>
      %reduce_sum3A_59 = vector.extract %reduce_sum3A_58[15] : i32 from vector<16xi32>
      %jit3A_60 = arith.constant 128 : i32
      %div3A = arith.divsi %reduce_sum3A_29, %jit3A_60 : i32
      %sign3A = arith.constant 0 : i32
      %sign3A_61 = arith.cmpi sgt, %reduce_sum3A_29, %sign3A : i32
      %sign3A_62 = arith.extui %sign3A_61 : i1 to i32
      %sign3A_63 = arith.constant 0 : i32
      %sign3A_64 = arith.cmpi slt, %reduce_sum3A_29, %sign3A_63 : i32
      %sign3A_65 = arith.extui %sign3A_64 : i1 to i32
      %sign3A_66 = arith.subi %sign3A_62, %sign3A_65 : i32
      %sign3A_67 = arith.constant 0 : i32
      %sign3A_68 = arith.cmpi sgt, %jit3A_60, %sign3A_67 : i32
      %sign3A_69 = arith.extui %sign3A_68 : i1 to i32
      %sign3A_70 = arith.constant 0 : i32
      %sign3A_71 = arith.cmpi slt, %jit3A_60, %sign3A_70 : i32
      %sign3A_72 = arith.extui %sign3A_71 : i1 to i32
      %sign3A_73 = arith.subi %sign3A_69, %sign3A_72 : i32
      %ne3A_74 = arith.cmpi ne, %sign3A_66, %sign3A_73 : i32
      %rem3A_75 = arith.remsi %reduce_sum3A_29, %jit3A_60 : i32
      %ne3A_76 = arith.constant 0 : i32
      %ne3A_77 = arith.cmpi ne, %rem3A_75, %ne3A_76 : i32
      %and3A_78 = arith.andi %ne3A_74, %ne3A_77 : i1
      %sub3A = arith.constant 1 : i32
      %sub3A_79 = arith.subi %div3A, %sub3A : i32
      %select_n3A_80 = arith.select %and3A_78, %sub3A_79, %div3A : i32
      %mul3A_81 = arith.constant 128 : i32
      %mul3A_82 = arith.muli %select_n3A_80, %mul3A_81 : i32
      %multiple_of3A_83 = tpu.assume_multiple %mul3A_82, 128 : i32
      %dma_start3A = arith.constant 0 : i32
      %dma_start3A_84 = arith.constant 0 : i32
      %dma_start3A_85 = arith.constant 0 : i32
      %dma_start3A_86 = tpu.memref_slice %arg6[%dma_start3A, %dma_start3A_84, %dma_start3A_85] : memref<4x32x128xf32, #tpu.memory_space<vmem>> -> memref<1x32x128xf32, #tpu.memory_space<vmem>>
      %dma_start3A_87 = tpu.memref_squeeze %dma_start3A_86 : memref<1x32x128xf32, #tpu.memory_space<vmem>> -> memref<32x128xf32, #tpu.memory_space<vmem>>
      %dma_start3A_88 = tpu.memref_slice %arg3[%multiple_of3A, %multiple_of3A_83] : memref<64x1000000xf32, #tpu.memory_space<hbm>> -> memref<32x128xf32, #tpu.memory_space<hbm>>
      %dma_start3A_89 = arith.constant 0 : i32
      %dma_start3A_90 = arith.constant 0 : i32
      %dma_start3A_91 = tpu.memref_slice %arg6[%dma_start3A, %dma_start3A_89, %dma_start3A_90] : memref<4x32x128xf32, #tpu.memory_space<vmem>> -> memref<1x32x128xf32, #tpu.memory_space<vmem>>
      %dma_start3A_92 = tpu.memref_squeeze %dma_start3A_91 : memref<1x32x128xf32, #tpu.memory_space<vmem>> -> memref<32x128xf32, #tpu.memory_space<vmem>>
      %dma_start3A_93 = tpu.memref_slice %arg3[%multiple_of3A, %multiple_of3A_83] : memref<64x1000000xf32, #tpu.memory_space<hbm>> -> memref<32x128xf32, #tpu.memory_space<hbm>>
      tpu.enqueue_dma source(%dma_start3A_93 : memref<32x128xf32, #tpu.memory_space<hbm>>) target(%dma_start3A_92 : memref<32x128xf32, #tpu.memory_space<vmem>>) target_semaphore(%arg9 : memref<!tpu.dma_semaphore, #tpu.memory_space<semaphore_mem>>)
      %jit3A_94 = arith.constant 128 : i32
      %div3A_95 = arith.divsi %reduce_sum3A_39, %jit3A_94 : i32
      %sign3A_96 = arith.constant 0 : i32
      %sign3A_97 = arith.cmpi sgt, %reduce_sum3A_39, %sign3A_96 : i32
      %sign3A_98 = arith.extui %sign3A_97 : i1 to i32
      %sign3A_99 = arith.constant 0 : i32
      %sign3A_100 = arith.cmpi slt, %reduce_sum3A_39, %sign3A_99 : i32
      %sign3A_101 = arith.extui %sign3A_100 : i1 to i32
      %sign3A_102 = arith.subi %sign3A_98, %sign3A_101 : i32
      %sign3A_103 = arith.constant 0 : i32
      %sign3A_104 = arith.cmpi sgt, %jit3A_94, %sign3A_103 : i32
      %sign3A_105 = arith.extui %sign3A_104 : i1 to i32
      %sign3A_106 = arith.constant 0 : i32
      %sign3A_107 = arith.cmpi slt, %jit3A_94, %sign3A_106 : i32
      %sign3A_108 = arith.extui %sign3A_107 : i1 to i32
      %sign3A_109 = arith.subi %sign3A_105, %sign3A_108 : i32
      %ne3A_110 = arith.cmpi ne, %sign3A_102, %sign3A_109 : i32
      %rem3A_111 = arith.remsi %reduce_sum3A_39, %jit3A_94 : i32
      %ne3A_112 = arith.constant 0 : i32
      %ne3A_113 = arith.cmpi ne, %rem3A_111, %ne3A_112 : i32
      %and3A_114 = arith.andi %ne3A_110, %ne3A_113 : i1
      %sub3A_115 = arith.constant 1 : i32
      %sub3A_116 = arith.subi %div3A_95, %sub3A_115 : i32
      %select_n3A_117 = arith.select %and3A_114, %sub3A_116, %div3A_95 : i32
      %mul3A_118 = arith.constant 128 : i32
      %mul3A_119 = arith.muli %select_n3A_117, %mul3A_118 : i32
      %multiple_of3A_120 = tpu.assume_multiple %mul3A_119, 128 : i32
      %dma_start3A_121 = arith.constant 1 : i32
      %dma_start3A_122 = arith.constant 0 : i32
      %dma_start3A_123 = arith.constant 0 : i32
      %dma_start3A_124 = tpu.memref_slice %arg6[%dma_start3A_121, %dma_start3A_122, %dma_start3A_123] : memref<4x32x128xf32, #tpu.memory_space<vmem>> -> memref<1x32x128xf32, #tpu.memory_space<vmem>>
      %dma_start3A_125 = tpu.memref_squeeze %dma_start3A_124 : memref<1x32x128xf32, #tpu.memory_space<vmem>> -> memref<32x128xf32, #tpu.memory_space<vmem>>
      %dma_start3A_126 = tpu.memref_slice %arg3[%multiple_of3A, %multiple_of3A_120] : memref<64x1000000xf32, #tpu.memory_space<hbm>> -> memref<32x128xf32, #tpu.memory_space<hbm>>
      %dma_start3A_127 = arith.constant 0 : i32
      %dma_start3A_128 = arith.constant 0 : i32
      %dma_start3A_129 = tpu.memref_slice %arg6[%dma_start3A_121, %dma_start3A_127, %dma_start3A_128] : memref<4x32x128xf32, #tpu.memory_space<vmem>> -> memref<1x32x128xf32, #tpu.memory_space<vmem>>
      %dma_start3A_130 = tpu.memref_squeeze %dma_start3A_129 : memref<1x32x128xf32, #tpu.memory_space<vmem>> -> memref<32x128xf32, #tpu.memory_space<vmem>>
      %dma_start3A_131 = tpu.memref_slice %arg3[%multiple_of3A, %multiple_of3A_120] : memref<64x1000000xf32, #tpu.memory_space<hbm>> -> memref<32x128xf32, #tpu.memory_space<hbm>>
      tpu.enqueue_dma source(%dma_start3A_131 : memref<32x128xf32, #tpu.memory_space<hbm>>) target(%dma_start3A_130 : memref<32x128xf32, #tpu.memory_space<vmem>>) target_semaphore(%arg9 : memref<!tpu.dma_semaphore, #tpu.memory_space<semaphore_mem>>)
      %jit3A_132 = arith.constant 128 : i32
      %div3A_133 = arith.divsi %reduce_sum3A_49, %jit3A_132 : i32
      %sign3A_134 = arith.constant 0 : i32
      %sign3A_135 = arith.cmpi sgt, %reduce_sum3A_49, %sign3A_134 : i32
      %sign3A_136 = arith.extui %sign3A_135 : i1 to i32
      %sign3A_137 = arith.constant 0 : i32
      %sign3A_138 = arith.cmpi slt, %reduce_sum3A_49, %sign3A_137 : i32
      %sign3A_139 = arith.extui %sign3A_138 : i1 to i32
      %sign3A_140 = arith.subi %sign3A_136, %sign3A_139 : i32
      %sign3A_141 = arith.constant 0 : i32
      %sign3A_142 = arith.cmpi sgt, %jit3A_132, %sign3A_141 : i32
      %sign3A_143 = arith.extui %sign3A_142 : i1 to i32
      %sign3A_144 = arith.constant 0 : i32
      %sign3A_145 = arith.cmpi slt, %jit3A_132, %sign3A_144 : i32
      %sign3A_146 = arith.extui %sign3A_145 : i1 to i32
      %sign3A_147 = arith.subi %sign3A_143, %sign3A_146 : i32
      %ne3A_148 = arith.cmpi ne, %sign3A_140, %sign3A_147 : i32
      %rem3A_149 = arith.remsi %reduce_sum3A_49, %jit3A_132 : i32
      %ne3A_150 = arith.constant 0 : i32
      %ne3A_151 = arith.cmpi ne, %rem3A_149, %ne3A_150 : i32
      %and3A_152 = arith.andi %ne3A_148, %ne3A_151 : i1
      %sub3A_153 = arith.constant 1 : i32
      %sub3A_154 = arith.subi %div3A_133, %sub3A_153 : i32
      %select_n3A_155 = arith.select %and3A_152, %sub3A_154, %div3A_133 : i32
      %mul3A_156 = arith.constant 128 : i32
      %mul3A_157 = arith.muli %select_n3A_155, %mul3A_156 : i32
      %multiple_of3A_158 = tpu.assume_multiple %mul3A_157, 128 : i32
      %dma_start3A_159 = arith.constant 2 : i32
      %dma_start3A_160 = arith.constant 0 : i32
      %dma_start3A_161 = arith.constant 0 : i32
      %dma_start3A_162 = tpu.memref_slice %arg6[%dma_start3A_159, %dma_start3A_160, %dma_start3A_161] : memref<4x32x128xf32, #tpu.memory_space<vmem>> -> memref<1x32x128xf32, #tpu.memory_space<vmem>>
      %dma_start3A_163 = tpu.memref_squeeze %dma_start3A_162 : memref<1x32x128xf32, #tpu.memory_space<vmem>> -> memref<32x128xf32, #tpu.memory_space<vmem>>
      %dma_start3A_164 = tpu.memref_slice %arg3[%multiple_of3A, %multiple_of3A_158] : memref<64x1000000xf32, #tpu.memory_space<hbm>> -> memref<32x128xf32, #tpu.memory_space<hbm>>
      %dma_start3A_165 = arith.constant 0 : i32
      %dma_start3A_166 = arith.constant 0 : i32
      %dma_start3A_167 = tpu.memref_slice %arg6[%dma_start3A_159, %dma_start3A_165, %dma_start3A_166] : memref<4x32x128xf32, #tpu.memory_space<vmem>> -> memref<1x32x128xf32, #tpu.memory_space<vmem>>
      %dma_start3A_168 = tpu.memref_squeeze %dma_start3A_167 : memref<1x32x128xf32, #tpu.memory_space<vmem>> -> memref<32x128xf32, #tpu.memory_space<vmem>>
      %dma_start3A_169 = tpu.memref_slice %arg3[%multiple_of3A, %multiple_of3A_158] : memref<64x1000000xf32, #tpu.memory_space<hbm>> -> memref<32x128xf32, #tpu.memory_space<hbm>>
      tpu.enqueue_dma source(%dma_start3A_169 : memref<32x128xf32, #tpu.memory_space<hbm>>) target(%dma_start3A_168 : memref<32x128xf32, #tpu.memory_space<vmem>>) target_semaphore(%arg9 : memref<!tpu.dma_semaphore, #tpu.memory_space<semaphore_mem>>)
      %jit3A_170 = arith.constant 128 : i32
      %div3A_171 = arith.divsi %reduce_sum3A_59, %jit3A_170 : i32
      %sign3A_172 = arith.constant 0 : i32
      %sign3A_173 = arith.cmpi sgt, %reduce_sum3A_59, %sign3A_172 : i32
      %sign3A_174 = arith.extui %sign3A_173 : i1 to i32
      %sign3A_175 = arith.constant 0 : i32
      %sign3A_176 = arith.cmpi slt, %reduce_sum3A_59, %sign3A_175 : i32
      %sign3A_177 = arith.extui %sign3A_176 : i1 to i32
      %sign3A_178 = arith.subi %sign3A_174, %sign3A_177 : i32
      %sign3A_179 = arith.constant 0 : i32
      %sign3A_180 = arith.cmpi sgt, %jit3A_170, %sign3A_179 : i32
      %sign3A_181 = arith.extui %sign3A_180 : i1 to i32
      %sign3A_182 = arith.constant 0 : i32
      %sign3A_183 = arith.cmpi slt, %jit3A_170, %sign3A_182 : i32
      %sign3A_184 = arith.extui %sign3A_183 : i1 to i32
      %sign3A_185 = arith.subi %sign3A_181, %sign3A_184 : i32
      %ne3A_186 = arith.cmpi ne, %sign3A_178, %sign3A_185 : i32
      %rem3A_187 = arith.remsi %reduce_sum3A_59, %jit3A_170 : i32
      %ne3A_188 = arith.constant 0 : i32
      %ne3A_189 = arith.cmpi ne, %rem3A_187, %ne3A_188 : i32
      %and3A_190 = arith.andi %ne3A_186, %ne3A_189 : i1
      %sub3A_191 = arith.constant 1 : i32
      %sub3A_192 = arith.subi %div3A_171, %sub3A_191 : i32
      %select_n3A_193 = arith.select %and3A_190, %sub3A_192, %div3A_171 : i32
      %mul3A_194 = arith.constant 128 : i32
      %mul3A_195 = arith.muli %select_n3A_193, %mul3A_194 : i32
      %multiple_of3A_196 = tpu.assume_multiple %mul3A_195, 128 : i32
      %dma_start3A_197 = arith.constant 3 : i32
      %dma_start3A_198 = arith.constant 0 : i32
      %dma_start3A_199 = arith.constant 0 : i32
      %dma_start3A_200 = tpu.memref_slice %arg6[%dma_start3A_197, %dma_start3A_198, %dma_start3A_199] : memref<4x32x128xf32, #tpu.memory_space<vmem>> -> memref<1x32x128xf32, #tpu.memory_space<vmem>>
      %dma_start3A_201 = tpu.memref_squeeze %dma_start3A_200 : memref<1x32x128xf32, #tpu.memory_space<vmem>> -> memref<32x128xf32, #tpu.memory_space<vmem>>
      %dma_start3A_202 = tpu.memref_slice %arg3[%multiple_of3A, %multiple_of3A_196] : memref<64x1000000xf32, #tpu.memory_space<hbm>> -> memref<32x128xf32, #tpu.memory_space<hbm>>
      %dma_start3A_203 = arith.constant 0 : i32
      %dma_start3A_204 = arith.constant 0 : i32
      %dma_start3A_205 = tpu.memref_slice %arg6[%dma_start3A_197, %dma_start3A_203, %dma_start3A_204] : memref<4x32x128xf32, #tpu.memory_space<vmem>> -> memref<1x32x128xf32, #tpu.memory_space<vmem>>
      %dma_start3A_206 = tpu.memref_squeeze %dma_start3A_205 : memref<1x32x128xf32, #tpu.memory_space<vmem>> -> memref<32x128xf32, #tpu.memory_space<vmem>>
      %dma_start3A_207 = tpu.memref_slice %arg3[%multiple_of3A, %multiple_of3A_196] : memref<64x1000000xf32, #tpu.memory_space<hbm>> -> memref<32x128xf32, #tpu.memory_space<hbm>>
      tpu.enqueue_dma source(%dma_start3A_207 : memref<32x128xf32, #tpu.memory_space<hbm>>) target(%dma_start3A_206 : memref<32x128xf32, #tpu.memory_space<vmem>>) target_semaphore(%arg9 : memref<!tpu.dma_semaphore, #tpu.memory_space<semaphore_mem>>)
      %jit3A_208 = arith.constant 2 : i32
      %div3A_209 = arith.divsi %select_n3A_20, %jit3A_208 : i32
      %sign3A_210 = arith.constant 0 : i32
      %sign3A_211 = arith.cmpi sgt, %select_n3A_20, %sign3A_210 : i32
      %sign3A_212 = arith.extui %sign3A_211 : i1 to i32
      %sign3A_213 = arith.constant 0 : i32
      %sign3A_214 = arith.cmpi slt, %select_n3A_20, %sign3A_213 : i32
      %sign3A_215 = arith.extui %sign3A_214 : i1 to i32
      %sign3A_216 = arith.subi %sign3A_212, %sign3A_215 : i32
      %sign3A_217 = arith.constant 0 : i32
      %sign3A_218 = arith.cmpi sgt, %jit3A_208, %sign3A_217 : i32
      %sign3A_219 = arith.extui %sign3A_218 : i1 to i32
      %sign3A_220 = arith.constant 0 : i32
      %sign3A_221 = arith.cmpi slt, %jit3A_208, %sign3A_220 : i32
      %sign3A_222 = arith.extui %sign3A_221 : i1 to i32
      %sign3A_223 = arith.subi %sign3A_219, %sign3A_222 : i32
      %ne3A_224 = arith.cmpi ne, %sign3A_216, %sign3A_223 : i32
      %rem3A_225 = arith.remsi %select_n3A_20, %jit3A_208 : i32
      %ne3A_226 = arith.constant 0 : i32
      %ne3A_227 = arith.cmpi ne, %rem3A_225, %ne3A_226 : i32
      %and3A_228 = arith.andi %ne3A_224, %ne3A_227 : i1
      %sub3A_229 = arith.constant 1 : i32
      %sub3A_230 = arith.subi %div3A_209, %sub3A_229 : i32
      %select_n3A_231 = arith.select %and3A_228, %sub3A_230, %div3A_209 : i32
      %broadcast_in_dim3A_232 = arith.constant 0.000000e+00 : f32
      %broadcast_in_dim3A_233 = vector.broadcast %broadcast_in_dim3A_232 : f32 to vector<16xf32>
      %broadcast_in_dim3A_234 = arith.constant 0.000000e+00 : f32
      %broadcast_in_dim3A_235 = vector.broadcast %broadcast_in_dim3A_234 : f32 to vector<16xf32>
      %while3A = arith.constant 0 : i32
      %while3A_236 = arith.subi %select_n3A_231, %while3A : i32
      %while3A_237 = arith.addi %while3A, %while3A_236 : i32
      %while3A_238 = arith.constant 1 : i32
      %while3A_239 = arith.divsi %while3A_236, %while3A_238 : i32
      %while3A_240 = arith.muli %while3A_239, %while3A_238 : i32
      %while3A_241 = arith.addi %while3A, %while3A_240 : i32
      %while3A_242 = arith.constant 1 : i32
      %while3A_243:2 = scf.for %while3A_252 = %while3A to %while3A_241 step %while3A_242 iter_args(%while3A_253 = %broadcast_in_dim3A_233, %while3A_254 = %broadcast_in_dim3A_235) -> (vector<16xf32>, vector<16xf32>)  : i32 {
        %mul3A_255 = arith.constant 2 : i32
        %mul3A_256 = arith.muli %mul3A_255, %while3A_252 : i32
        %add3A_257 = arith.constant 1 : i32
        %add3A_258 = arith.addi %mul3A_256, %add3A_257 : i32
        %mul3A_259 = arith.constant 4 : i32
        %mul3A_260 = arith.muli %mul3A_259, %add3A_258 : i32
        %jit3A_261 = arith.constant 16 : i32
        %div3A_262 = arith.divsi %mul3A_260, %jit3A_261 : i32
        %sign3A_263 = arith.constant 0 : i32
        %sign3A_264 = arith.cmpi sgt, %mul3A_260, %sign3A_263 : i32
        %sign3A_265 = arith.extui %sign3A_264 : i1 to i32
        %sign3A_266 = arith.constant 0 : i32
        %sign3A_267 = arith.cmpi slt, %mul3A_260, %sign3A_266 : i32
        %sign3A_268 = arith.extui %sign3A_267 : i1 to i32
        %sign3A_269 = arith.subi %sign3A_265, %sign3A_268 : i32
        %sign3A_270 = arith.constant 0 : i32
        %sign3A_271 = arith.cmpi sgt, %jit3A_261, %sign3A_270 : i32
        %sign3A_272 = arith.extui %sign3A_271 : i1 to i32
        %sign3A_273 = arith.constant 0 : i32
        %sign3A_274 = arith.cmpi slt, %jit3A_261, %sign3A_273 : i32
        %sign3A_275 = arith.extui %sign3A_274 : i1 to i32
        %sign3A_276 = arith.subi %sign3A_272, %sign3A_275 : i32
        %ne3A_277 = arith.cmpi ne, %sign3A_269, %sign3A_276 : i32
        %rem3A_278 = arith.remsi %mul3A_260, %jit3A_261 : i32
        %ne3A_279 = arith.constant 0 : i32
        %ne3A_280 = arith.cmpi ne, %rem3A_278, %ne3A_279 : i32
        %and3A_281 = arith.andi %ne3A_277, %ne3A_280 : i1
        %sub3A_282 = arith.constant 1 : i32
        %sub3A_283 = arith.subi %div3A_262, %sub3A_282 : i32
        %select_n3A_284 = arith.select %and3A_281, %sub3A_283, %div3A_262 : i32
        %mul3A_285 = arith.constant 16 : i32
        %mul3A_286 = arith.muli %select_n3A_284, %mul3A_285 : i32
        %get3A_287 = arith.index_cast %mul3A_286 : i32 to index
        %get3A_288 = tpu.vector_load %arg5[%get3A_287] {strides = array<i32>} : memref<112xi32, #tpu.memory_space<vmem>>, vector<16xi32>,
        %mul3A_289 = arith.constant 4 : i32
        %mul3A_290 = arith.muli %mul3A_289, %add3A_258 : i32
        %jit3A_291 = arith.constant 16 : i32
        %eq3A_292 = arith.constant 0 : i32
        %eq3A_293 = arith.cmpi eq, %jit3A_291, %eq3A_292 : i32
        %jit3A_294 = arith.constant 1 : i32
        %select_n3A_295 = arith.select %eq3A_293, %jit3A_294, %jit3A_291 : i32
        %rem3A_296 = arith.remsi %mul3A_290, %select_n3A_295 : i32
        %ne3A_297 = arith.constant 0 : i32
        %ne3A_298 = arith.cmpi ne, %rem3A_296, %ne3A_297 : i32
        %lt3A_299 = arith.constant 0 : i32
        %lt3A_300 = arith.cmpi slt, %rem3A_296, %lt3A_299 : i32
        %lt3A_301 = arith.constant 0 : i32
        %lt3A_302 = arith.cmpi slt, %select_n3A_295, %lt3A_301 : i32
        %ne3A_303 = arith.xori %lt3A_300, %lt3A_302 : i1
        %and3A_304 = arith.andi %ne3A_303, %ne3A_298 : i1
        %add3A_305 = arith.addi %rem3A_296, %select_n3A_295 : i32
        %select_n3A_306 = arith.select %and3A_304, %add3A_305, %rem3A_296 : i32
        %add3A_307 = arith.constant 0 : i32
        %add3A_308 = arith.addi %select_n3A_306, %add3A_307 : i32
        %eq3A_309 = vector.broadcast %add3A_308 : i32 to vector<16xi32>
        %eq3A_310 = arith.cmpi eq, %iota3A, %eq3A_309 : vector<16xi32>
        %jit3A_311 = arith.constant 0 : i32
        %broadcast_in_dim3A_312 = vector.broadcast %jit3A_311 : i32 to vector<16xi32>
        %select_n3A_313 = arith.select %eq3A_310, %get3A_288, %broadcast_in_dim3A_312 : vector<16xi1>, vector<16xi32>
        %reduce_sum3A_314 = arith.constant true
        %reduce_sum3A_315 = vector.broadcast %reduce_sum3A_314 : i1 to vector<16xi1>
        %reduce_sum3A_316 = tpu.scan <sum>, %select_n3A_313 masked %reduce_sum3A_315 : vector<16xi32>, vector<16xi1> -> vector<16xi32>
        %reduce_sum3A_317 = vector.extract %reduce_sum3A_316[15] : i32 from vector<16xi32>
        %add3A_318 = arith.constant 1 : i32
        %add3A_319 = arith.addi %select_n3A_306, %add3A_318 : i32
        %eq3A_320 = vector.broadcast %add3A_319 : i32 to vector<16xi32>
        %eq3A_321 = arith.cmpi eq, %iota3A, %eq3A_320 : vector<16xi32>
        %jit3A_322 = arith.constant 0 : i32
        %broadcast_in_dim3A_323 = vector.broadcast %jit3A_322 : i32 to vector<16xi32>
        %select_n3A_324 = arith.select %eq3A_321, %get3A_288, %broadcast_in_dim3A_323 : vector<16xi1>, vector<16xi32>
        %reduce_sum3A_325 = arith.constant true
        %reduce_sum3A_326 = vector.broadcast %reduce_sum3A_325 : i1 to vector<16xi1>
        %reduce_sum3A_327 = tpu.scan <sum>, %select_n3A_324 masked %reduce_sum3A_326 : vector<16xi32>, vector<16xi1> -> vector<16xi32>
        %reduce_sum3A_328 = vector.extract %reduce_sum3A_327[15] : i32 from vector<16xi32>
        %add3A_329 = arith.constant 2 : i32
        %add3A_330 = arith.addi %select_n3A_306, %add3A_329 : i32
        %eq3A_331 = vector.broadcast %add3A_330 : i32 to vector<16xi32>
        %eq3A_332 = arith.cmpi eq, %iota3A, %eq3A_331 : vector<16xi32>
        %jit3A_333 = arith.constant 0 : i32
        %broadcast_in_dim3A_334 = vector.broadcast %jit3A_333 : i32 to vector<16xi32>
        %select_n3A_335 = arith.select %eq3A_332, %get3A_288, %broadcast_in_dim3A_334 : vector<16xi1>, vector<16xi32>
        %reduce_sum3A_336 = arith.constant true
        %reduce_sum3A_337 = vector.broadcast %reduce_sum3A_336 : i1 to vector<16xi1>
        %reduce_sum3A_338 = tpu.scan <sum>, %select_n3A_335 masked %reduce_sum3A_337 : vector<16xi32>, vector<16xi1> -> vector<16xi32>
        %reduce_sum3A_339 = vector.extract %reduce_sum3A_338[15] : i32 from vector<16xi32>
        %add3A_340 = arith.constant 3 : i32
        %add3A_341 = arith.addi %select_n3A_306, %add3A_340 : i32
        %eq3A_342 = vector.broadcast %add3A_341 : i32 to vector<16xi32>
        %eq3A_343 = arith.cmpi eq, %iota3A, %eq3A_342 : vector<16xi32>
        %jit3A_344 = arith.constant 0 : i32
        %broadcast_in_dim3A_345 = vector.broadcast %jit3A_344 : i32 to vector<16xi32>
        %select_n3A_346 = arith.select %eq3A_343, %get3A_288, %broadcast_in_dim3A_345 : vector<16xi1>, vector<16xi32>
        %reduce_sum3A_347 = arith.constant true
        %reduce_sum3A_348 = vector.broadcast %reduce_sum3A_347 : i1 to vector<16xi1>
        %reduce_sum3A_349 = tpu.scan <sum>, %select_n3A_346 masked %reduce_sum3A_348 : vector<16xi32>, vector<16xi1> -> vector<16xi32>
        %reduce_sum3A_350 = vector.extract %reduce_sum3A_349[15] : i32 from vector<16xi32>
        %jit3A_351 = arith.constant 128 : i32
        %div3A_352 = arith.divsi %reduce_sum3A_317, %jit3A_351 : i32
        %sign3A_353 = arith.constant 0 : i32
        %sign3A_354 = arith.cmpi sgt, %reduce_sum3A_317, %sign3A_353 : i32
        %sign3A_355 = arith.extui %sign3A_354 : i1 to i32
        %sign3A_356 = arith.constant 0 : i32
        %sign3A_357 = arith.cmpi slt, %reduce_sum3A_317, %sign3A_356 : i32
        %sign3A_358 = arith.extui %sign3A_357 : i1 to i32
        %sign3A_359 = arith.subi %sign3A_355, %sign3A_358 : i32
        %sign3A_360 = arith.constant 0 : i32
        %sign3A_361 = arith.cmpi sgt, %jit3A_351, %sign3A_360 : i32
        %sign3A_362 = arith.extui %sign3A_361 : i1 to i32
        %sign3A_363 = arith.constant 0 : i32
        %sign3A_364 = arith.cmpi slt, %jit3A_351, %sign3A_363 : i32
        %sign3A_365 = arith.extui %sign3A_364 : i1 to i32
        %sign3A_366 = arith.subi %sign3A_362, %sign3A_365 : i32
        %ne3A_367 = arith.cmpi ne, %sign3A_359, %sign3A_366 : i32
        %rem3A_368 = arith.remsi %reduce_sum3A_317, %jit3A_351 : i32
        %ne3A_369 = arith.constant 0 : i32
        %ne3A_370 = arith.cmpi ne, %rem3A_368, %ne3A_369 : i32
        %and3A_371 = arith.andi %ne3A_367, %ne3A_370 : i1
        %sub3A_372 = arith.constant 1 : i32
        %sub3A_373 = arith.subi %div3A_352, %sub3A_372 : i32
        %select_n3A_374 = arith.select %and3A_371, %sub3A_373, %div3A_352 : i32
        %mul3A_375 = arith.constant 128 : i32
        %mul3A_376 = arith.muli %select_n3A_374, %mul3A_375 : i32
        %multiple_of3A_377 = tpu.assume_multiple %mul3A_376, 128 : i32
        %dma_start3A_378 = arith.constant 0 : i32
        %dma_start3A_379 = arith.constant 0 : i32
        %dma_start3A_380 = arith.constant 0 : i32
        %dma_start3A_381 = tpu.memref_slice %arg7[%dma_start3A_378, %dma_start3A_379, %dma_start3A_380] : memref<4x32x128xf32, #tpu.memory_space<vmem>> -> memref<1x32x128xf32, #tpu.memory_space<vmem>>
        %dma_start3A_382 = tpu.memref_squeeze %dma_start3A_381 : memref<1x32x128xf32, #tpu.memory_space<vmem>> -> memref<32x128xf32, #tpu.memory_space<vmem>>
        %dma_start3A_383 = tpu.memref_slice %arg3[%multiple_of3A, %multiple_of3A_377] : memref<64x1000000xf32, #tpu.memory_space<hbm>> -> memref<32x128xf32, #tpu.memory_space<hbm>>
        %dma_start3A_384 = arith.constant 0 : i32
        %dma_start3A_385 = arith.constant 0 : i32
        %dma_start3A_386 = tpu.memref_slice %arg7[%dma_start3A_378, %dma_start3A_384, %dma_start3A_385] : memref<4x32x128xf32, #tpu.memory_space<vmem>> -> memref<1x32x128xf32, #tpu.memory_space<vmem>>
        %dma_start3A_387 = tpu.memref_squeeze %dma_start3A_386 : memref<1x32x128xf32, #tpu.memory_space<vmem>> -> memref<32x128xf32, #tpu.memory_space<vmem>>
        %dma_start3A_388 = tpu.memref_slice %arg3[%multiple_of3A, %multiple_of3A_377] : memref<64x1000000xf32, #tpu.memory_space<hbm>> -> memref<32x128xf32, #tpu.memory_space<hbm>>
        tpu.enqueue_dma source(%dma_start3A_388 : memref<32x128xf32, #tpu.memory_space<hbm>>) target(%dma_start3A_387 : memref<32x128xf32, #tpu.memory_space<vmem>>) target_semaphore(%arg10 : memref<!tpu.dma_semaphore, #tpu.memory_space<semaphore_mem>>)
        %jit3A_389 = arith.constant 128 : i32
        %div3A_390 = arith.divsi %reduce_sum3A_328, %jit3A_389 : i32
        %sign3A_391 = arith.constant 0 : i32
        %sign3A_392 = arith.cmpi sgt, %reduce_sum3A_328, %sign3A_391 : i32
        %sign3A_393 = arith.extui %sign3A_392 : i1 to i32
        %sign3A_394 = arith.constant 0 : i32
        %sign3A_395 = arith.cmpi slt, %reduce_sum3A_328, %sign3A_394 : i32
        %sign3A_396 = arith.extui %sign3A_395 : i1 to i32
        %sign3A_397 = arith.subi %sign3A_393, %sign3A_396 : i32
        %sign3A_398 = arith.constant 0 : i32
        %sign3A_399 = arith.cmpi sgt, %jit3A_389, %sign3A_398 : i32
        %sign3A_400 = arith.extui %sign3A_399 : i1 to i32
        %sign3A_401 = arith.constant 0 : i32
        %sign3A_402 = arith.cmpi slt, %jit3A_389, %sign3A_401 : i32
        %sign3A_403 = arith.extui %sign3A_402 : i1 to i32
        %sign3A_404 = arith.subi %sign3A_400, %sign3A_403 : i32
        %ne3A_405 = arith.cmpi ne, %sign3A_397, %sign3A_404 : i32
        %rem3A_406 = arith.remsi %reduce_sum3A_328, %jit3A_389 : i32
        %ne3A_407 = arith.constant 0 : i32
        %ne3A_408 = arith.cmpi ne, %rem3A_406, %ne3A_407 : i32
        %and3A_409 = arith.andi %ne3A_405, %ne3A_408 : i1
        %sub3A_410 = arith.constant 1 : i32
        %sub3A_411 = arith.subi %div3A_390, %sub3A_410 : i32
        %select_n3A_412 = arith.select %and3A_409, %sub3A_411, %div3A_390 : i32
        %mul3A_413 = arith.constant 128 : i32
        %mul3A_414 = arith.muli %select_n3A_412, %mul3A_413 : i32
        %multiple_of3A_415 = tpu.assume_multiple %mul3A_414, 128 : i32
        %dma_start3A_416 = arith.constant 1 : i32
        %dma_start3A_417 = arith.constant 0 : i32
        %dma_start3A_418 = arith.constant 0 : i32
        %dma_start3A_419 = tpu.memref_slice %arg7[%dma_start3A_416, %dma_start3A_417, %dma_start3A_418] : memref<4x32x128xf32, #tpu.memory_space<vmem>> -> memref<1x32x128xf32, #tpu.memory_space<vmem>>
        %dma_start3A_420 = tpu.memref_squeeze %dma_start3A_419 : memref<1x32x128xf32, #tpu.memory_space<vmem>> -> memref<32x128xf32, #tpu.memory_space<vmem>>
        %dma_start3A_421 = tpu.memref_slice %arg3[%multiple_of3A, %multiple_of3A_415] : memref<64x1000000xf32, #tpu.memory_space<hbm>> -> memref<32x128xf32, #tpu.memory_space<hbm>>
        %dma_start3A_422 = arith.constant 0 : i32
        %dma_start3A_423 = arith.constant 0 : i32
        %dma_start3A_424 = tpu.memref_slice %arg7[%dma_start3A_416, %dma_start3A_422, %dma_start3A_423] : memref<4x32x128xf32, #tpu.memory_space<vmem>> -> memref<1x32x128xf32, #tpu.memory_space<vmem>>
        %dma_start3A_425 = tpu.memref_squeeze %dma_start3A_424 : memref<1x32x128xf32, #tpu.memory_space<vmem>> -> memref<32x128xf32, #tpu.memory_space<vmem>>
        %dma_start3A_426 = tpu.memref_slice %arg3[%multiple_of3A, %multiple_of3A_415] : memref<64x1000000xf32, #tpu.memory_space<hbm>> -> memref<32x128xf32, #tpu.memory_space<hbm>>
        tpu.enqueue_dma source(%dma_start3A_426 : memref<32x128xf32, #tpu.memory_space<hbm>>) target(%dma_start3A_425 : memref<32x128xf32, #tpu.memory_space<vmem>>) target_semaphore(%arg10 : memref<!tpu.dma_semaphore, #tpu.memory_space<semaphore_mem>>)
        %jit3A_427 = arith.constant 128 : i32
        %div3A_428 = arith.divsi %reduce_sum3A_339, %jit3A_427 : i32
        %sign3A_429 = arith.constant 0 : i32
        %sign3A_430 = arith.cmpi sgt, %reduce_sum3A_339, %sign3A_429 : i32
        %sign3A_431 = arith.extui %sign3A_430 : i1 to i32
        %sign3A_432 = arith.constant 0 : i32
        %sign3A_433 = arith.cmpi slt, %reduce_sum3A_339, %sign3A_432 : i32
        %sign3A_434 = arith.extui %sign3A_433 : i1 to i32
        %sign3A_435 = arith.subi %sign3A_431, %sign3A_434 : i32
        %sign3A_436 = arith.constant 0 : i32
        %sign3A_437 = arith.cmpi sgt, %jit3A_427, %sign3A_436 : i32
        %sign3A_438 = arith.extui %sign3A_437 : i1 to i32
        %sign3A_439 = arith.constant 0 : i32
        %sign3A_440 = arith.cmpi slt, %jit3A_427, %sign3A_439 : i32
        %sign3A_441 = arith.extui %sign3A_440 : i1 to i32
        %sign3A_442 = arith.subi %sign3A_438, %sign3A_441 : i32
        %ne3A_443 = arith.cmpi ne, %sign3A_435, %sign3A_442 : i32
        %rem3A_444 = arith.remsi %reduce_sum3A_339, %jit3A_427 : i32
        %ne3A_445 = arith.constant 0 : i32
        %ne3A_446 = arith.cmpi ne, %rem3A_444, %ne3A_445 : i32
        %and3A_447 = arith.andi %ne3A_443, %ne3A_446 : i1
        %sub3A_448 = arith.constant 1 : i32
        %sub3A_449 = arith.subi %div3A_428, %sub3A_448 : i32
        %select_n3A_450 = arith.select %and3A_447, %sub3A_449, %div3A_428 : i32
        %mul3A_451 = arith.constant 128 : i32
        %mul3A_452 = arith.muli %select_n3A_450, %mul3A_451 : i32
        %multiple_of3A_453 = tpu.assume_multiple %mul3A_452, 128 : i32
        %dma_start3A_454 = arith.constant 2 : i32
        %dma_start3A_455 = arith.constant 0 : i32
        %dma_start3A_456 = arith.constant 0 : i32
        %dma_start3A_457 = tpu.memref_slice %arg7[%dma_start3A_454, %dma_start3A_455, %dma_start3A_456] : memref<4x32x128xf32, #tpu.memory_space<vmem>> -> memref<1x32x128xf32, #tpu.memory_space<vmem>>
        %dma_start3A_458 = tpu.memref_squeeze %dma_start3A_457 : memref<1x32x128xf32, #tpu.memory_space<vmem>> -> memref<32x128xf32, #tpu.memory_space<vmem>>
        %dma_start3A_459 = tpu.memref_slice %arg3[%multiple_of3A, %multiple_of3A_453] : memref<64x1000000xf32, #tpu.memory_space<hbm>> -> memref<32x128xf32, #tpu.memory_space<hbm>>
        %dma_start3A_460 = arith.constant 0 : i32
        %dma_start3A_461 = arith.constant 0 : i32
        %dma_start3A_462 = tpu.memref_slice %arg7[%dma_start3A_454, %dma_start3A_460, %dma_start3A_461] : memref<4x32x128xf32, #tpu.memory_space<vmem>> -> memref<1x32x128xf32, #tpu.memory_space<vmem>>
        %dma_start3A_463 = tpu.memref_squeeze %dma_start3A_462 : memref<1x32x128xf32, #tpu.memory_space<vmem>> -> memref<32x128xf32, #tpu.memory_space<vmem>>
        %dma_start3A_464 = tpu.memref_slice %arg3[%multiple_of3A, %multiple_of3A_453] : memref<64x1000000xf32, #tpu.memory_space<hbm>> -> memref<32x128xf32, #tpu.memory_space<hbm>>
        tpu.enqueue_dma source(%dma_start3A_464 : memref<32x128xf32, #tpu.memory_space<hbm>>) target(%dma_start3A_463 : memref<32x128xf32, #tpu.memory_space<vmem>>) target_semaphore(%arg10 : memref<!tpu.dma_semaphore, #tpu.memory_space<semaphore_mem>>)
        %jit3A_465 = arith.constant 128 : i32
        %div3A_466 = arith.divsi %reduce_sum3A_350, %jit3A_465 : i32
        %sign3A_467 = arith.constant 0 : i32
        %sign3A_468 = arith.cmpi sgt, %reduce_sum3A_350, %sign3A_467 : i32
        %sign3A_469 = arith.extui %sign3A_468 : i1 to i32
        %sign3A_470 = arith.constant 0 : i32
        %sign3A_471 = arith.cmpi slt, %reduce_sum3A_350, %sign3A_470 : i32
        %sign3A_472 = arith.extui %sign3A_471 : i1 to i32
        %sign3A_473 = arith.subi %sign3A_469, %sign3A_472 : i32
        %sign3A_474 = arith.constant 0 : i32
        %sign3A_475 = arith.cmpi sgt, %jit3A_465, %sign3A_474 : i32
        %sign3A_476 = arith.extui %sign3A_475 : i1 to i32
        %sign3A_477 = arith.constant 0 : i32
        %sign3A_478 = arith.cmpi slt, %jit3A_465, %sign3A_477 : i32
        %sign3A_479 = arith.extui %sign3A_478 : i1 to i32
        %sign3A_480 = arith.subi %sign3A_476, %sign3A_479 : i32
        %ne3A_481 = arith.cmpi ne, %sign3A_473, %sign3A_480 : i32
        %rem3A_482 = arith.remsi %reduce_sum3A_350, %jit3A_465 : i32
        %ne3A_483 = arith.constant 0 : i32
        %ne3A_484 = arith.cmpi ne, %rem3A_482, %ne3A_483 : i32
        %and3A_485 = arith.andi %ne3A_481, %ne3A_484 : i1
        %sub3A_486 = arith.constant 1 : i32
        %sub3A_487 = arith.subi %div3A_466, %sub3A_486 : i32
        %select_n3A_488 = arith.select %and3A_485, %sub3A_487, %div3A_466 : i32
        %mul3A_489 = arith.constant 128 : i32
        %mul3A_490 = arith.muli %select_n3A_488, %mul3A_489 : i32
        %multiple_of3A_491 = tpu.assume_multiple %mul3A_490, 128 : i32
        %dma_start3A_492 = arith.constant 3 : i32
        %dma_start3A_493 = arith.constant 0 : i32
        %dma_start3A_494 = arith.constant 0 : i32
        %dma_start3A_495 = tpu.memref_slice %arg7[%dma_start3A_492, %dma_start3A_493, %dma_start3A_494] : memref<4x32x128xf32, #tpu.memory_space<vmem>> -> memref<1x32x128xf32, #tpu.memory_space<vmem>>
        %dma_start3A_496 = tpu.memref_squeeze %dma_start3A_495 : memref<1x32x128xf32, #tpu.memory_space<vmem>> -> memref<32x128xf32, #tpu.memory_space<vmem>>
        %dma_start3A_497 = tpu.memref_slice %arg3[%multiple_of3A, %multiple_of3A_491] : memref<64x1000000xf32, #tpu.memory_space<hbm>> -> memref<32x128xf32, #tpu.memory_space<hbm>>
        %dma_start3A_498 = arith.constant 0 : i32
        %dma_start3A_499 = arith.constant 0 : i32
        %dma_start3A_500 = tpu.memref_slice %arg7[%dma_start3A_492, %dma_start3A_498, %dma_start3A_499] : memref<4x32x128xf32, #tpu.memory_space<vmem>> -> memref<1x32x128xf32, #tpu.memory_space<vmem>>
        %dma_start3A_501 = tpu.memref_squeeze %dma_start3A_500 : memref<1x32x128xf32, #tpu.memory_space<vmem>> -> memref<32x128xf32, #tpu.memory_space<vmem>>
        %dma_start3A_502 = tpu.memref_slice %arg3[%multiple_of3A, %multiple_of3A_491] : memref<64x1000000xf32, #tpu.memory_space<hbm>> -> memref<32x128xf32, #tpu.memory_space<hbm>>
        tpu.enqueue_dma source(%dma_start3A_502 : memref<32x128xf32, #tpu.memory_space<hbm>>) target(%dma_start3A_501 : memref<32x128xf32, #tpu.memory_space<vmem>>) target_semaphore(%arg10 : memref<!tpu.dma_semaphore, #tpu.memory_space<semaphore_mem>>)
        %dma_wait3A = arith.constant 0 : i32
        %dma_wait3A_503 = arith.constant 0 : i32
        %dma_wait3A_504 = arith.constant 0 : i32
        %dma_wait3A_505 = tpu.memref_slice %arg6[%dma_wait3A, %dma_wait3A_503, %dma_wait3A_504] : memref<4x32x128xf32, #tpu.memory_space<vmem>> -> memref<1x32x128xf32, #tpu.memory_space<vmem>>
        %dma_wait3A_506 = tpu.memref_squeeze %dma_wait3A_505 : memref<1x32x128xf32, #tpu.memory_space<vmem>> -> memref<32x128xf32, #tpu.memory_space<vmem>>
        %dma_wait3A_507 = arith.constant 0 : i32
        %dma_wait3A_508 = arith.constant 0 : i32
        %dma_wait3A_509 = tpu.memref_slice %arg3[%dma_wait3A_507, %dma_wait3A_508] : memref<64x1000000xf32, #tpu.memory_space<hbm>> -> memref<32x128xf32, #tpu.memory_space<hbm>>
        %dma_wait3A_510 = arith.constant 0 : i32
        %dma_wait3A_511 = arith.constant 0 : i32
        %dma_wait3A_512 = tpu.memref_slice %arg6[%dma_wait3A, %dma_wait3A_510, %dma_wait3A_511] : memref<4x32x128xf32, #tpu.memory_space<vmem>> -> memref<1x32x128xf32, #tpu.memory_space<vmem>>
        %dma_wait3A_513 = tpu.memref_squeeze %dma_wait3A_512 : memref<1x32x128xf32, #tpu.memory_space<vmem>> -> memref<32x128xf32, #tpu.memory_space<vmem>>
        %dma_wait3A_514 = arith.constant 0 : i32
        %dma_wait3A_515 = arith.constant 0 : i32
        %dma_wait3A_516 = tpu.memref_slice %arg3[%dma_wait3A_514, %dma_wait3A_515] : memref<64x1000000xf32, #tpu.memory_space<hbm>> -> memref<32x128xf32, #tpu.memory_space<hbm>>
        tpu.wait_dma2 semaphore(%arg9 : memref<!tpu.dma_semaphore, #tpu.memory_space<semaphore_mem>>) src(%dma_wait3A_516 : memref<32x128xf32, #tpu.memory_space<hbm>>) dst(%dma_wait3A_513 : memref<32x128xf32, #tpu.memory_space<vmem>>)
        %dma_wait3A_517 = arith.constant 1 : i32
        %dma_wait3A_518 = arith.constant 0 : i32
        %dma_wait3A_519 = arith.constant 0 : i32
        %dma_wait3A_520 = tpu.memref_slice %arg6[%dma_wait3A_517, %dma_wait3A_518, %dma_wait3A_519] : memref<4x32x128xf32, #tpu.memory_space<vmem>> -> memref<1x32x128xf32, #tpu.memory_space<vmem>>
        %dma_wait3A_521 = tpu.memref_squeeze %dma_wait3A_520 : memref<1x32x128xf32, #tpu.memory_space<vmem>> -> memref<32x128xf32, #tpu.memory_space<vmem>>
        %dma_wait3A_522 = arith.constant 0 : i32
        %dma_wait3A_523 = arith.constant 0 : i32
        %dma_wait3A_524 = tpu.memref_slice %arg3[%dma_wait3A_522, %dma_wait3A_523] : memref<64x1000000xf32, #tpu.memory_space<hbm>> -> memref<32x128xf32, #tpu.memory_space<hbm>>
        %dma_wait3A_525 = arith.constant 0 : i32
        %dma_wait3A_526 = arith.constant 0 : i32
        %dma_wait3A_527 = tpu.memref_slice %arg6[%dma_wait3A_517, %dma_wait3A_525, %dma_wait3A_526] : memref<4x32x128xf32, #tpu.memory_space<vmem>> -> memref<1x32x128xf32, #tpu.memory_space<vmem>>
        %dma_wait3A_528 = tpu.memref_squeeze %dma_wait3A_527 : memref<1x32x128xf32, #tpu.memory_space<vmem>> -> memref<32x128xf32, #tpu.memory_space<vmem>>
        %dma_wait3A_529 = arith.constant 0 : i32
        %dma_wait3A_530 = arith.constant 0 : i32
        %dma_wait3A_531 = tpu.memref_slice %arg3[%dma_wait3A_529, %dma_wait3A_530] : memref<64x1000000xf32, #tpu.memory_space<hbm>> -> memref<32x128xf32, #tpu.memory_space<hbm>>
        tpu.wait_dma2 semaphore(%arg9 : memref<!tpu.dma_semaphore, #tpu.memory_space<semaphore_mem>>) src(%dma_wait3A_531 : memref<32x128xf32, #tpu.memory_space<hbm>>) dst(%dma_wait3A_528 : memref<32x128xf32, #tpu.memory_space<vmem>>)
        %dma_wait3A_532 = arith.constant 2 : i32
        %dma_wait3A_533 = arith.constant 0 : i32
        %dma_wait3A_534 = arith.constant 0 : i32
        %dma_wait3A_535 = tpu.memref_slice %arg6[%dma_wait3A_532, %dma_wait3A_533, %dma_wait3A_534] : memref<4x32x128xf32, #tpu.memory_space<vmem>> -> memref<1x32x128xf32, #tpu.memory_space<vmem>>
        %dma_wait3A_536 = tpu.memref_squeeze %dma_wait3A_535 : memref<1x32x128xf32, #tpu.memory_space<vmem>> -> memref<32x128xf32, #tpu.memory_space<vmem>>
        %dma_wait3A_537 = arith.constant 0 : i32
        %dma_wait3A_538 = arith.constant 0 : i32
        %dma_wait3A_539 = tpu.memref_slice %arg3[%dma_wait3A_537, %dma_wait3A_538] : memref<64x1000000xf32, #tpu.memory_space<hbm>> -> memref<32x128xf32, #tpu.memory_space<hbm>>
        %dma_wait3A_540 = arith.constant 0 : i32
        %dma_wait3A_541 = arith.constant 0 : i32
        %dma_wait3A_542 = tpu.memref_slice %arg6[%dma_wait3A_532, %dma_wait3A_540, %dma_wait3A_541] : memref<4x32x128xf32, #tpu.memory_space<vmem>> -> memref<1x32x128xf32, #tpu.memory_space<vmem>>
        %dma_wait3A_543 = tpu.memref_squeeze %dma_wait3A_542 : memref<1x32x128xf32, #tpu.memory_space<vmem>> -> memref<32x128xf32, #tpu.memory_space<vmem>>
        %dma_wait3A_544 = arith.constant 0 : i32
        %dma_wait3A_545 = arith.constant 0 : i32
        %dma_wait3A_546 = tpu.memref_slice %arg3[%dma_wait3A_544, %dma_wait3A_545] : memref<64x1000000xf32, #tpu.memory_space<hbm>> -> memref<32x128xf32, #tpu.memory_space<hbm>>
        tpu.wait_dma2 semaphore(%arg9 : memref<!tpu.dma_semaphore, #tpu.memory_space<semaphore_mem>>) src(%dma_wait3A_546 : memref<32x128xf32, #tpu.memory_space<hbm>>) dst(%dma_wait3A_543 : memref<32x128xf32, #tpu.memory_space<vmem>>)
        %dma_wait3A_547 = arith.constant 3 : i32
        %dma_wait3A_548 = arith.constant 0 : i32
        %dma_wait3A_549 = arith.constant 0 : i32
        %dma_wait3A_550 = tpu.memref_slice %arg6[%dma_wait3A_547, %dma_wait3A_548, %dma_wait3A_549] : memref<4x32x128xf32, #tpu.memory_space<vmem>> -> memref<1x32x128xf32, #tpu.memory_space<vmem>>
        %dma_wait3A_551 = tpu.memref_squeeze %dma_wait3A_550 : memref<1x32x128xf32, #tpu.memory_space<vmem>> -> memref<32x128xf32, #tpu.memory_space<vmem>>
        %dma_wait3A_552 = arith.constant 0 : i32
        %dma_wait3A_553 = arith.constant 0 : i32
        %dma_wait3A_554 = tpu.memref_slice %arg3[%dma_wait3A_552, %dma_wait3A_553] : memref<64x1000000xf32, #tpu.memory_space<hbm>> -> memref<32x128xf32, #tpu.memory_space<hbm>>
        %dma_wait3A_555 = arith.constant 0 : i32
        %dma_wait3A_556 = arith.constant 0 : i32
        %dma_wait3A_557 = tpu.memref_slice %arg6[%dma_wait3A_547, %dma_wait3A_555, %dma_wait3A_556] : memref<4x32x128xf32, #tpu.memory_space<vmem>> -> memref<1x32x128xf32, #tpu.memory_space<vmem>>
        %dma_wait3A_558 = tpu.memref_squeeze %dma_wait3A_557 : memref<1x32x128xf32, #tpu.memory_space<vmem>> -> memref<32x128xf32, #tpu.memory_space<vmem>>
        %dma_wait3A_559 = arith.constant 0 : i32
        %dma_wait3A_560 = arith.constant 0 : i32
        %dma_wait3A_561 = tpu.memref_slice %arg3[%dma_wait3A_559, %dma_wait3A_560] : memref<64x1000000xf32, #tpu.memory_space<hbm>> -> memref<32x128xf32, #tpu.memory_space<hbm>>
        tpu.wait_dma2 semaphore(%arg9 : memref<!tpu.dma_semaphore, #tpu.memory_space<semaphore_mem>>) src(%dma_wait3A_561 : memref<32x128xf32, #tpu.memory_space<hbm>>) dst(%dma_wait3A_558 : memref<32x128xf32, #tpu.memory_space<vmem>>)
        %mul3A_562 = arith.constant 4 : i32
        %mul3A_563 = arith.muli %mul3A_562, %mul3A_256 : i32
        %jit3A_564 = arith.constant 16 : i32
        %div3A_565 = arith.divsi %mul3A_563, %jit3A_564 : i32
        %sign3A_566 = arith.constant 0 : i32
        %sign3A_567 = arith.cmpi sgt, %mul3A_563, %sign3A_566 : i32
        %sign3A_568 = arith.extui %sign3A_567 : i1 to i32
        %sign3A_569 = arith.constant 0 : i32
        %sign3A_570 = arith.cmpi slt, %mul3A_563, %sign3A_569 : i32
        %sign3A_571 = arith.extui %sign3A_570 : i1 to i32
        %sign3A_572 = arith.subi %sign3A_568, %sign3A_571 : i32
        %sign3A_573 = arith.constant 0 : i32
        %sign3A_574 = arith.cmpi sgt, %jit3A_564, %sign3A_573 : i32
        %sign3A_575 = arith.extui %sign3A_574 : i1 to i32
        %sign3A_576 = arith.constant 0 : i32
        %sign3A_577 = arith.cmpi slt, %jit3A_564, %sign3A_576 : i32
        %sign3A_578 = arith.extui %sign3A_577 : i1 to i32
        %sign3A_579 = arith.subi %sign3A_575, %sign3A_578 : i32
        %ne3A_580 = arith.cmpi ne, %sign3A_572, %sign3A_579 : i32
        %rem3A_581 = arith.remsi %mul3A_563, %jit3A_564 : i32
        %ne3A_582 = arith.constant 0 : i32
        %ne3A_583 = arith.cmpi ne, %rem3A_581, %ne3A_582 : i32
        %and3A_584 = arith.andi %ne3A_580, %ne3A_583 : i1
        %sub3A_585 = arith.constant 1 : i32
        %sub3A_586 = arith.subi %div3A_565, %sub3A_585 : i32
        %select_n3A_587 = arith.select %and3A_584, %sub3A_586, %div3A_565 : i32
        %mul3A_588 = arith.constant 16 : i32
        %mul3A_589 = arith.muli %select_n3A_587, %mul3A_588 : i32
        %get3A_590 = arith.index_cast %mul3A_589 : i32 to index
        %get3A_591 = tpu.vector_load %arg5[%get3A_590] {strides = array<i32>} : memref<112xi32, #tpu.memory_space<vmem>>, vector<16xi32>,
        %mul3A_592 = arith.constant 4 : i32
        %mul3A_593 = arith.muli %mul3A_592, %mul3A_256 : i32
        %jit3A_594 = arith.constant 16 : i32
        %eq3A_595 = arith.constant 0 : i32
        %eq3A_596 = arith.cmpi eq, %jit3A_594, %eq3A_595 : i32
        %jit3A_597 = arith.constant 1 : i32
        %select_n3A_598 = arith.select %eq3A_596, %jit3A_597, %jit3A_594 : i32
        %rem3A_599 = arith.remsi %mul3A_593, %select_n3A_598 : i32
        %ne3A_600 = arith.constant 0 : i32
        %ne3A_601 = arith.cmpi ne, %rem3A_599, %ne3A_600 : i32
        %lt3A_602 = arith.constant 0 : i32
        %lt3A_603 = arith.cmpi slt, %rem3A_599, %lt3A_602 : i32
        %lt3A_604 = arith.constant 0 : i32
        %lt3A_605 = arith.cmpi slt, %select_n3A_598, %lt3A_604 : i32
        %ne3A_606 = arith.xori %lt3A_603, %lt3A_605 : i1
        %and3A_607 = arith.andi %ne3A_606, %ne3A_601 : i1
        %add3A_608 = arith.addi %rem3A_599, %select_n3A_598 : i32
        %select_n3A_609 = arith.select %and3A_607, %add3A_608, %rem3A_599 : i32
        %add3A_610 = arith.constant 0 : i32
        %add3A_611 = arith.addi %select_n3A_609, %add3A_610 : i32
        %eq3A_612 = vector.broadcast %add3A_611 : i32 to vector<16xi32>
        %eq3A_613 = arith.cmpi eq, %iota3A, %eq3A_612 : vector<16xi32>
        %jit3A_614 = arith.constant 0 : i32
        %broadcast_in_dim3A_615 = vector.broadcast %jit3A_614 : i32 to vector<16xi32>
        %select_n3A_616 = arith.select %eq3A_613, %get3A_591, %broadcast_in_dim3A_615 : vector<16xi1>, vector<16xi32>
        %reduce_sum3A_617 = arith.constant true
        %reduce_sum3A_618 = vector.broadcast %reduce_sum3A_617 : i1 to vector<16xi1>
        %reduce_sum3A_619 = tpu.scan <sum>, %select_n3A_616 masked %reduce_sum3A_618 : vector<16xi32>, vector<16xi1> -> vector<16xi32>
        %reduce_sum3A_620 = vector.extract %reduce_sum3A_619[15] : i32 from vector<16xi32>
        %add3A_621 = arith.constant 1 : i32
        %add3A_622 = arith.addi %select_n3A_609, %add3A_621 : i32
        %eq3A_623 = vector.broadcast %add3A_622 : i32 to vector<16xi32>
        %eq3A_624 = arith.cmpi eq, %iota3A, %eq3A_623 : vector<16xi32>
        %jit3A_625 = arith.constant 0 : i32
        %broadcast_in_dim3A_626 = vector.broadcast %jit3A_625 : i32 to vector<16xi32>
        %select_n3A_627 = arith.select %eq3A_624, %get3A_591, %broadcast_in_dim3A_626 : vector<16xi1>, vector<16xi32>
        %reduce_sum3A_628 = arith.constant true
        %reduce_sum3A_629 = vector.broadcast %reduce_sum3A_628 : i1 to vector<16xi1>
        %reduce_sum3A_630 = tpu.scan <sum>, %select_n3A_627 masked %reduce_sum3A_629 : vector<16xi32>, vector<16xi1> -> vector<16xi32>
        %reduce_sum3A_631 = vector.extract %reduce_sum3A_630[15] : i32 from vector<16xi32>
        %add3A_632 = arith.constant 2 : i32
        %add3A_633 = arith.addi %select_n3A_609, %add3A_632 : i32
        %eq3A_634 = vector.broadcast %add3A_633 : i32 to vector<16xi32>
        %eq3A_635 = arith.cmpi eq, %iota3A, %eq3A_634 : vector<16xi32>
        %jit3A_636 = arith.constant 0 : i32
        %broadcast_in_dim3A_637 = vector.broadcast %jit3A_636 : i32 to vector<16xi32>
        %select_n3A_638 = arith.select %eq3A_635, %get3A_591, %broadcast_in_dim3A_637 : vector<16xi1>, vector<16xi32>
        %reduce_sum3A_639 = arith.constant true
        %reduce_sum3A_640 = vector.broadcast %reduce_sum3A_639 : i1 to vector<16xi1>
        %reduce_sum3A_641 = tpu.scan <sum>, %select_n3A_638 masked %reduce_sum3A_640 : vector<16xi32>, vector<16xi1> -> vector<16xi32>
        %reduce_sum3A_642 = vector.extract %reduce_sum3A_641[15] : i32 from vector<16xi32>
        %add3A_643 = arith.constant 3 : i32
        %add3A_644 = arith.addi %select_n3A_609, %add3A_643 : i32
        %eq3A_645 = vector.broadcast %add3A_644 : i32 to vector<16xi32>
        %eq3A_646 = arith.cmpi eq, %iota3A, %eq3A_645 : vector<16xi32>
        %jit3A_647 = arith.constant 0 : i32
        %broadcast_in_dim3A_648 = vector.broadcast %jit3A_647 : i32 to vector<16xi32>
        %select_n3A_649 = arith.select %eq3A_646, %get3A_591, %broadcast_in_dim3A_648 : vector<16xi1>, vector<16xi32>
        %reduce_sum3A_650 = arith.constant true
        %reduce_sum3A_651 = vector.broadcast %reduce_sum3A_650 : i1 to vector<16xi1>
        %reduce_sum3A_652 = tpu.scan <sum>, %select_n3A_649 masked %reduce_sum3A_651 : vector<16xi32>, vector<16xi1> -> vector<16xi32>
        %reduce_sum3A_653 = vector.extract %reduce_sum3A_652[15] : i32 from vector<16xi32>
        %jit3A_654 = arith.constant 128 : i32
        %eq3A_655 = arith.constant 0 : i32
        %eq3A_656 = arith.cmpi eq, %jit3A_654, %eq3A_655 : i32
        %jit3A_657 = arith.constant 1 : i32
        %select_n3A_658 = arith.select %eq3A_656, %jit3A_657, %jit3A_654 : i32
        %rem3A_659 = arith.remsi %reduce_sum3A_620, %select_n3A_658 : i32
        %ne3A_660 = arith.constant 0 : i32
        %ne3A_661 = arith.cmpi ne, %rem3A_659, %ne3A_660 : i32
        %lt3A_662 = arith.constant 0 : i32
        %lt3A_663 = arith.cmpi slt, %rem3A_659, %lt3A_662 : i32
        %lt3A_664 = arith.constant 0 : i32
        %lt3A_665 = arith.cmpi slt, %select_n3A_658, %lt3A_664 : i32
        %ne3A_666 = arith.xori %lt3A_663, %lt3A_665 : i1
        %and3A_667 = arith.andi %ne3A_666, %ne3A_661 : i1
        %add3A_668 = arith.addi %rem3A_659, %select_n3A_658 : i32
        %select_n3A_669 = arith.select %and3A_667, %add3A_668, %rem3A_659 : i32
        %broadcast_in_dim3A_670 = vector.broadcast %select_n3A_669 : i32 to vector<16xi32>
        %add3A_671 = arith.constant 0 : i32
        %add3A_672 = vector.broadcast %add3A_671 : i32 to vector<16xi32>
        %add3A_673 = arith.addi %iota3A, %add3A_672 : vector<16xi32>
        %gather3A = arith.constant 0 : i32
        %gather3A_674 = arith.constant 0 : i32
        %gather3A_675 = arith.constant 0 : i32
        %gather3A_676 = tpu.memref_slice %arg6[%gather3A, %gather3A_674, %gather3A_675] : memref<4x32x128xf32, #tpu.memory_space<vmem>> -> memref<1x32x128xf32, #tpu.memory_space<vmem>>
        %gather3A_677 = tpu.memref_squeeze %gather3A_676 : memref<1x32x128xf32, #tpu.memory_space<vmem>> -> memref<32x128xf32, #tpu.memory_space<vmem>>
        %gather3A_678 = tpu.vector_load_idx %gather3A_677[%add3A_673, %broadcast_in_dim3A_670] : memref<32x128xf32, #tpu.memory_space<vmem>>[vector<16xi32>, vector<16xi32>], vector<16xf32>,
        %add3A_679 = arith.addf %while3A_253, %gather3A_678 : vector<16xf32>
        %add3A_680 = arith.constant 16 : i32
        %add3A_681 = vector.broadcast %add3A_680 : i32 to vector<16xi32>
        %add3A_682 = arith.addi %iota3A, %add3A_681 : vector<16xi32>
        %gather3A_683 = arith.constant 0 : i32
        %gather3A_684 = arith.constant 0 : i32
        %gather3A_685 = arith.constant 0 : i32
        %gather3A_686 = tpu.memref_slice %arg6[%gather3A_683, %gather3A_684, %gather3A_685] : memref<4x32x128xf32, #tpu.memory_space<vmem>> -> memref<1x32x128xf32, #tpu.memory_space<vmem>>
        %gather3A_687 = tpu.memref_squeeze %gather3A_686 : memref<1x32x128xf32, #tpu.memory_space<vmem>> -> memref<32x128xf32, #tpu.memory_space<vmem>>
        %gather3A_688 = tpu.vector_load_idx %gather3A_687[%add3A_682, %broadcast_in_dim3A_670] : memref<32x128xf32, #tpu.memory_space<vmem>>[vector<16xi32>, vector<16xi32>], vector<16xf32>,
        %add3A_689 = arith.addf %while3A_254, %gather3A_688 : vector<16xf32>
        %jit3A_690 = arith.constant 128 : i32
        %eq3A_691 = arith.constant 0 : i32
        %eq3A_692 = arith.cmpi eq, %jit3A_690, %eq3A_691 : i32
        %jit3A_693 = arith.constant 1 : i32
        %select_n3A_694 = arith.select %eq3A_692, %jit3A_693, %jit3A_690 : i32
        %rem3A_695 = arith.remsi %reduce_sum3A_631, %select_n3A_694 : i32
        %ne3A_696 = arith.constant 0 : i32
        %ne3A_697 = arith.cmpi ne, %rem3A_695, %ne3A_696 : i32
        %lt3A_698 = arith.constant 0 : i32
        %lt3A_699 = arith.cmpi slt, %rem3A_695, %lt3A_698 : i32
        %lt3A_700 = arith.constant 0 : i32
        %lt3A_701 = arith.cmpi slt, %select_n3A_694, %lt3A_700 : i32
        %ne3A_702 = arith.xori %lt3A_699, %lt3A_701 : i1
        %and3A_703 = arith.andi %ne3A_702, %ne3A_697 : i1
        %add3A_704 = arith.addi %rem3A_695, %select_n3A_694 : i32
        %select_n3A_705 = arith.select %and3A_703, %add3A_704, %rem3A_695 : i32
        %broadcast_in_dim3A_706 = vector.broadcast %select_n3A_705 : i32 to vector<16xi32>
        %add3A_707 = arith.constant 0 : i32
        %add3A_708 = vector.broadcast %add3A_707 : i32 to vector<16xi32>
        %add3A_709 = arith.addi %iota3A, %add3A_708 : vector<16xi32>
        %gather3A_710 = arith.constant 1 : i32
        %gather3A_711 = arith.constant 0 : i32
        %gather3A_712 = arith.constant 0 : i32
        %gather3A_713 = tpu.memref_slice %arg6[%gather3A_710, %gather3A_711, %gather3A_712] : memref<4x32x128xf32, #tpu.memory_space<vmem>> -> memref<1x32x128xf32, #tpu.memory_space<vmem>>
        %gather3A_714 = tpu.memref_squeeze %gather3A_713 : memref<1x32x128xf32, #tpu.memory_space<vmem>> -> memref<32x128xf32, #tpu.memory_space<vmem>>
        %gather3A_715 = tpu.vector_load_idx %gather3A_714[%add3A_709, %broadcast_in_dim3A_706] : memref<32x128xf32, #tpu.memory_space<vmem>>[vector<16xi32>, vector<16xi32>], vector<16xf32>,
        %add3A_716 = arith.addf %add3A_679, %gather3A_715 : vector<16xf32>
        %add3A_717 = arith.constant 16 : i32
        %add3A_718 = vector.broadcast %add3A_717 : i32 to vector<16xi32>
        %add3A_719 = arith.addi %iota3A, %add3A_718 : vector<16xi32>
        %gather3A_720 = arith.constant 1 : i32
        %gather3A_721 = arith.constant 0 : i32
        %gather3A_722 = arith.constant 0 : i32
        %gather3A_723 = tpu.memref_slice %arg6[%gather3A_720, %gather3A_721, %gather3A_722] : memref<4x32x128xf32, #tpu.memory_space<vmem>> -> memref<1x32x128xf32, #tpu.memory_space<vmem>>
        %gather3A_724 = tpu.memref_squeeze %gather3A_723 : memref<1x32x128xf32, #tpu.memory_space<vmem>> -> memref<32x128xf32, #tpu.memory_space<vmem>>
        %gather3A_725 = tpu.vector_load_idx %gather3A_724[%add3A_719, %broadcast_in_dim3A_706] : memref<32x128xf32, #tpu.memory_space<vmem>>[vector<16xi32>, vector<16xi32>], vector<16xf32>,
        %add3A_726 = arith.addf %add3A_689, %gather3A_725 : vector<16xf32>
        %jit3A_727 = arith.constant 128 : i32
        %eq3A_728 = arith.constant 0 : i32
        %eq3A_729 = arith.cmpi eq, %jit3A_727, %eq3A_728 : i32
        %jit3A_730 = arith.constant 1 : i32
        %select_n3A_731 = arith.select %eq3A_729, %jit3A_730, %jit3A_727 : i32
        %rem3A_732 = arith.remsi %reduce_sum3A_642, %select_n3A_731 : i32
        %ne3A_733 = arith.constant 0 : i32
        %ne3A_734 = arith.cmpi ne, %rem3A_732, %ne3A_733 : i32
        %lt3A_735 = arith.constant 0 : i32
        %lt3A_736 = arith.cmpi slt, %rem3A_732, %lt3A_735 : i32
        %lt3A_737 = arith.constant 0 : i32
        %lt3A_738 = arith.cmpi slt, %select_n3A_731, %lt3A_737 : i32
        %ne3A_739 = arith.xori %lt3A_736, %lt3A_738 : i1
        %and3A_740 = arith.andi %ne3A_739, %ne3A_734 : i1
        %add3A_741 = arith.addi %rem3A_732, %select_n3A_731 : i32
        %select_n3A_742 = arith.select %and3A_740, %add3A_741, %rem3A_732 : i32
        %broadcast_in_dim3A_743 = vector.broadcast %select_n3A_742 : i32 to vector<16xi32>
        %add3A_744 = arith.constant 0 : i32
        %add3A_745 = vector.broadcast %add3A_744 : i32 to vector<16xi32>
        %add3A_746 = arith.addi %iota3A, %add3A_745 : vector<16xi32>
        %gather3A_747 = arith.constant 2 : i32
        %gather3A_748 = arith.constant 0 : i32
        %gather3A_749 = arith.constant 0 : i32
        %gather3A_750 = tpu.memref_slice %arg6[%gather3A_747, %gather3A_748, %gather3A_749] : memref<4x32x128xf32, #tpu.memory_space<vmem>> -> memref<1x32x128xf32, #tpu.memory_space<vmem>>
        %gather3A_751 = tpu.memref_squeeze %gather3A_750 : memref<1x32x128xf32, #tpu.memory_space<vmem>> -> memref<32x128xf32, #tpu.memory_space<vmem>>
        %gather3A_752 = tpu.vector_load_idx %gather3A_751[%add3A_746, %broadcast_in_dim3A_743] : memref<32x128xf32, #tpu.memory_space<vmem>>[vector<16xi32>, vector<16xi32>], vector<16xf32>,
        %add3A_753 = arith.addf %add3A_716, %gather3A_752 : vector<16xf32>
        %add3A_754 = arith.constant 16 : i32
        %add3A_755 = vector.broadcast %add3A_754 : i32 to vector<16xi32>
        %add3A_756 = arith.addi %iota3A, %add3A_755 : vector<16xi32>
        %gather3A_757 = arith.constant 2 : i32
        %gather3A_758 = arith.constant 0 : i32
        %gather3A_759 = arith.constant 0 : i32
        %gather3A_760 = tpu.memref_slice %arg6[%gather3A_757, %gather3A_758, %gather3A_759] : memref<4x32x128xf32, #tpu.memory_space<vmem>> -> memref<1x32x128xf32, #tpu.memory_space<vmem>>
        %gather3A_761 = tpu.memref_squeeze %gather3A_760 : memref<1x32x128xf32, #tpu.memory_space<vmem>> -> memref<32x128xf32, #tpu.memory_space<vmem>>
        %gather3A_762 = tpu.vector_load_idx %gather3A_761[%add3A_756, %broadcast_in_dim3A_743] : memref<32x128xf32, #tpu.memory_space<vmem>>[vector<16xi32>, vector<16xi32>], vector<16xf32>,
        %add3A_763 = arith.addf %add3A_726, %gather3A_762 : vector<16xf32>
        %jit3A_764 = arith.constant 128 : i32
        %eq3A_765 = arith.constant 0 : i32
        %eq3A_766 = arith.cmpi eq, %jit3A_764, %eq3A_765 : i32
        %jit3A_767 = arith.constant 1 : i32
        %select_n3A_768 = arith.select %eq3A_766, %jit3A_767, %jit3A_764 : i32
        %rem3A_769 = arith.remsi %reduce_sum3A_653, %select_n3A_768 : i32
        %ne3A_770 = arith.constant 0 : i32
        %ne3A_771 = arith.cmpi ne, %rem3A_769, %ne3A_770 : i32
        %lt3A_772 = arith.constant 0 : i32
        %lt3A_773 = arith.cmpi slt, %rem3A_769, %lt3A_772 : i32
        %lt3A_774 = arith.constant 0 : i32
        %lt3A_775 = arith.cmpi slt, %select_n3A_768, %lt3A_774 : i32
        %ne3A_776 = arith.xori %lt3A_773, %lt3A_775 : i1
        %and3A_777 = arith.andi %ne3A_776, %ne3A_771 : i1
        %add3A_778 = arith.addi %rem3A_769, %select_n3A_768 : i32
        %select_n3A_779 = arith.select %and3A_777, %add3A_778, %rem3A_769 : i32
        %broadcast_in_dim3A_780 = vector.broadcast %select_n3A_779 : i32 to vector<16xi32>
        %add3A_781 = arith.constant 0 : i32
        %add3A_782 = vector.broadcast %add3A_781 : i32 to vector<16xi32>
        %add3A_783 = arith.addi %iota3A, %add3A_782 : vector<16xi32>
        %gather3A_784 = arith.constant 3 : i32
        %gather3A_785 = arith.constant 0 : i32
        %gather3A_786 = arith.constant 0 : i32
        %gather3A_787 = tpu.memref_slice %arg6[%gather3A_784, %gather3A_785, %gather3A_786] : memref<4x32x128xf32, #tpu.memory_space<vmem>> -> memref<1x32x128xf32, #tpu.memory_space<vmem>>
        %gather3A_788 = tpu.memref_squeeze %gather3A_787 : memref<1x32x128xf32, #tpu.memory_space<vmem>> -> memref<32x128xf32, #tpu.memory_space<vmem>>
        %gather3A_789 = tpu.vector_load_idx %gather3A_788[%add3A_783, %broadcast_in_dim3A_780] : memref<32x128xf32, #tpu.memory_space<vmem>>[vector<16xi32>, vector<16xi32>], vector<16xf32>,
        %add3A_790 = arith.addf %add3A_753, %gather3A_789 : vector<16xf32>
        %add3A_791 = arith.constant 16 : i32
        %add3A_792 = vector.broadcast %add3A_791 : i32 to vector<16xi32>
        %add3A_793 = arith.addi %iota3A, %add3A_792 : vector<16xi32>
        %gather3A_794 = arith.constant 3 : i32
        %gather3A_795 = arith.constant 0 : i32
        %gather3A_796 = arith.constant 0 : i32
        %gather3A_797 = tpu.memref_slice %arg6[%gather3A_794, %gather3A_795, %gather3A_796] : memref<4x32x128xf32, #tpu.memory_space<vmem>> -> memref<1x32x128xf32, #tpu.memory_space<vmem>>
        %gather3A_798 = tpu.memref_squeeze %gather3A_797 : memref<1x32x128xf32, #tpu.memory_space<vmem>> -> memref<32x128xf32, #tpu.memory_space<vmem>>
        %gather3A_799 = tpu.vector_load_idx %gather3A_798[%add3A_793, %broadcast_in_dim3A_780] : memref<32x128xf32, #tpu.memory_space<vmem>>[vector<16xi32>, vector<16xi32>], vector<16xf32>,
        %add3A_800 = arith.addf %add3A_763, %gather3A_799 : vector<16xf32>
        %add3A_801 = arith.constant 2 : i32
        %add3A_802 = arith.addi %mul3A_256, %add3A_801 : i32
        %lt3A_803 = arith.cmpi slt, %add3A_802, %select_n3A_20 : i32
        %convert_element_type3A_804 = arith.extui %lt3A_803 : i1 to i32
        %cond3A_805 = arith.constant 0 : i32
        %cond3A_806 = arith.cmpi ne, %convert_element_type3A_804, %cond3A_805 : i32
        scf.if %cond3A_806 {
          %add3A_1109 = arith.constant 2 : i32
          %add3A_1110 = arith.addi %mul3A_256, %add3A_1109 : i32
          %mul3A_1111 = arith.constant 4 : i32
          %mul3A_1112 = arith.muli %mul3A_1111, %add3A_1110 : i32
          %jit3A_1113 = arith.constant 16 : i32
          %div3A_1114 = arith.divsi %mul3A_1112, %jit3A_1113 : i32
          %sign3A_1115 = arith.constant 0 : i32
          %sign3A_1116 = arith.cmpi sgt, %mul3A_1112, %sign3A_1115 : i32
          %sign3A_1117 = arith.extui %sign3A_1116 : i1 to i32
          %sign3A_1118 = arith.constant 0 : i32
          %sign3A_1119 = arith.cmpi slt, %mul3A_1112, %sign3A_1118 : i32
          %sign3A_1120 = arith.extui %sign3A_1119 : i1 to i32
          %sign3A_1121 = arith.subi %sign3A_1117, %sign3A_1120 : i32
          %sign3A_1122 = arith.constant 0 : i32
          %sign3A_1123 = arith.cmpi sgt, %jit3A_1113, %sign3A_1122 : i32
          %sign3A_1124 = arith.extui %sign3A_1123 : i1 to i32
          %sign3A_1125 = arith.constant 0 : i32
          %sign3A_1126 = arith.cmpi slt, %jit3A_1113, %sign3A_1125 : i32
          %sign3A_1127 = arith.extui %sign3A_1126 : i1 to i32
          %sign3A_1128 = arith.subi %sign3A_1124, %sign3A_1127 : i32
          %ne3A_1129 = arith.cmpi ne, %sign3A_1121, %sign3A_1128 : i32
          %rem3A_1130 = arith.remsi %mul3A_1112, %jit3A_1113 : i32
          %ne3A_1131 = arith.constant 0 : i32
          %ne3A_1132 = arith.cmpi ne, %rem3A_1130, %ne3A_1131 : i32
          %and3A_1133 = arith.andi %ne3A_1129, %ne3A_1132 : i1
          %sub3A_1134 = arith.constant 1 : i32
          %sub3A_1135 = arith.subi %div3A_1114, %sub3A_1134 : i32
          %select_n3A_1136 = arith.select %and3A_1133, %sub3A_1135, %div3A_1114 : i32
          %mul3A_1137 = arith.constant 16 : i32
          %mul3A_1138 = arith.muli %select_n3A_1136, %mul3A_1137 : i32
          %get3A_1139 = arith.index_cast %mul3A_1138 : i32 to index
          %get3A_1140 = tpu.vector_load %arg5[%get3A_1139] {strides = array<i32>} : memref<112xi32, #tpu.memory_space<vmem>>, vector<16xi32>,
          %mul3A_1141 = arith.constant 4 : i32
          %mul3A_1142 = arith.muli %mul3A_1141, %add3A_1110 : i32
          %jit3A_1143 = arith.constant 16 : i32
          %eq3A_1144 = arith.constant 0 : i32
          %eq3A_1145 = arith.cmpi eq, %jit3A_1143, %eq3A_1144 : i32
          %jit3A_1146 = arith.constant 1 : i32
          %select_n3A_1147 = arith.select %eq3A_1145, %jit3A_1146, %jit3A_1143 : i32
          %rem3A_1148 = arith.remsi %mul3A_1142, %select_n3A_1147 : i32
          %ne3A_1149 = arith.constant 0 : i32
          %ne3A_1150 = arith.cmpi ne, %rem3A_1148, %ne3A_1149 : i32
          %lt3A_1151 = arith.constant 0 : i32
          %lt3A_1152 = arith.cmpi slt, %rem3A_1148, %lt3A_1151 : i32
          %lt3A_1153 = arith.constant 0 : i32
          %lt3A_1154 = arith.cmpi slt, %select_n3A_1147, %lt3A_1153 : i32
          %ne3A_1155 = arith.xori %lt3A_1152, %lt3A_1154 : i1
          %and3A_1156 = arith.andi %ne3A_1155, %ne3A_1150 : i1
          %add3A_1157 = arith.addi %rem3A_1148, %select_n3A_1147 : i32
          %select_n3A_1158 = arith.select %and3A_1156, %add3A_1157, %rem3A_1148 : i32
          %add3A_1159 = arith.constant 0 : i32
          %add3A_1160 = arith.addi %select_n3A_1158, %add3A_1159 : i32
          %eq3A_1161 = vector.broadcast %add3A_1160 : i32 to vector<16xi32>
          %eq3A_1162 = arith.cmpi eq, %iota3A, %eq3A_1161 : vector<16xi32>
          %jit3A_1163 = arith.constant 0 : i32
          %broadcast_in_dim3A_1164 = vector.broadcast %jit3A_1163 : i32 to vector<16xi32>
          %select_n3A_1165 = arith.select %eq3A_1162, %get3A_1140, %broadcast_in_dim3A_1164 : vector<16xi1>, vector<16xi32>
          %reduce_sum3A_1166 = arith.constant true
          %reduce_sum3A_1167 = vector.broadcast %reduce_sum3A_1166 : i1 to vector<16xi1>
          %reduce_sum3A_1168 = tpu.scan <sum>, %select_n3A_1165 masked %reduce_sum3A_1167 : vector<16xi32>, vector<16xi1> -> vector<16xi32>
          %reduce_sum3A_1169 = vector.extract %reduce_sum3A_1168[15] : i32 from vector<16xi32>
          %add3A_1170 = arith.constant 1 : i32
          %add3A_1171 = arith.addi %select_n3A_1158, %add3A_1170 : i32
          %eq3A_1172 = vector.broadcast %add3A_1171 : i32 to vector<16xi32>
          %eq3A_1173 = arith.cmpi eq, %iota3A, %eq3A_1172 : vector<16xi32>
          %jit3A_1174 = arith.constant 0 : i32
          %broadcast_in_dim3A_1175 = vector.broadcast %jit3A_1174 : i32 to vector<16xi32>
          %select_n3A_1176 = arith.select %eq3A_1173, %get3A_1140, %broadcast_in_dim3A_1175 : vector<16xi1>, vector<16xi32>
          %reduce_sum3A_1177 = arith.constant true
          %reduce_sum3A_1178 = vector.broadcast %reduce_sum3A_1177 : i1 to vector<16xi1>
          %reduce_sum3A_1179 = tpu.scan <sum>, %select_n3A_1176 masked %reduce_sum3A_1178 : vector<16xi32>, vector<16xi1> -> vector<16xi32>
          %reduce_sum3A_1180 = vector.extract %reduce_sum3A_1179[15] : i32 from vector<16xi32>
          %add3A_1181 = arith.constant 2 : i32
          %add3A_1182 = arith.addi %select_n3A_1158, %add3A_1181 : i32
          %eq3A_1183 = vector.broadcast %add3A_1182 : i32 to vector<16xi32>
          %eq3A_1184 = arith.cmpi eq, %iota3A, %eq3A_1183 : vector<16xi32>
          %jit3A_1185 = arith.constant 0 : i32
          %broadcast_in_dim3A_1186 = vector.broadcast %jit3A_1185 : i32 to vector<16xi32>
          %select_n3A_1187 = arith.select %eq3A_1184, %get3A_1140, %broadcast_in_dim3A_1186 : vector<16xi1>, vector<16xi32>
          %reduce_sum3A_1188 = arith.constant true
          %reduce_sum3A_1189 = vector.broadcast %reduce_sum3A_1188 : i1 to vector<16xi1>
          %reduce_sum3A_1190 = tpu.scan <sum>, %select_n3A_1187 masked %reduce_sum3A_1189 : vector<16xi32>, vector<16xi1> -> vector<16xi32>
          %reduce_sum3A_1191 = vector.extract %reduce_sum3A_1190[15] : i32 from vector<16xi32>
          %add3A_1192 = arith.constant 3 : i32
          %add3A_1193 = arith.addi %select_n3A_1158, %add3A_1192 : i32
          %eq3A_1194 = vector.broadcast %add3A_1193 : i32 to vector<16xi32>
          %eq3A_1195 = arith.cmpi eq, %iota3A, %eq3A_1194 : vector<16xi32>
          %jit3A_1196 = arith.constant 0 : i32
          %broadcast_in_dim3A_1197 = vector.broadcast %jit3A_1196 : i32 to vector<16xi32>
          %select_n3A_1198 = arith.select %eq3A_1195, %get3A_1140, %broadcast_in_dim3A_1197 : vector<16xi1>, vector<16xi32>
          %reduce_sum3A_1199 = arith.constant true
          %reduce_sum3A_1200 = vector.broadcast %reduce_sum3A_1199 : i1 to vector<16xi1>
          %reduce_sum3A_1201 = tpu.scan <sum>, %select_n3A_1198 masked %reduce_sum3A_1200 : vector<16xi32>, vector<16xi1> -> vector<16xi32>
          %reduce_sum3A_1202 = vector.extract %reduce_sum3A_1201[15] : i32 from vector<16xi32>
          %jit3A_1203 = arith.constant 128 : i32
          %div3A_1204 = arith.divsi %reduce_sum3A_1169, %jit3A_1203 : i32
          %sign3A_1205 = arith.constant 0 : i32
          %sign3A_1206 = arith.cmpi sgt, %reduce_sum3A_1169, %sign3A_1205 : i32
          %sign3A_1207 = arith.extui %sign3A_1206 : i1 to i32
          %sign3A_1208 = arith.constant 0 : i32
          %sign3A_1209 = arith.cmpi slt, %reduce_sum3A_1169, %sign3A_1208 : i32
          %sign3A_1210 = arith.extui %sign3A_1209 : i1 to i32
          %sign3A_1211 = arith.subi %sign3A_1207, %sign3A_1210 : i32
          %sign3A_1212 = arith.constant 0 : i32
          %sign3A_1213 = arith.cmpi sgt, %jit3A_1203, %sign3A_1212 : i32
          %sign3A_1214 = arith.extui %sign3A_1213 : i1 to i32
          %sign3A_1215 = arith.constant 0 : i32
          %sign3A_1216 = arith.cmpi slt, %jit3A_1203, %sign3A_1215 : i32
          %sign3A_1217 = arith.extui %sign3A_1216 : i1 to i32
          %sign3A_1218 = arith.subi %sign3A_1214, %sign3A_1217 : i32
          %ne3A_1219 = arith.cmpi ne, %sign3A_1211, %sign3A_1218 : i32
          %rem3A_1220 = arith.remsi %reduce_sum3A_1169, %jit3A_1203 : i32
          %ne3A_1221 = arith.constant 0 : i32
          %ne3A_1222 = arith.cmpi ne, %rem3A_1220, %ne3A_1221 : i32
          %and3A_1223 = arith.andi %ne3A_1219, %ne3A_1222 : i1
          %sub3A_1224 = arith.constant 1 : i32
          %sub3A_1225 = arith.subi %div3A_1204, %sub3A_1224 : i32
          %select_n3A_1226 = arith.select %and3A_1223, %sub3A_1225, %div3A_1204 : i32
          %mul3A_1227 = arith.constant 128 : i32
          %mul3A_1228 = arith.muli %select_n3A_1226, %mul3A_1227 : i32
          %multiple_of3A_1229 = tpu.assume_multiple %mul3A_1228, 128 : i32
          %dma_start3A_1230 = arith.constant 0 : i32
          %dma_start3A_1231 = arith.constant 0 : i32
          %dma_start3A_1232 = arith.constant 0 : i32
          %dma_start3A_1233 = tpu.memref_slice %arg6[%dma_start3A_1230, %dma_start3A_1231, %dma_start3A_1232] : memref<4x32x128xf32, #tpu.memory_space<vmem>> -> memref<1x32x128xf32, #tpu.memory_space<vmem>>
          %dma_start3A_1234 = tpu.memref_squeeze %dma_start3A_1233 : memref<1x32x128xf32, #tpu.memory_space<vmem>> -> memref<32x128xf32, #tpu.memory_space<vmem>>
          %dma_start3A_1235 = tpu.memref_slice %arg3[%multiple_of3A, %multiple_of3A_1229] : memref<64x1000000xf32, #tpu.memory_space<hbm>> -> memref<32x128xf32, #tpu.memory_space<hbm>>
          %dma_start3A_1236 = arith.constant 0 : i32
          %dma_start3A_1237 = arith.constant 0 : i32
          %dma_start3A_1238 = tpu.memref_slice %arg6[%dma_start3A_1230, %dma_start3A_1236, %dma_start3A_1237] : memref<4x32x128xf32, #tpu.memory_space<vmem>> -> memref<1x32x128xf32, #tpu.memory_space<vmem>>
          %dma_start3A_1239 = tpu.memref_squeeze %dma_start3A_1238 : memref<1x32x128xf32, #tpu.memory_space<vmem>> -> memref<32x128xf32, #tpu.memory_space<vmem>>
          %dma_start3A_1240 = tpu.memref_slice %arg3[%multiple_of3A, %multiple_of3A_1229] : memref<64x1000000xf32, #tpu.memory_space<hbm>> -> memref<32x128xf32, #tpu.memory_space<hbm>>
          tpu.enqueue_dma source(%dma_start3A_1240 : memref<32x128xf32, #tpu.memory_space<hbm>>) target(%dma_start3A_1239 : memref<32x128xf32, #tpu.memory_space<vmem>>) target_semaphore(%arg9 : memref<!tpu.dma_semaphore, #tpu.memory_space<semaphore_mem>>)
          %jit3A_1241 = arith.constant 128 : i32
          %div3A_1242 = arith.divsi %reduce_sum3A_1180, %jit3A_1241 : i32
          %sign3A_1243 = arith.constant 0 : i32
          %sign3A_1244 = arith.cmpi sgt, %reduce_sum3A_1180, %sign3A_1243 : i32
          %sign3A_1245 = arith.extui %sign3A_1244 : i1 to i32
          %sign3A_1246 = arith.constant 0 : i32
          %sign3A_1247 = arith.cmpi slt, %reduce_sum3A_1180, %sign3A_1246 : i32
          %sign3A_1248 = arith.extui %sign3A_1247 : i1 to i32
          %sign3A_1249 = arith.subi %sign3A_1245, %sign3A_1248 : i32
          %sign3A_1250 = arith.constant 0 : i32
          %sign3A_1251 = arith.cmpi sgt, %jit3A_1241, %sign3A_1250 : i32
          %sign3A_1252 = arith.extui %sign3A_1251 : i1 to i32
          %sign3A_1253 = arith.constant 0 : i32
          %sign3A_1254 = arith.cmpi slt, %jit3A_1241, %sign3A_1253 : i32
          %sign3A_1255 = arith.extui %sign3A_1254 : i1 to i32
          %sign3A_1256 = arith.subi %sign3A_1252, %sign3A_1255 : i32
          %ne3A_1257 = arith.cmpi ne, %sign3A_1249, %sign3A_1256 : i32
          %rem3A_1258 = arith.remsi %reduce_sum3A_1180, %jit3A_1241 : i32
          %ne3A_1259 = arith.constant 0 : i32
          %ne3A_1260 = arith.cmpi ne, %rem3A_1258, %ne3A_1259 : i32
          %and3A_1261 = arith.andi %ne3A_1257, %ne3A_1260 : i1
          %sub3A_1262 = arith.constant 1 : i32
          %sub3A_1263 = arith.subi %div3A_1242, %sub3A_1262 : i32
          %select_n3A_1264 = arith.select %and3A_1261, %sub3A_1263, %div3A_1242 : i32
          %mul3A_1265 = arith.constant 128 : i32
          %mul3A_1266 = arith.muli %select_n3A_1264, %mul3A_1265 : i32
          %multiple_of3A_1267 = tpu.assume_multiple %mul3A_1266, 128 : i32
          %dma_start3A_1268 = arith.constant 1 : i32
          %dma_start3A_1269 = arith.constant 0 : i32
          %dma_start3A_1270 = arith.constant 0 : i32
          %dma_start3A_1271 = tpu.memref_slice %arg6[%dma_start3A_1268, %dma_start3A_1269, %dma_start3A_1270] : memref<4x32x128xf32, #tpu.memory_space<vmem>> -> memref<1x32x128xf32, #tpu.memory_space<vmem>>
          %dma_start3A_1272 = tpu.memref_squeeze %dma_start3A_1271 : memref<1x32x128xf32, #tpu.memory_space<vmem>> -> memref<32x128xf32, #tpu.memory_space<vmem>>
          %dma_start3A_1273 = tpu.memref_slice %arg3[%multiple_of3A, %multiple_of3A_1267] : memref<64x1000000xf32, #tpu.memory_space<hbm>> -> memref<32x128xf32, #tpu.memory_space<hbm>>
          %dma_start3A_1274 = arith.constant 0 : i32
          %dma_start3A_1275 = arith.constant 0 : i32
          %dma_start3A_1276 = tpu.memref_slice %arg6[%dma_start3A_1268, %dma_start3A_1274, %dma_start3A_1275] : memref<4x32x128xf32, #tpu.memory_space<vmem>> -> memref<1x32x128xf32, #tpu.memory_space<vmem>>
          %dma_start3A_1277 = tpu.memref_squeeze %dma_start3A_1276 : memref<1x32x128xf32, #tpu.memory_space<vmem>> -> memref<32x128xf32, #tpu.memory_space<vmem>>
          %dma_start3A_1278 = tpu.memref_slice %arg3[%multiple_of3A, %multiple_of3A_1267] : memref<64x1000000xf32, #tpu.memory_space<hbm>> -> memref<32x128xf32, #tpu.memory_space<hbm>>
          tpu.enqueue_dma source(%dma_start3A_1278 : memref<32x128xf32, #tpu.memory_space<hbm>>) target(%dma_start3A_1277 : memref<32x128xf32, #tpu.memory_space<vmem>>) target_semaphore(%arg9 : memref<!tpu.dma_semaphore, #tpu.memory_space<semaphore_mem>>)
          %jit3A_1279 = arith.constant 128 : i32
          %div3A_1280 = arith.divsi %reduce_sum3A_1191, %jit3A_1279 : i32
          %sign3A_1281 = arith.constant 0 : i32
          %sign3A_1282 = arith.cmpi sgt, %reduce_sum3A_1191, %sign3A_1281 : i32
          %sign3A_1283 = arith.extui %sign3A_1282 : i1 to i32
          %sign3A_1284 = arith.constant 0 : i32
          %sign3A_1285 = arith.cmpi slt, %reduce_sum3A_1191, %sign3A_1284 : i32
          %sign3A_1286 = arith.extui %sign3A_1285 : i1 to i32
          %sign3A_1287 = arith.subi %sign3A_1283, %sign3A_1286 : i32
          %sign3A_1288 = arith.constant 0 : i32
          %sign3A_1289 = arith.cmpi sgt, %jit3A_1279, %sign3A_1288 : i32
          %sign3A_1290 = arith.extui %sign3A_1289 : i1 to i32
          %sign3A_1291 = arith.constant 0 : i32
          %sign3A_1292 = arith.cmpi slt, %jit3A_1279, %sign3A_1291 : i32
          %sign3A_1293 = arith.extui %sign3A_1292 : i1 to i32
          %sign3A_1294 = arith.subi %sign3A_1290, %sign3A_1293 : i32
          %ne3A_1295 = arith.cmpi ne, %sign3A_1287, %sign3A_1294 : i32
          %rem3A_1296 = arith.remsi %reduce_sum3A_1191, %jit3A_1279 : i32
          %ne3A_1297 = arith.constant 0 : i32
          %ne3A_1298 = arith.cmpi ne, %rem3A_1296, %ne3A_1297 : i32
          %and3A_1299 = arith.andi %ne3A_1295, %ne3A_1298 : i1
          %sub3A_1300 = arith.constant 1 : i32
          %sub3A_1301 = arith.subi %div3A_1280, %sub3A_1300 : i32
          %select_n3A_1302 = arith.select %and3A_1299, %sub3A_1301, %div3A_1280 : i32
          %mul3A_1303 = arith.constant 128 : i32
          %mul3A_1304 = arith.muli %select_n3A_1302, %mul3A_1303 : i32
          %multiple_of3A_1305 = tpu.assume_multiple %mul3A_1304, 128 : i32
          %dma_start3A_1306 = arith.constant 2 : i32
          %dma_start3A_1307 = arith.constant 0 : i32
          %dma_start3A_1308 = arith.constant 0 : i32
          %dma_start3A_1309 = tpu.memref_slice %arg6[%dma_start3A_1306, %dma_start3A_1307, %dma_start3A_1308] : memref<4x32x128xf32, #tpu.memory_space<vmem>> -> memref<1x32x128xf32, #tpu.memory_space<vmem>>
          %dma_start3A_1310 = tpu.memref_squeeze %dma_start3A_1309 : memref<1x32x128xf32, #tpu.memory_space<vmem>> -> memref<32x128xf32, #tpu.memory_space<vmem>>
          %dma_start3A_1311 = tpu.memref_slice %arg3[%multiple_of3A, %multiple_of3A_1305] : memref<64x1000000xf32, #tpu.memory_space<hbm>> -> memref<32x128xf32, #tpu.memory_space<hbm>>
          %dma_start3A_1312 = arith.constant 0 : i32
          %dma_start3A_1313 = arith.constant 0 : i32
          %dma_start3A_1314 = tpu.memref_slice %arg6[%dma_start3A_1306, %dma_start3A_1312, %dma_start3A_1313] : memref<4x32x128xf32, #tpu.memory_space<vmem>> -> memref<1x32x128xf32, #tpu.memory_space<vmem>>
          %dma_start3A_1315 = tpu.memref_squeeze %dma_start3A_1314 : memref<1x32x128xf32, #tpu.memory_space<vmem>> -> memref<32x128xf32, #tpu.memory_space<vmem>>
          %dma_start3A_1316 = tpu.memref_slice %arg3[%multiple_of3A, %multiple_of3A_1305] : memref<64x1000000xf32, #tpu.memory_space<hbm>> -> memref<32x128xf32, #tpu.memory_space<hbm>>
          tpu.enqueue_dma source(%dma_start3A_1316 : memref<32x128xf32, #tpu.memory_space<hbm>>) target(%dma_start3A_1315 : memref<32x128xf32, #tpu.memory_space<vmem>>) target_semaphore(%arg9 : memref<!tpu.dma_semaphore, #tpu.memory_space<semaphore_mem>>)
          %jit3A_1317 = arith.constant 128 : i32
          %div3A_1318 = arith.divsi %reduce_sum3A_1202, %jit3A_1317 : i32
          %sign3A_1319 = arith.constant 0 : i32
          %sign3A_1320 = arith.cmpi sgt, %reduce_sum3A_1202, %sign3A_1319 : i32
          %sign3A_1321 = arith.extui %sign3A_1320 : i1 to i32
          %sign3A_1322 = arith.constant 0 : i32
          %sign3A_1323 = arith.cmpi slt, %reduce_sum3A_1202, %sign3A_1322 : i32
          %sign3A_1324 = arith.extui %sign3A_1323 : i1 to i32
          %sign3A_1325 = arith.subi %sign3A_1321, %sign3A_1324 : i32
          %sign3A_1326 = arith.constant 0 : i32
          %sign3A_1327 = arith.cmpi sgt, %jit3A_1317, %sign3A_1326 : i32
          %sign3A_1328 = arith.extui %sign3A_1327 : i1 to i32
          %sign3A_1329 = arith.constant 0 : i32
          %sign3A_1330 = arith.cmpi slt, %jit3A_1317, %sign3A_1329 : i32
          %sign3A_1331 = arith.extui %sign3A_1330 : i1 to i32
          %sign3A_1332 = arith.subi %sign3A_1328, %sign3A_1331 : i32
          %ne3A_1333 = arith.cmpi ne, %sign3A_1325, %sign3A_1332 : i32
          %rem3A_1334 = arith.remsi %reduce_sum3A_1202, %jit3A_1317 : i32
          %ne3A_1335 = arith.constant 0 : i32
          %ne3A_1336 = arith.cmpi ne, %rem3A_1334, %ne3A_1335 : i32
          %and3A_1337 = arith.andi %ne3A_1333, %ne3A_1336 : i1
          %sub3A_1338 = arith.constant 1 : i32
          %sub3A_1339 = arith.subi %div3A_1318, %sub3A_1338 : i32
          %select_n3A_1340 = arith.select %and3A_1337, %sub3A_1339, %div3A_1318 : i32
          %mul3A_1341 = arith.constant 128 : i32
          %mul3A_1342 = arith.muli %select_n3A_1340, %mul3A_1341 : i32
          %multiple_of3A_1343 = tpu.assume_multiple %mul3A_1342, 128 : i32
          %dma_start3A_1344 = arith.constant 3 : i32
          %dma_start3A_1345 = arith.constant 0 : i32
          %dma_start3A_1346 = arith.constant 0 : i32
          %dma_start3A_1347 = tpu.memref_slice %arg6[%dma_start3A_1344, %dma_start3A_1345, %dma_start3A_1346] : memref<4x32x128xf32, #tpu.memory_space<vmem>> -> memref<1x32x128xf32, #tpu.memory_space<vmem>>
          %dma_start3A_1348 = tpu.memref_squeeze %dma_start3A_1347 : memref<1x32x128xf32, #tpu.memory_space<vmem>> -> memref<32x128xf32, #tpu.memory_space<vmem>>
          %dma_start3A_1349 = tpu.memref_slice %arg3[%multiple_of3A, %multiple_of3A_1343] : memref<64x1000000xf32, #tpu.memory_space<hbm>> -> memref<32x128xf32, #tpu.memory_space<hbm>>
          %dma_start3A_1350 = arith.constant 0 : i32
          %dma_start3A_1351 = arith.constant 0 : i32
          %dma_start3A_1352 = tpu.memref_slice %arg6[%dma_start3A_1344, %dma_start3A_1350, %dma_start3A_1351] : memref<4x32x128xf32, #tpu.memory_space<vmem>> -> memref<1x32x128xf32, #tpu.memory_space<vmem>>
          %dma_start3A_1353 = tpu.memref_squeeze %dma_start3A_1352 : memref<1x32x128xf32, #tpu.memory_space<vmem>> -> memref<32x128xf32, #tpu.memory_space<vmem>>
          %dma_start3A_1354 = tpu.memref_slice %arg3[%multiple_of3A, %multiple_of3A_1343] : memref<64x1000000xf32, #tpu.memory_space<hbm>> -> memref<32x128xf32, #tpu.memory_space<hbm>>
          tpu.enqueue_dma source(%dma_start3A_1354 : memref<32x128xf32, #tpu.memory_space<hbm>>) target(%dma_start3A_1353 : memref<32x128xf32, #tpu.memory_space<vmem>>) target_semaphore(%arg9 : memref<!tpu.dma_semaphore, #tpu.memory_space<semaphore_mem>>)
        } else {
        }
        %dma_wait3A_807 = arith.constant 0 : i32
        %dma_wait3A_808 = arith.constant 0 : i32
        %dma_wait3A_809 = arith.constant 0 : i32
        %dma_wait3A_810 = tpu.memref_slice %arg7[%dma_wait3A_807, %dma_wait3A_808, %dma_wait3A_809] : memref<4x32x128xf32, #tpu.memory_space<vmem>> -> memref<1x32x128xf32, #tpu.memory_space<vmem>>
        %dma_wait3A_811 = tpu.memref_squeeze %dma_wait3A_810 : memref<1x32x128xf32, #tpu.memory_space<vmem>> -> memref<32x128xf32, #tpu.memory_space<vmem>>
        %dma_wait3A_812 = arith.constant 0 : i32
        %dma_wait3A_813 = arith.constant 0 : i32
        %dma_wait3A_814 = tpu.memref_slice %arg3[%dma_wait3A_812, %dma_wait3A_813] : memref<64x1000000xf32, #tpu.memory_space<hbm>> -> memref<32x128xf32, #tpu.memory_space<hbm>>
        %dma_wait3A_815 = arith.constant 0 : i32
        %dma_wait3A_816 = arith.constant 0 : i32
        %dma_wait3A_817 = tpu.memref_slice %arg7[%dma_wait3A_807, %dma_wait3A_815, %dma_wait3A_816] : memref<4x32x128xf32, #tpu.memory_space<vmem>> -> memref<1x32x128xf32, #tpu.memory_space<vmem>>
        %dma_wait3A_818 = tpu.memref_squeeze %dma_wait3A_817 : memref<1x32x128xf32, #tpu.memory_space<vmem>> -> memref<32x128xf32, #tpu.memory_space<vmem>>
        %dma_wait3A_819 = arith.constant 0 : i32
        %dma_wait3A_820 = arith.constant 0 : i32
        %dma_wait3A_821 = tpu.memref_slice %arg3[%dma_wait3A_819, %dma_wait3A_820] : memref<64x1000000xf32, #tpu.memory_space<hbm>> -> memref<32x128xf32, #tpu.memory_space<hbm>>
        tpu.wait_dma2 semaphore(%arg10 : memref<!tpu.dma_semaphore, #tpu.memory_space<semaphore_mem>>) src(%dma_wait3A_821 : memref<32x128xf32, #tpu.memory_space<hbm>>) dst(%dma_wait3A_818 : memref<32x128xf32, #tpu.memory_space<vmem>>)
        %dma_wait3A_822 = arith.constant 1 : i32
        %dma_wait3A_823 = arith.constant 0 : i32
        %dma_wait3A_824 = arith.constant 0 : i32
        %dma_wait3A_825 = tpu.memref_slice %arg7[%dma_wait3A_822, %dma_wait3A_823, %dma_wait3A_824] : memref<4x32x128xf32, #tpu.memory_space<vmem>> -> memref<1x32x128xf32, #tpu.memory_space<vmem>>
        %dma_wait3A_826 = tpu.memref_squeeze %dma_wait3A_825 : memref<1x32x128xf32, #tpu.memory_space<vmem>> -> memref<32x128xf32, #tpu.memory_space<vmem>>
        %dma_wait3A_827 = arith.constant 0 : i32
        %dma_wait3A_828 = arith.constant 0 : i32
        %dma_wait3A_829 = tpu.memref_slice %arg3[%dma_wait3A_827, %dma_wait3A_828] : memref<64x1000000xf32, #tpu.memory_space<hbm>> -> memref<32x128xf32, #tpu.memory_space<hbm>>
        %dma_wait3A_830 = arith.constant 0 : i32
        %dma_wait3A_831 = arith.constant 0 : i32
        %dma_wait3A_832 = tpu.memref_slice %arg7[%dma_wait3A_822, %dma_wait3A_830, %dma_wait3A_831] : memref<4x32x128xf32, #tpu.memory_space<vmem>> -> memref<1x32x128xf32, #tpu.memory_space<vmem>>
        %dma_wait3A_833 = tpu.memref_squeeze %dma_wait3A_832 : memref<1x32x128xf32, #tpu.memory_space<vmem>> -> memref<32x128xf32, #tpu.memory_space<vmem>>
        %dma_wait3A_834 = arith.constant 0 : i32
        %dma_wait3A_835 = arith.constant 0 : i32
        %dma_wait3A_836 = tpu.memref_slice %arg3[%dma_wait3A_834, %dma_wait3A_835] : memref<64x1000000xf32, #tpu.memory_space<hbm>> -> memref<32x128xf32, #tpu.memory_space<hbm>>
        tpu.wait_dma2 semaphore(%arg10 : memref<!tpu.dma_semaphore, #tpu.memory_space<semaphore_mem>>) src(%dma_wait3A_836 : memref<32x128xf32, #tpu.memory_space<hbm>>) dst(%dma_wait3A_833 : memref<32x128xf32, #tpu.memory_space<vmem>>)
        %dma_wait3A_837 = arith.constant 2 : i32
        %dma_wait3A_838 = arith.constant 0 : i32
        %dma_wait3A_839 = arith.constant 0 : i32
        %dma_wait3A_840 = tpu.memref_slice %arg7[%dma_wait3A_837, %dma_wait3A_838, %dma_wait3A_839] : memref<4x32x128xf32, #tpu.memory_space<vmem>> -> memref<1x32x128xf32, #tpu.memory_space<vmem>>
        %dma_wait3A_841 = tpu.memref_squeeze %dma_wait3A_840 : memref<1x32x128xf32, #tpu.memory_space<vmem>> -> memref<32x128xf32, #tpu.memory_space<vmem>>
        %dma_wait3A_842 = arith.constant 0 : i32
        %dma_wait3A_843 = arith.constant 0 : i32
        %dma_wait3A_844 = tpu.memref_slice %arg3[%dma_wait3A_842, %dma_wait3A_843] : memref<64x1000000xf32, #tpu.memory_space<hbm>> -> memref<32x128xf32, #tpu.memory_space<hbm>>
        %dma_wait3A_845 = arith.constant 0 : i32
        %dma_wait3A_846 = arith.constant 0 : i32
        %dma_wait3A_847 = tpu.memref_slice %arg7[%dma_wait3A_837, %dma_wait3A_845, %dma_wait3A_846] : memref<4x32x128xf32, #tpu.memory_space<vmem>> -> memref<1x32x128xf32, #tpu.memory_space<vmem>>
        %dma_wait3A_848 = tpu.memref_squeeze %dma_wait3A_847 : memref<1x32x128xf32, #tpu.memory_space<vmem>> -> memref<32x128xf32, #tpu.memory_space<vmem>>
        %dma_wait3A_849 = arith.constant 0 : i32
        %dma_wait3A_850 = arith.constant 0 : i32
        %dma_wait3A_851 = tpu.memref_slice %arg3[%dma_wait3A_849, %dma_wait3A_850] : memref<64x1000000xf32, #tpu.memory_space<hbm>> -> memref<32x128xf32, #tpu.memory_space<hbm>>
        tpu.wait_dma2 semaphore(%arg10 : memref<!tpu.dma_semaphore, #tpu.memory_space<semaphore_mem>>) src(%dma_wait3A_851 : memref<32x128xf32, #tpu.memory_space<hbm>>) dst(%dma_wait3A_848 : memref<32x128xf32, #tpu.memory_space<vmem>>)
        %dma_wait3A_852 = arith.constant 3 : i32
        %dma_wait3A_853 = arith.constant 0 : i32
        %dma_wait3A_854 = arith.constant 0 : i32
        %dma_wait3A_855 = tpu.memref_slice %arg7[%dma_wait3A_852, %dma_wait3A_853, %dma_wait3A_854] : memref<4x32x128xf32, #tpu.memory_space<vmem>> -> memref<1x32x128xf32, #tpu.memory_space<vmem>>
        %dma_wait3A_856 = tpu.memref_squeeze %dma_wait3A_855 : memref<1x32x128xf32, #tpu.memory_space<vmem>> -> memref<32x128xf32, #tpu.memory_space<vmem>>
        %dma_wait3A_857 = arith.constant 0 : i32
        %dma_wait3A_858 = arith.constant 0 : i32
        %dma_wait3A_859 = tpu.memref_slice %arg3[%dma_wait3A_857, %dma_wait3A_858] : memref<64x1000000xf32, #tpu.memory_space<hbm>> -> memref<32x128xf32, #tpu.memory_space<hbm>>
        %dma_wait3A_860 = arith.constant 0 : i32
        %dma_wait3A_861 = arith.constant 0 : i32
        %dma_wait3A_862 = tpu.memref_slice %arg7[%dma_wait3A_852, %dma_wait3A_860, %dma_wait3A_861] : memref<4x32x128xf32, #tpu.memory_space<vmem>> -> memref<1x32x128xf32, #tpu.memory_space<vmem>>
        %dma_wait3A_863 = tpu.memref_squeeze %dma_wait3A_862 : memref<1x32x128xf32, #tpu.memory_space<vmem>> -> memref<32x128xf32, #tpu.memory_space<vmem>>
        %dma_wait3A_864 = arith.constant 0 : i32
        %dma_wait3A_865 = arith.constant 0 : i32
        %dma_wait3A_866 = tpu.memref_slice %arg3[%dma_wait3A_864, %dma_wait3A_865] : memref<64x1000000xf32, #tpu.memory_space<hbm>> -> memref<32x128xf32, #tpu.memory_space<hbm>>
        tpu.wait_dma2 semaphore(%arg10 : memref<!tpu.dma_semaphore, #tpu.memory_space<semaphore_mem>>) src(%dma_wait3A_866 : memref<32x128xf32, #tpu.memory_space<hbm>>) dst(%dma_wait3A_863 : memref<32x128xf32, #tpu.memory_space<vmem>>)
        %add3A_867 = arith.constant 1 : i32
        %add3A_868 = arith.addi %mul3A_256, %add3A_867 : i32
        %mul3A_869 = arith.constant 4 : i32
        %mul3A_870 = arith.muli %mul3A_869, %add3A_868 : i32
        %jit3A_871 = arith.constant 16 : i32
        %div3A_872 = arith.divsi %mul3A_870, %jit3A_871 : i32
        %sign3A_873 = arith.constant 0 : i32
        %sign3A_874 = arith.cmpi sgt, %mul3A_870, %sign3A_873 : i32
        %sign3A_875 = arith.extui %sign3A_874 : i1 to i32
        %sign3A_876 = arith.constant 0 : i32
        %sign3A_877 = arith.cmpi slt, %mul3A_870, %sign3A_876 : i32
        %sign3A_878 = arith.extui %sign3A_877 : i1 to i32
        %sign3A_879 = arith.subi %sign3A_875, %sign3A_878 : i32
        %sign3A_880 = arith.constant 0 : i32
        %sign3A_881 = arith.cmpi sgt, %jit3A_871, %sign3A_880 : i32
        %sign3A_882 = arith.extui %sign3A_881 : i1 to i32
        %sign3A_883 = arith.constant 0 : i32
        %sign3A_884 = arith.cmpi slt, %jit3A_871, %sign3A_883 : i32
        %sign3A_885 = arith.extui %sign3A_884 : i1 to i32
        %sign3A_886 = arith.subi %sign3A_882, %sign3A_885 : i32
        %ne3A_887 = arith.cmpi ne, %sign3A_879, %sign3A_886 : i32
        %rem3A_888 = arith.remsi %mul3A_870, %jit3A_871 : i32
        %ne3A_889 = arith.constant 0 : i32
        %ne3A_890 = arith.cmpi ne, %rem3A_888, %ne3A_889 : i32
        %and3A_891 = arith.andi %ne3A_887, %ne3A_890 : i1
        %sub3A_892 = arith.constant 1 : i32
        %sub3A_893 = arith.subi %div3A_872, %sub3A_892 : i32
        %select_n3A_894 = arith.select %and3A_891, %sub3A_893, %div3A_872 : i32
        %mul3A_895 = arith.constant 16 : i32
        %mul3A_896 = arith.muli %select_n3A_894, %mul3A_895 : i32
        %get3A_897 = arith.index_cast %mul3A_896 : i32 to index
        %get3A_898 = tpu.vector_load %arg5[%get3A_897] {strides = array<i32>} : memref<112xi32, #tpu.memory_space<vmem>>, vector<16xi32>,
        %mul3A_899 = arith.constant 4 : i32
        %mul3A_900 = arith.muli %mul3A_899, %add3A_868 : i32
        %jit3A_901 = arith.constant 16 : i32
        %eq3A_902 = arith.constant 0 : i32
        %eq3A_903 = arith.cmpi eq, %jit3A_901, %eq3A_902 : i32
        %jit3A_904 = arith.constant 1 : i32
        %select_n3A_905 = arith.select %eq3A_903, %jit3A_904, %jit3A_901 : i32
        %rem3A_906 = arith.remsi %mul3A_900, %select_n3A_905 : i32
        %ne3A_907 = arith.constant 0 : i32
        %ne3A_908 = arith.cmpi ne, %rem3A_906, %ne3A_907 : i32
        %lt3A_909 = arith.constant 0 : i32
        %lt3A_910 = arith.cmpi slt, %rem3A_906, %lt3A_909 : i32
        %lt3A_911 = arith.constant 0 : i32
        %lt3A_912 = arith.cmpi slt, %select_n3A_905, %lt3A_911 : i32
        %ne3A_913 = arith.xori %lt3A_910, %lt3A_912 : i1
        %and3A_914 = arith.andi %ne3A_913, %ne3A_908 : i1
        %add3A_915 = arith.addi %rem3A_906, %select_n3A_905 : i32
        %select_n3A_916 = arith.select %and3A_914, %add3A_915, %rem3A_906 : i32
        %add3A_917 = arith.constant 0 : i32
        %add3A_918 = arith.addi %select_n3A_916, %add3A_917 : i32
        %eq3A_919 = vector.broadcast %add3A_918 : i32 to vector<16xi32>
        %eq3A_920 = arith.cmpi eq, %iota3A, %eq3A_919 : vector<16xi32>
        %jit3A_921 = arith.constant 0 : i32
        %broadcast_in_dim3A_922 = vector.broadcast %jit3A_921 : i32 to vector<16xi32>
        %select_n3A_923 = arith.select %eq3A_920, %get3A_898, %broadcast_in_dim3A_922 : vector<16xi1>, vector<16xi32>
        %reduce_sum3A_924 = arith.constant true
        %reduce_sum3A_925 = vector.broadcast %reduce_sum3A_924 : i1 to vector<16xi1>
        %reduce_sum3A_926 = tpu.scan <sum>, %select_n3A_923 masked %reduce_sum3A_925 : vector<16xi32>, vector<16xi1> -> vector<16xi32>
        %reduce_sum3A_927 = vector.extract %reduce_sum3A_926[15] : i32 from vector<16xi32>
        %add3A_928 = arith.constant 1 : i32
        %add3A_929 = arith.addi %select_n3A_916, %add3A_928 : i32
        %eq3A_930 = vector.broadcast %add3A_929 : i32 to vector<16xi32>
        %eq3A_931 = arith.cmpi eq, %iota3A, %eq3A_930 : vector<16xi32>
        %jit3A_932 = arith.constant 0 : i32
        %broadcast_in_dim3A_933 = vector.broadcast %jit3A_932 : i32 to vector<16xi32>
        %select_n3A_934 = arith.select %eq3A_931, %get3A_898, %broadcast_in_dim3A_933 : vector<16xi1>, vector<16xi32>
        %reduce_sum3A_935 = arith.constant true
        %reduce_sum3A_936 = vector.broadcast %reduce_sum3A_935 : i1 to vector<16xi1>
        %reduce_sum3A_937 = tpu.scan <sum>, %select_n3A_934 masked %reduce_sum3A_936 : vector<16xi32>, vector<16xi1> -> vector<16xi32>
        %reduce_sum3A_938 = vector.extract %reduce_sum3A_937[15] : i32 from vector<16xi32>
        %add3A_939 = arith.constant 2 : i32
        %add3A_940 = arith.addi %select_n3A_916, %add3A_939 : i32
        %eq3A_941 = vector.broadcast %add3A_940 : i32 to vector<16xi32>
        %eq3A_942 = arith.cmpi eq, %iota3A, %eq3A_941 : vector<16xi32>
        %jit3A_943 = arith.constant 0 : i32
        %broadcast_in_dim3A_944 = vector.broadcast %jit3A_943 : i32 to vector<16xi32>
        %select_n3A_945 = arith.select %eq3A_942, %get3A_898, %broadcast_in_dim3A_944 : vector<16xi1>, vector<16xi32>
        %reduce_sum3A_946 = arith.constant true
        %reduce_sum3A_947 = vector.broadcast %reduce_sum3A_946 : i1 to vector<16xi1>
        %reduce_sum3A_948 = tpu.scan <sum>, %select_n3A_945 masked %reduce_sum3A_947 : vector<16xi32>, vector<16xi1> -> vector<16xi32>
        %reduce_sum3A_949 = vector.extract %reduce_sum3A_948[15] : i32 from vector<16xi32>
        %add3A_950 = arith.constant 3 : i32
        %add3A_951 = arith.addi %select_n3A_916, %add3A_950 : i32
        %eq3A_952 = vector.broadcast %add3A_951 : i32 to vector<16xi32>
        %eq3A_953 = arith.cmpi eq, %iota3A, %eq3A_952 : vector<16xi32>
        %jit3A_954 = arith.constant 0 : i32
        %broadcast_in_dim3A_955 = vector.broadcast %jit3A_954 : i32 to vector<16xi32>
        %select_n3A_956 = arith.select %eq3A_953, %get3A_898, %broadcast_in_dim3A_955 : vector<16xi1>, vector<16xi32>
        %reduce_sum3A_957 = arith.constant true
        %reduce_sum3A_958 = vector.broadcast %reduce_sum3A_957 : i1 to vector<16xi1>
        %reduce_sum3A_959 = tpu.scan <sum>, %select_n3A_956 masked %reduce_sum3A_958 : vector<16xi32>, vector<16xi1> -> vector<16xi32>
        %reduce_sum3A_960 = vector.extract %reduce_sum3A_959[15] : i32 from vector<16xi32>
        %jit3A_961 = arith.constant 128 : i32
        %eq3A_962 = arith.constant 0 : i32
        %eq3A_963 = arith.cmpi eq, %jit3A_961, %eq3A_962 : i32
        %jit3A_964 = arith.constant 1 : i32
        %select_n3A_965 = arith.select %eq3A_963, %jit3A_964, %jit3A_961 : i32
        %rem3A_966 = arith.remsi %reduce_sum3A_927, %select_n3A_965 : i32
        %ne3A_967 = arith.constant 0 : i32
        %ne3A_968 = arith.cmpi ne, %rem3A_966, %ne3A_967 : i32
        %lt3A_969 = arith.constant 0 : i32
        %lt3A_970 = arith.cmpi slt, %rem3A_966, %lt3A_969 : i32
        %lt3A_971 = arith.constant 0 : i32
        %lt3A_972 = arith.cmpi slt, %select_n3A_965, %lt3A_971 : i32
        %ne3A_973 = arith.xori %lt3A_970, %lt3A_972 : i1
        %and3A_974 = arith.andi %ne3A_973, %ne3A_968 : i1
        %add3A_975 = arith.addi %rem3A_966, %select_n3A_965 : i32
        %select_n3A_976 = arith.select %and3A_974, %add3A_975, %rem3A_966 : i32
        %broadcast_in_dim3A_977 = vector.broadcast %select_n3A_976 : i32 to vector<16xi32>
        %add3A_978 = arith.constant 0 : i32
        %add3A_979 = vector.broadcast %add3A_978 : i32 to vector<16xi32>
        %add3A_980 = arith.addi %iota3A, %add3A_979 : vector<16xi32>
        %gather3A_981 = arith.constant 0 : i32
        %gather3A_982 = arith.constant 0 : i32
        %gather3A_983 = arith.constant 0 : i32
        %gather3A_984 = tpu.memref_slice %arg7[%gather3A_981, %gather3A_982, %gather3A_983] : memref<4x32x128xf32, #tpu.memory_space<vmem>> -> memref<1x32x128xf32, #tpu.memory_space<vmem>>
        %gather3A_985 = tpu.memref_squeeze %gather3A_984 : memref<1x32x128xf32, #tpu.memory_space<vmem>> -> memref<32x128xf32, #tpu.memory_space<vmem>>
        %gather3A_986 = tpu.vector_load_idx %gather3A_985[%add3A_980, %broadcast_in_dim3A_977] : memref<32x128xf32, #tpu.memory_space<vmem>>[vector<16xi32>, vector<16xi32>], vector<16xf32>,
        %add3A_987 = arith.addf %add3A_790, %gather3A_986 : vector<16xf32>
        %add3A_988 = arith.constant 16 : i32
        %add3A_989 = vector.broadcast %add3A_988 : i32 to vector<16xi32>
        %add3A_990 = arith.addi %iota3A, %add3A_989 : vector<16xi32>
        %gather3A_991 = arith.constant 0 : i32
        %gather3A_992 = arith.constant 0 : i32
        %gather3A_993 = arith.constant 0 : i32
        %gather3A_994 = tpu.memref_slice %arg7[%gather3A_991, %gather3A_992, %gather3A_993] : memref<4x32x128xf32, #tpu.memory_space<vmem>> -> memref<1x32x128xf32, #tpu.memory_space<vmem>>
        %gather3A_995 = tpu.memref_squeeze %gather3A_994 : memref<1x32x128xf32, #tpu.memory_space<vmem>> -> memref<32x128xf32, #tpu.memory_space<vmem>>
        %gather3A_996 = tpu.vector_load_idx %gather3A_995[%add3A_990, %broadcast_in_dim3A_977] : memref<32x128xf32, #tpu.memory_space<vmem>>[vector<16xi32>, vector<16xi32>], vector<16xf32>,
        %add3A_997 = arith.addf %add3A_800, %gather3A_996 : vector<16xf32>
        %jit3A_998 = arith.constant 128 : i32
        %eq3A_999 = arith.constant 0 : i32
        %eq3A_1000 = arith.cmpi eq, %jit3A_998, %eq3A_999 : i32
        %jit3A_1001 = arith.constant 1 : i32
        %select_n3A_1002 = arith.select %eq3A_1000, %jit3A_1001, %jit3A_998 : i32
        %rem3A_1003 = arith.remsi %reduce_sum3A_938, %select_n3A_1002 : i32
        %ne3A_1004 = arith.constant 0 : i32
        %ne3A_1005 = arith.cmpi ne, %rem3A_1003, %ne3A_1004 : i32
        %lt3A_1006 = arith.constant 0 : i32
        %lt3A_1007 = arith.cmpi slt, %rem3A_1003, %lt3A_1006 : i32
        %lt3A_1008 = arith.constant 0 : i32
        %lt3A_1009 = arith.cmpi slt, %select_n3A_1002, %lt3A_1008 : i32
        %ne3A_1010 = arith.xori %lt3A_1007, %lt3A_1009 : i1
        %and3A_1011 = arith.andi %ne3A_1010, %ne3A_1005 : i1
        %add3A_1012 = arith.addi %rem3A_1003, %select_n3A_1002 : i32
        %select_n3A_1013 = arith.select %and3A_1011, %add3A_1012, %rem3A_1003 : i32
        %broadcast_in_dim3A_1014 = vector.broadcast %select_n3A_1013 : i32 to vector<16xi32>
        %add3A_1015 = arith.constant 0 : i32
        %add3A_1016 = vector.broadcast %add3A_1015 : i32 to vector<16xi32>
        %add3A_1017 = arith.addi %iota3A, %add3A_1016 : vector<16xi32>
        %gather3A_1018 = arith.constant 1 : i32
        %gather3A_1019 = arith.constant 0 : i32
        %gather3A_1020 = arith.constant 0 : i32
        %gather3A_1021 = tpu.memref_slice %arg7[%gather3A_1018, %gather3A_1019, %gather3A_1020] : memref<4x32x128xf32, #tpu.memory_space<vmem>> -> memref<1x32x128xf32, #tpu.memory_space<vmem>>
        %gather3A_1022 = tpu.memref_squeeze %gather3A_1021 : memref<1x32x128xf32, #tpu.memory_space<vmem>> -> memref<32x128xf32, #tpu.memory_space<vmem>>
        %gather3A_1023 = tpu.vector_load_idx %gather3A_1022[%add3A_1017, %broadcast_in_dim3A_1014] : memref<32x128xf32, #tpu.memory_space<vmem>>[vector<16xi32>, vector<16xi32>], vector<16xf32>,
        %add3A_1024 = arith.addf %add3A_987, %gather3A_1023 : vector<16xf32>
        %add3A_1025 = arith.constant 16 : i32
        %add3A_1026 = vector.broadcast %add3A_1025 : i32 to vector<16xi32>
        %add3A_1027 = arith.addi %iota3A, %add3A_1026 : vector<16xi32>
        %gather3A_1028 = arith.constant 1 : i32
        %gather3A_1029 = arith.constant 0 : i32
        %gather3A_1030 = arith.constant 0 : i32
        %gather3A_1031 = tpu.memref_slice %arg7[%gather3A_1028, %gather3A_1029, %gather3A_1030] : memref<4x32x128xf32, #tpu.memory_space<vmem>> -> memref<1x32x128xf32, #tpu.memory_space<vmem>>
        %gather3A_1032 = tpu.memref_squeeze %gather3A_1031 : memref<1x32x128xf32, #tpu.memory_space<vmem>> -> memref<32x128xf32, #tpu.memory_space<vmem>>
        %gather3A_1033 = tpu.vector_load_idx %gather3A_1032[%add3A_1027, %broadcast_in_dim3A_1014] : memref<32x128xf32, #tpu.memory_space<vmem>>[vector<16xi32>, vector<16xi32>], vector<16xf32>,
        %add3A_1034 = arith.addf %add3A_997, %gather3A_1033 : vector<16xf32>
        %jit3A_1035 = arith.constant 128 : i32
        %eq3A_1036 = arith.constant 0 : i32
        %eq3A_1037 = arith.cmpi eq, %jit3A_1035, %eq3A_1036 : i32
        %jit3A_1038 = arith.constant 1 : i32
        %select_n3A_1039 = arith.select %eq3A_1037, %jit3A_1038, %jit3A_1035 : i32
        %rem3A_1040 = arith.remsi %reduce_sum3A_949, %select_n3A_1039 : i32
        %ne3A_1041 = arith.constant 0 : i32
        %ne3A_1042 = arith.cmpi ne, %rem3A_1040, %ne3A_1041 : i32
        %lt3A_1043 = arith.constant 0 : i32
        %lt3A_1044 = arith.cmpi slt, %rem3A_1040, %lt3A_1043 : i32
        %lt3A_1045 = arith.constant 0 : i32
        %lt3A_1046 = arith.cmpi slt, %select_n3A_1039, %lt3A_1045 : i32
        %ne3A_1047 = arith.xori %lt3A_1044, %lt3A_1046 : i1
        %and3A_1048 = arith.andi %ne3A_1047, %ne3A_1042 : i1
        %add3A_1049 = arith.addi %rem3A_1040, %select_n3A_1039 : i32
        %select_n3A_1050 = arith.select %and3A_1048, %add3A_1049, %rem3A_1040 : i32
        %broadcast_in_dim3A_1051 = vector.broadcast %select_n3A_1050 : i32 to vector<16xi32>
        %add3A_1052 = arith.constant 0 : i32
        %add3A_1053 = vector.broadcast %add3A_1052 : i32 to vector<16xi32>
        %add3A_1054 = arith.addi %iota3A, %add3A_1053 : vector<16xi32>
        %gather3A_1055 = arith.constant 2 : i32
        %gather3A_1056 = arith.constant 0 : i32
        %gather3A_1057 = arith.constant 0 : i32
        %gather3A_1058 = tpu.memref_slice %arg7[%gather3A_1055, %gather3A_1056, %gather3A_1057] : memref<4x32x128xf32, #tpu.memory_space<vmem>> -> memref<1x32x128xf32, #tpu.memory_space<vmem>>
        %gather3A_1059 = tpu.memref_squeeze %gather3A_1058 : memref<1x32x128xf32, #tpu.memory_space<vmem>> -> memref<32x128xf32, #tpu.memory_space<vmem>>
        %gather3A_1060 = tpu.vector_load_idx %gather3A_1059[%add3A_1054, %broadcast_in_dim3A_1051] : memref<32x128xf32, #tpu.memory_space<vmem>>[vector<16xi32>, vector<16xi32>], vector<16xf32>,
        %add3A_1061 = arith.addf %add3A_1024, %gather3A_1060 : vector<16xf32>
        %add3A_1062 = arith.constant 16 : i32
        %add3A_1063 = vector.broadcast %add3A_1062 : i32 to vector<16xi32>
        %add3A_1064 = arith.addi %iota3A, %add3A_1063 : vector<16xi32>
        %gather3A_1065 = arith.constant 2 : i32
        %gather3A_1066 = arith.constant 0 : i32
        %gather3A_1067 = arith.constant 0 : i32
        %gather3A_1068 = tpu.memref_slice %arg7[%gather3A_1065, %gather3A_1066, %gather3A_1067] : memref<4x32x128xf32, #tpu.memory_space<vmem>> -> memref<1x32x128xf32, #tpu.memory_space<vmem>>
        %gather3A_1069 = tpu.memref_squeeze %gather3A_1068 : memref<1x32x128xf32, #tpu.memory_space<vmem>> -> memref<32x128xf32, #tpu.memory_space<vmem>>
        %gather3A_1070 = tpu.vector_load_idx %gather3A_1069[%add3A_1064, %broadcast_in_dim3A_1051] : memref<32x128xf32, #tpu.memory_space<vmem>>[vector<16xi32>, vector<16xi32>], vector<16xf32>,
        %add3A_1071 = arith.addf %add3A_1034, %gather3A_1070 : vector<16xf32>
        %jit3A_1072 = arith.constant 128 : i32
        %eq3A_1073 = arith.constant 0 : i32
        %eq3A_1074 = arith.cmpi eq, %jit3A_1072, %eq3A_1073 : i32
        %jit3A_1075 = arith.constant 1 : i32
        %select_n3A_1076 = arith.select %eq3A_1074, %jit3A_1075, %jit3A_1072 : i32
        %rem3A_1077 = arith.remsi %reduce_sum3A_960, %select_n3A_1076 : i32
        %ne3A_1078 = arith.constant 0 : i32
        %ne3A_1079 = arith.cmpi ne, %rem3A_1077, %ne3A_1078 : i32
        %lt3A_1080 = arith.constant 0 : i32
        %lt3A_1081 = arith.cmpi slt, %rem3A_1077, %lt3A_1080 : i32
        %lt3A_1082 = arith.constant 0 : i32
        %lt3A_1083 = arith.cmpi slt, %select_n3A_1076, %lt3A_1082 : i32
        %ne3A_1084 = arith.xori %lt3A_1081, %lt3A_1083 : i1
        %and3A_1085 = arith.andi %ne3A_1084, %ne3A_1079 : i1
        %add3A_1086 = arith.addi %rem3A_1077, %select_n3A_1076 : i32
        %select_n3A_1087 = arith.select %and3A_1085, %add3A_1086, %rem3A_1077 : i32
        %broadcast_in_dim3A_1088 = vector.broadcast %select_n3A_1087 : i32 to vector<16xi32>
        %add3A_1089 = arith.constant 0 : i32
        %add3A_1090 = vector.broadcast %add3A_1089 : i32 to vector<16xi32>
        %add3A_1091 = arith.addi %iota3A, %add3A_1090 : vector<16xi32>
        %gather3A_1092 = arith.constant 3 : i32
        %gather3A_1093 = arith.constant 0 : i32
        %gather3A_1094 = arith.constant 0 : i32
        %gather3A_1095 = tpu.memref_slice %arg7[%gather3A_1092, %gather3A_1093, %gather3A_1094] : memref<4x32x128xf32, #tpu.memory_space<vmem>> -> memref<1x32x128xf32, #tpu.memory_space<vmem>>
        %gather3A_1096 = tpu.memref_squeeze %gather3A_1095 : memref<1x32x128xf32, #tpu.memory_space<vmem>> -> memref<32x128xf32, #tpu.memory_space<vmem>>
        %gather3A_1097 = tpu.vector_load_idx %gather3A_1096[%add3A_1091, %broadcast_in_dim3A_1088] : memref<32x128xf32, #tpu.memory_space<vmem>>[vector<16xi32>, vector<16xi32>], vector<16xf32>,
        %add3A_1098 = arith.addf %add3A_1061, %gather3A_1097 : vector<16xf32>
        %add3A_1099 = arith.constant 16 : i32
        %add3A_1100 = vector.broadcast %add3A_1099 : i32 to vector<16xi32>
        %add3A_1101 = arith.addi %iota3A, %add3A_1100 : vector<16xi32>
        %gather3A_1102 = arith.constant 3 : i32
        %gather3A_1103 = arith.constant 0 : i32
        %gather3A_1104 = arith.constant 0 : i32
        %gather3A_1105 = tpu.memref_slice %arg7[%gather3A_1102, %gather3A_1103, %gather3A_1104] : memref<4x32x128xf32, #tpu.memory_space<vmem>> -> memref<1x32x128xf32, #tpu.memory_space<vmem>>
        %gather3A_1106 = tpu.memref_squeeze %gather3A_1105 : memref<1x32x128xf32, #tpu.memory_space<vmem>> -> memref<32x128xf32, #tpu.memory_space<vmem>>
        %gather3A_1107 = tpu.vector_load_idx %gather3A_1106[%add3A_1101, %broadcast_in_dim3A_1088] : memref<32x128xf32, #tpu.memory_space<vmem>>[vector<16xi32>, vector<16xi32>], vector<16xf32>,
        %add3A_1108 = arith.addf %add3A_1071, %gather3A_1107 : vector<16xf32>
        scf.yield %add3A_1098, %add3A_1108 : vector<16xf32>, vector<16xf32>
      }
      %while3A_244 = arith.constant 1 : i32
      %while3A_245:2 = scf.for %while3A_252 = %while3A_241 to %while3A_237 step %while3A_244 iter_args(%while3A_253 = %while3A_243#0, %while3A_254 = %while3A_243#1) -> (vector<16xf32>, vector<16xf32>)  : i32 {
        %mul3A_255 = arith.constant 2 : i32
        %mul3A_256 = arith.muli %mul3A_255, %while3A_252 : i32
        %add3A_257 = arith.constant 1 : i32
        %add3A_258 = arith.addi %mul3A_256, %add3A_257 : i32
        %mul3A_259 = arith.constant 4 : i32
        %mul3A_260 = arith.muli %mul3A_259, %add3A_258 : i32
        %jit3A_261 = arith.constant 16 : i32
        %div3A_262 = arith.divsi %mul3A_260, %jit3A_261 : i32
        %sign3A_263 = arith.constant 0 : i32
        %sign3A_264 = arith.cmpi sgt, %mul3A_260, %sign3A_263 : i32
        %sign3A_265 = arith.extui %sign3A_264 : i1 to i32
        %sign3A_266 = arith.constant 0 : i32
        %sign3A_267 = arith.cmpi slt, %mul3A_260, %sign3A_266 : i32
        %sign3A_268 = arith.extui %sign3A_267 : i1 to i32
        %sign3A_269 = arith.subi %sign3A_265, %sign3A_268 : i32
        %sign3A_270 = arith.constant 0 : i32
        %sign3A_271 = arith.cmpi sgt, %jit3A_261, %sign3A_270 : i32
        %sign3A_272 = arith.extui %sign3A_271 : i1 to i32
        %sign3A_273 = arith.constant 0 : i32
        %sign3A_274 = arith.cmpi slt, %jit3A_261, %sign3A_273 : i32
        %sign3A_275 = arith.extui %sign3A_274 : i1 to i32
        %sign3A_276 = arith.subi %sign3A_272, %sign3A_275 : i32
        %ne3A_277 = arith.cmpi ne, %sign3A_269, %sign3A_276 : i32
        %rem3A_278 = arith.remsi %mul3A_260, %jit3A_261 : i32
        %ne3A_279 = arith.constant 0 : i32
        %ne3A_280 = arith.cmpi ne, %rem3A_278, %ne3A_279 : i32
        %and3A_281 = arith.andi %ne3A_277, %ne3A_280 : i1
        %sub3A_282 = arith.constant 1 : i32
        %sub3A_283 = arith.subi %div3A_262, %sub3A_282 : i32
        %select_n3A_284 = arith.select %and3A_281, %sub3A_283, %div3A_262 : i32
        %mul3A_285 = arith.constant 16 : i32
        %mul3A_286 = arith.muli %select_n3A_284, %mul3A_285 : i32
        %get3A_287 = arith.index_cast %mul3A_286 : i32 to index
        %get3A_288 = tpu.vector_load %arg5[%get3A_287] {strides = array<i32>} : memref<112xi32, #tpu.memory_space<vmem>>, vector<16xi32>,
        %mul3A_289 = arith.constant 4 : i32
        %mul3A_290 = arith.muli %mul3A_289, %add3A_258 : i32
        %jit3A_291 = arith.constant 16 : i32
        %eq3A_292 = arith.constant 0 : i32
        %eq3A_293 = arith.cmpi eq, %jit3A_291, %eq3A_292 : i32
        %jit3A_294 = arith.constant 1 : i32
        %select_n3A_295 = arith.select %eq3A_293, %jit3A_294, %jit3A_291 : i32
        %rem3A_296 = arith.remsi %mul3A_290, %select_n3A_295 : i32
        %ne3A_297 = arith.constant 0 : i32
        %ne3A_298 = arith.cmpi ne, %rem3A_296, %ne3A_297 : i32
        %lt3A_299 = arith.constant 0 : i32
        %lt3A_300 = arith.cmpi slt, %rem3A_296, %lt3A_299 : i32
        %lt3A_301 = arith.constant 0 : i32
        %lt3A_302 = arith.cmpi slt, %select_n3A_295, %lt3A_301 : i32
        %ne3A_303 = arith.xori %lt3A_300, %lt3A_302 : i1
        %and3A_304 = arith.andi %ne3A_303, %ne3A_298 : i1
        %add3A_305 = arith.addi %rem3A_296, %select_n3A_295 : i32
        %select_n3A_306 = arith.select %and3A_304, %add3A_305, %rem3A_296 : i32
        %add3A_307 = arith.constant 0 : i32
        %add3A_308 = arith.addi %select_n3A_306, %add3A_307 : i32
        %eq3A_309 = vector.broadcast %add3A_308 : i32 to vector<16xi32>
        %eq3A_310 = arith.cmpi eq, %iota3A, %eq3A_309 : vector<16xi32>
        %jit3A_311 = arith.constant 0 : i32
        %broadcast_in_dim3A_312 = vector.broadcast %jit3A_311 : i32 to vector<16xi32>
        %select_n3A_313 = arith.select %eq3A_310, %get3A_288, %broadcast_in_dim3A_312 : vector<16xi1>, vector<16xi32>
        %reduce_sum3A_314 = arith.constant true
        %reduce_sum3A_315 = vector.broadcast %reduce_sum3A_314 : i1 to vector<16xi1>
        %reduce_sum3A_316 = tpu.scan <sum>, %select_n3A_313 masked %reduce_sum3A_315 : vector<16xi32>, vector<16xi1> -> vector<16xi32>
        %reduce_sum3A_317 = vector.extract %reduce_sum3A_316[15] : i32 from vector<16xi32>
        %add3A_318 = arith.constant 1 : i32
        %add3A_319 = arith.addi %select_n3A_306, %add3A_318 : i32
        %eq3A_320 = vector.broadcast %add3A_319 : i32 to vector<16xi32>
        %eq3A_321 = arith.cmpi eq, %iota3A, %eq3A_320 : vector<16xi32>
        %jit3A_322 = arith.constant 0 : i32
        %broadcast_in_dim3A_323 = vector.broadcast %jit3A_322 : i32 to vector<16xi32>
        %select_n3A_324 = arith.select %eq3A_321, %get3A_288, %broadcast_in_dim3A_323 : vector<16xi1>, vector<16xi32>
        %reduce_sum3A_325 = arith.constant true
        %reduce_sum3A_326 = vector.broadcast %reduce_sum3A_325 : i1 to vector<16xi1>
        %reduce_sum3A_327 = tpu.scan <sum>, %select_n3A_324 masked %reduce_sum3A_326 : vector<16xi32>, vector<16xi1> -> vector<16xi32>
        %reduce_sum3A_328 = vector.extract %reduce_sum3A_327[15] : i32 from vector<16xi32>
        %add3A_329 = arith.constant 2 : i32
        %add3A_330 = arith.addi %select_n3A_306, %add3A_329 : i32
        %eq3A_331 = vector.broadcast %add3A_330 : i32 to vector<16xi32>
        %eq3A_332 = arith.cmpi eq, %iota3A, %eq3A_331 : vector<16xi32>
        %jit3A_333 = arith.constant 0 : i32
        %broadcast_in_dim3A_334 = vector.broadcast %jit3A_333 : i32 to vector<16xi32>
        %select_n3A_335 = arith.select %eq3A_332, %get3A_288, %broadcast_in_dim3A_334 : vector<16xi1>, vector<16xi32>
        %reduce_sum3A_336 = arith.constant true
        %reduce_sum3A_337 = vector.broadcast %reduce_sum3A_336 : i1 to vector<16xi1>
        %reduce_sum3A_338 = tpu.scan <sum>, %select_n3A_335 masked %reduce_sum3A_337 : vector<16xi32>, vector<16xi1> -> vector<16xi32>
        %reduce_sum3A_339 = vector.extract %reduce_sum3A_338[15] : i32 from vector<16xi32>
        %add3A_340 = arith.constant 3 : i32
        %add3A_341 = arith.addi %select_n3A_306, %add3A_340 : i32
        %eq3A_342 = vector.broadcast %add3A_341 : i32 to vector<16xi32>
        %eq3A_343 = arith.cmpi eq, %iota3A, %eq3A_342 : vector<16xi32>
        %jit3A_344 = arith.constant 0 : i32
        %broadcast_in_dim3A_345 = vector.broadcast %jit3A_344 : i32 to vector<16xi32>
        %select_n3A_346 = arith.select %eq3A_343, %get3A_288, %broadcast_in_dim3A_345 : vector<16xi1>, vector<16xi32>
        %reduce_sum3A_347 = arith.constant true
        %reduce_sum3A_348 = vector.broadcast %reduce_sum3A_347 : i1 to vector<16xi1>
        %reduce_sum3A_349 = tpu.scan <sum>, %select_n3A_346 masked %reduce_sum3A_348 : vector<16xi32>, vector<16xi1> -> vector<16xi32>
        %reduce_sum3A_350 = vector.extract %reduce_sum3A_349[15] : i32 from vector<16xi32>
        %jit3A_351 = arith.constant 128 : i32
        %div3A_352 = arith.divsi %reduce_sum3A_317, %jit3A_351 : i32
        %sign3A_353 = arith.constant 0 : i32
        %sign3A_354 = arith.cmpi sgt, %reduce_sum3A_317, %sign3A_353 : i32
        %sign3A_355 = arith.extui %sign3A_354 : i1 to i32
        %sign3A_356 = arith.constant 0 : i32
        %sign3A_357 = arith.cmpi slt, %reduce_sum3A_317, %sign3A_356 : i32
        %sign3A_358 = arith.extui %sign3A_357 : i1 to i32
        %sign3A_359 = arith.subi %sign3A_355, %sign3A_358 : i32
        %sign3A_360 = arith.constant 0 : i32
        %sign3A_361 = arith.cmpi sgt, %jit3A_351, %sign3A_360 : i32
        %sign3A_362 = arith.extui %sign3A_361 : i1 to i32
        %sign3A_363 = arith.constant 0 : i32
        %sign3A_364 = arith.cmpi slt, %jit3A_351, %sign3A_363 : i32
        %sign3A_365 = arith.extui %sign3A_364 : i1 to i32
        %sign3A_366 = arith.subi %sign3A_362, %sign3A_365 : i32
        %ne3A_367 = arith.cmpi ne, %sign3A_359, %sign3A_366 : i32
        %rem3A_368 = arith.remsi %reduce_sum3A_317, %jit3A_351 : i32
        %ne3A_369 = arith.constant 0 : i32
        %ne3A_370 = arith.cmpi ne, %rem3A_368, %ne3A_369 : i32
        %and3A_371 = arith.andi %ne3A_367, %ne3A_370 : i1
        %sub3A_372 = arith.constant 1 : i32
        %sub3A_373 = arith.subi %div3A_352, %sub3A_372 : i32
        %select_n3A_374 = arith.select %and3A_371, %sub3A_373, %div3A_352 : i32
        %mul3A_375 = arith.constant 128 : i32
        %mul3A_376 = arith.muli %select_n3A_374, %mul3A_375 : i32
        %multiple_of3A_377 = tpu.assume_multiple %mul3A_376, 128 : i32
        %dma_start3A_378 = arith.constant 0 : i32
        %dma_start3A_379 = arith.constant 0 : i32
        %dma_start3A_380 = arith.constant 0 : i32
        %dma_start3A_381 = tpu.memref_slice %arg7[%dma_start3A_378, %dma_start3A_379, %dma_start3A_380] : memref<4x32x128xf32, #tpu.memory_space<vmem>> -> memref<1x32x128xf32, #tpu.memory_space<vmem>>
        %dma_start3A_382 = tpu.memref_squeeze %dma_start3A_381 : memref<1x32x128xf32, #tpu.memory_space<vmem>> -> memref<32x128xf32, #tpu.memory_space<vmem>>
        %dma_start3A_383 = tpu.memref_slice %arg3[%multiple_of3A, %multiple_of3A_377] : memref<64x1000000xf32, #tpu.memory_space<hbm>> -> memref<32x128xf32, #tpu.memory_space<hbm>>
        %dma_start3A_384 = arith.constant 0 : i32
        %dma_start3A_385 = arith.constant 0 : i32
        %dma_start3A_386 = tpu.memref_slice %arg7[%dma_start3A_378, %dma_start3A_384, %dma_start3A_385] : memref<4x32x128xf32, #tpu.memory_space<vmem>> -> memref<1x32x128xf32, #tpu.memory_space<vmem>>
        %dma_start3A_387 = tpu.memref_squeeze %dma_start3A_386 : memref<1x32x128xf32, #tpu.memory_space<vmem>> -> memref<32x128xf32, #tpu.memory_space<vmem>>
        %dma_start3A_388 = tpu.memref_slice %arg3[%multiple_of3A, %multiple_of3A_377] : memref<64x1000000xf32, #tpu.memory_space<hbm>> -> memref<32x128xf32, #tpu.memory_space<hbm>>
        tpu.enqueue_dma source(%dma_start3A_388 : memref<32x128xf32, #tpu.memory_space<hbm>>) target(%dma_start3A_387 : memref<32x128xf32, #tpu.memory_space<vmem>>) target_semaphore(%arg10 : memref<!tpu.dma_semaphore, #tpu.memory_space<semaphore_mem>>)
        %jit3A_389 = arith.constant 128 : i32
        %div3A_390 = arith.divsi %reduce_sum3A_328, %jit3A_389 : i32
        %sign3A_391 = arith.constant 0 : i32
        %sign3A_392 = arith.cmpi sgt, %reduce_sum3A_328, %sign3A_391 : i32
        %sign3A_393 = arith.extui %sign3A_392 : i1 to i32
        %sign3A_394 = arith.constant 0 : i32
        %sign3A_395 = arith.cmpi slt, %reduce_sum3A_328, %sign3A_394 : i32
        %sign3A_396 = arith.extui %sign3A_395 : i1 to i32
        %sign3A_397 = arith.subi %sign3A_393, %sign3A_396 : i32
        %sign3A_398 = arith.constant 0 : i32
        %sign3A_399 = arith.cmpi sgt, %jit3A_389, %sign3A_398 : i32
        %sign3A_400 = arith.extui %sign3A_399 : i1 to i32
        %sign3A_401 = arith.constant 0 : i32
        %sign3A_402 = arith.cmpi slt, %jit3A_389, %sign3A_401 : i32
        %sign3A_403 = arith.extui %sign3A_402 : i1 to i32
        %sign3A_404 = arith.subi %sign3A_400, %sign3A_403 : i32
        %ne3A_405 = arith.cmpi ne, %sign3A_397, %sign3A_404 : i32
        %rem3A_406 = arith.remsi %reduce_sum3A_328, %jit3A_389 : i32
        %ne3A_407 = arith.constant 0 : i32
        %ne3A_408 = arith.cmpi ne, %rem3A_406, %ne3A_407 : i32
        %and3A_409 = arith.andi %ne3A_405, %ne3A_408 : i1
        %sub3A_410 = arith.constant 1 : i32
        %sub3A_411 = arith.subi %div3A_390, %sub3A_410 : i32
        %select_n3A_412 = arith.select %and3A_409, %sub3A_411, %div3A_390 : i32
        %mul3A_413 = arith.constant 128 : i32
        %mul3A_414 = arith.muli %select_n3A_412, %mul3A_413 : i32
        %multiple_of3A_415 = tpu.assume_multiple %mul3A_414, 128 : i32
        %dma_start3A_416 = arith.constant 1 : i32
        %dma_start3A_417 = arith.constant 0 : i32
        %dma_start3A_418 = arith.constant 0 : i32
        %dma_start3A_419 = tpu.memref_slice %arg7[%dma_start3A_416, %dma_start3A_417, %dma_start3A_418] : memref<4x32x128xf32, #tpu.memory_space<vmem>> -> memref<1x32x128xf32, #tpu.memory_space<vmem>>
        %dma_start3A_420 = tpu.memref_squeeze %dma_start3A_419 : memref<1x32x128xf32, #tpu.memory_space<vmem>> -> memref<32x128xf32, #tpu.memory_space<vmem>>
        %dma_start3A_421 = tpu.memref_slice %arg3[%multiple_of3A, %multiple_of3A_415] : memref<64x1000000xf32, #tpu.memory_space<hbm>> -> memref<32x128xf32, #tpu.memory_space<hbm>>
        %dma_start3A_422 = arith.constant 0 : i32
        %dma_start3A_423 = arith.constant 0 : i32
        %dma_start3A_424 = tpu.memref_slice %arg7[%dma_start3A_416, %dma_start3A_422, %dma_start3A_423] : memref<4x32x128xf32, #tpu.memory_space<vmem>> -> memref<1x32x128xf32, #tpu.memory_space<vmem>>
        %dma_start3A_425 = tpu.memref_squeeze %dma_start3A_424 : memref<1x32x128xf32, #tpu.memory_space<vmem>> -> memref<32x128xf32, #tpu.memory_space<vmem>>
        %dma_start3A_426 = tpu.memref_slice %arg3[%multiple_of3A, %multiple_of3A_415] : memref<64x1000000xf32, #tpu.memory_space<hbm>> -> memref<32x128xf32, #tpu.memory_space<hbm>>
        tpu.enqueue_dma source(%dma_start3A_426 : memref<32x128xf32, #tpu.memory_space<hbm>>) target(%dma_start3A_425 : memref<32x128xf32, #tpu.memory_space<vmem>>) target_semaphore(%arg10 : memref<!tpu.dma_semaphore, #tpu.memory_space<semaphore_mem>>)
        %jit3A_427 = arith.constant 128 : i32
        %div3A_428 = arith.divsi %reduce_sum3A_339, %jit3A_427 : i32
        %sign3A_429 = arith.constant 0 : i32
        %sign3A_430 = arith.cmpi sgt, %reduce_sum3A_339, %sign3A_429 : i32
        %sign3A_431 = arith.extui %sign3A_430 : i1 to i32
        %sign3A_432 = arith.constant 0 : i32
        %sign3A_433 = arith.cmpi slt, %reduce_sum3A_339, %sign3A_432 : i32
        %sign3A_434 = arith.extui %sign3A_433 : i1 to i32
        %sign3A_435 = arith.subi %sign3A_431, %sign3A_434 : i32
        %sign3A_436 = arith.constant 0 : i32
        %sign3A_437 = arith.cmpi sgt, %jit3A_427, %sign3A_436 : i32
        %sign3A_438 = arith.extui %sign3A_437 : i1 to i32
        %sign3A_439 = arith.constant 0 : i32
        %sign3A_440 = arith.cmpi slt, %jit3A_427, %sign3A_439 : i32
        %sign3A_441 = arith.extui %sign3A_440 : i1 to i32
        %sign3A_442 = arith.subi %sign3A_438, %sign3A_441 : i32
        %ne3A_443 = arith.cmpi ne, %sign3A_435, %sign3A_442 : i32
        %rem3A_444 = arith.remsi %reduce_sum3A_339, %jit3A_427 : i32
        %ne3A_445 = arith.constant 0 : i32
        %ne3A_446 = arith.cmpi ne, %rem3A_444, %ne3A_445 : i32
        %and3A_447 = arith.andi %ne3A_443, %ne3A_446 : i1
        %sub3A_448 = arith.constant 1 : i32
        %sub3A_449 = arith.subi %div3A_428, %sub3A_448 : i32
        %select_n3A_450 = arith.select %and3A_447, %sub3A_449, %div3A_428 : i32
        %mul3A_451 = arith.constant 128 : i32
        %mul3A_452 = arith.muli %select_n3A_450, %mul3A_451 : i32
        %multiple_of3A_453 = tpu.assume_multiple %mul3A_452, 128 : i32
        %dma_start3A_454 = arith.constant 2 : i32
        %dma_start3A_455 = arith.constant 0 : i32
        %dma_start3A_456 = arith.constant 0 : i32
        %dma_start3A_457 = tpu.memref_slice %arg7[%dma_start3A_454, %dma_start3A_455, %dma_start3A_456] : memref<4x32x128xf32, #tpu.memory_space<vmem>> -> memref<1x32x128xf32, #tpu.memory_space<vmem>>
        %dma_start3A_458 = tpu.memref_squeeze %dma_start3A_457 : memref<1x32x128xf32, #tpu.memory_space<vmem>> -> memref<32x128xf32, #tpu.memory_space<vmem>>
        %dma_start3A_459 = tpu.memref_slice %arg3[%multiple_of3A, %multiple_of3A_453] : memref<64x1000000xf32, #tpu.memory_space<hbm>> -> memref<32x128xf32, #tpu.memory_space<hbm>>
        %dma_start3A_460 = arith.constant 0 : i32
        %dma_start3A_461 = arith.constant 0 : i32
        %dma_start3A_462 = tpu.memref_slice %arg7[%dma_start3A_454, %dma_start3A_460, %dma_start3A_461] : memref<4x32x128xf32, #tpu.memory_space<vmem>> -> memref<1x32x128xf32, #tpu.memory_space<vmem>>
        %dma_start3A_463 = tpu.memref_squeeze %dma_start3A_462 : memref<1x32x128xf32, #tpu.memory_space<vmem>> -> memref<32x128xf32, #tpu.memory_space<vmem>>
        %dma_start3A_464 = tpu.memref_slice %arg3[%multiple_of3A, %multiple_of3A_453] : memref<64x1000000xf32, #tpu.memory_space<hbm>> -> memref<32x128xf32, #tpu.memory_space<hbm>>
        tpu.enqueue_dma source(%dma_start3A_464 : memref<32x128xf32, #tpu.memory_space<hbm>>) target(%dma_start3A_463 : memref<32x128xf32, #tpu.memory_space<vmem>>) target_semaphore(%arg10 : memref<!tpu.dma_semaphore, #tpu.memory_space<semaphore_mem>>)
        %jit3A_465 = arith.constant 128 : i32
        %div3A_466 = arith.divsi %reduce_sum3A_350, %jit3A_465 : i32
        %sign3A_467 = arith.constant 0 : i32
        %sign3A_468 = arith.cmpi sgt, %reduce_sum3A_350, %sign3A_467 : i32
        %sign3A_469 = arith.extui %sign3A_468 : i1 to i32
        %sign3A_470 = arith.constant 0 : i32
        %sign3A_471 = arith.cmpi slt, %reduce_sum3A_350, %sign3A_470 : i32
        %sign3A_472 = arith.extui %sign3A_471 : i1 to i32
        %sign3A_473 = arith.subi %sign3A_469, %sign3A_472 : i32
        %sign3A_474 = arith.constant 0 : i32
        %sign3A_475 = arith.cmpi sgt, %jit3A_465, %sign3A_474 : i32
        %sign3A_476 = arith.extui %sign3A_475 : i1 to i32
        %sign3A_477 = arith.constant 0 : i32
        %sign3A_478 = arith.cmpi slt, %jit3A_465, %sign3A_477 : i32
        %sign3A_479 = arith.extui %sign3A_478 : i1 to i32
        %sign3A_480 = arith.subi %sign3A_476, %sign3A_479 : i32
        %ne3A_481 = arith.cmpi ne, %sign3A_473, %sign3A_480 : i32
        %rem3A_482 = arith.remsi %reduce_sum3A_350, %jit3A_465 : i32
        %ne3A_483 = arith.constant 0 : i32
        %ne3A_484 = arith.cmpi ne, %rem3A_482, %ne3A_483 : i32
        %and3A_485 = arith.andi %ne3A_481, %ne3A_484 : i1
        %sub3A_486 = arith.constant 1 : i32
        %sub3A_487 = arith.subi %div3A_466, %sub3A_486 : i32
        %select_n3A_488 = arith.select %and3A_485, %sub3A_487, %div3A_466 : i32
        %mul3A_489 = arith.constant 128 : i32
        %mul3A_490 = arith.muli %select_n3A_488, %mul3A_489 : i32
        %multiple_of3A_491 = tpu.assume_multiple %mul3A_490, 128 : i32
        %dma_start3A_492 = arith.constant 3 : i32
        %dma_start3A_493 = arith.constant 0 : i32
        %dma_start3A_494 = arith.constant 0 : i32
        %dma_start3A_495 = tpu.memref_slice %arg7[%dma_start3A_492, %dma_start3A_493, %dma_start3A_494] : memref<4x32x128xf32, #tpu.memory_space<vmem>> -> memref<1x32x128xf32, #tpu.memory_space<vmem>>
        %dma_start3A_496 = tpu.memref_squeeze %dma_start3A_495 : memref<1x32x128xf32, #tpu.memory_space<vmem>> -> memref<32x128xf32, #tpu.memory_space<vmem>>
        %dma_start3A_497 = tpu.memref_slice %arg3[%multiple_of3A, %multiple_of3A_491] : memref<64x1000000xf32, #tpu.memory_space<hbm>> -> memref<32x128xf32, #tpu.memory_space<hbm>>
        %dma_start3A_498 = arith.constant 0 : i32
        %dma_start3A_499 = arith.constant 0 : i32
        %dma_start3A_500 = tpu.memref_slice %arg7[%dma_start3A_492, %dma_start3A_498, %dma_start3A_499] : memref<4x32x128xf32, #tpu.memory_space<vmem>> -> memref<1x32x128xf32, #tpu.memory_space<vmem>>
        %dma_start3A_501 = tpu.memref_squeeze %dma_start3A_500 : memref<1x32x128xf32, #tpu.memory_space<vmem>> -> memref<32x128xf32, #tpu.memory_space<vmem>>
        %dma_start3A_502 = tpu.memref_slice %arg3[%multiple_of3A, %multiple_of3A_491] : memref<64x1000000xf32, #tpu.memory_space<hbm>> -> memref<32x128xf32, #tpu.memory_space<hbm>>
        tpu.enqueue_dma source(%dma_start3A_502 : memref<32x128xf32, #tpu.memory_space<hbm>>) target(%dma_start3A_501 : memref<32x128xf32, #tpu.memory_space<vmem>>) target_semaphore(%arg10 : memref<!tpu.dma_semaphore, #tpu.memory_space<semaphore_mem>>)
        %dma_wait3A = arith.constant 0 : i32
        %dma_wait3A_503 = arith.constant 0 : i32
        %dma_wait3A_504 = arith.constant 0 : i32
        %dma_wait3A_505 = tpu.memref_slice %arg6[%dma_wait3A, %dma_wait3A_503, %dma_wait3A_504] : memref<4x32x128xf32, #tpu.memory_space<vmem>> -> memref<1x32x128xf32, #tpu.memory_space<vmem>>
        %dma_wait3A_506 = tpu.memref_squeeze %dma_wait3A_505 : memref<1x32x128xf32, #tpu.memory_space<vmem>> -> memref<32x128xf32, #tpu.memory_space<vmem>>
        %dma_wait3A_507 = arith.constant 0 : i32
        %dma_wait3A_508 = arith.constant 0 : i32
        %dma_wait3A_509 = tpu.memref_slice %arg3[%dma_wait3A_507, %dma_wait3A_508] : memref<64x1000000xf32, #tpu.memory_space<hbm>> -> memref<32x128xf32, #tpu.memory_space<hbm>>
        %dma_wait3A_510 = arith.constant 0 : i32
        %dma_wait3A_511 = arith.constant 0 : i32
        %dma_wait3A_512 = tpu.memref_slice %arg6[%dma_wait3A, %dma_wait3A_510, %dma_wait3A_511] : memref<4x32x128xf32, #tpu.memory_space<vmem>> -> memref<1x32x128xf32, #tpu.memory_space<vmem>>
        %dma_wait3A_513 = tpu.memref_squeeze %dma_wait3A_512 : memref<1x32x128xf32, #tpu.memory_space<vmem>> -> memref<32x128xf32, #tpu.memory_space<vmem>>
        %dma_wait3A_514 = arith.constant 0 : i32
        %dma_wait3A_515 = arith.constant 0 : i32
        %dma_wait3A_516 = tpu.memref_slice %arg3[%dma_wait3A_514, %dma_wait3A_515] : memref<64x1000000xf32, #tpu.memory_space<hbm>> -> memref<32x128xf32, #tpu.memory_space<hbm>>
        tpu.wait_dma2 semaphore(%arg9 : memref<!tpu.dma_semaphore, #tpu.memory_space<semaphore_mem>>) src(%dma_wait3A_516 : memref<32x128xf32, #tpu.memory_space<hbm>>) dst(%dma_wait3A_513 : memref<32x128xf32, #tpu.memory_space<vmem>>)
        %dma_wait3A_517 = arith.constant 1 : i32
        %dma_wait3A_518 = arith.constant 0 : i32
        %dma_wait3A_519 = arith.constant 0 : i32
        %dma_wait3A_520 = tpu.memref_slice %arg6[%dma_wait3A_517, %dma_wait3A_518, %dma_wait3A_519] : memref<4x32x128xf32, #tpu.memory_space<vmem>> -> memref<1x32x128xf32, #tpu.memory_space<vmem>>
        %dma_wait3A_521 = tpu.memref_squeeze %dma_wait3A_520 : memref<1x32x128xf32, #tpu.memory_space<vmem>> -> memref<32x128xf32, #tpu.memory_space<vmem>>
        %dma_wait3A_522 = arith.constant 0 : i32
        %dma_wait3A_523 = arith.constant 0 : i32
        %dma_wait3A_524 = tpu.memref_slice %arg3[%dma_wait3A_522, %dma_wait3A_523] : memref<64x1000000xf32, #tpu.memory_space<hbm>> -> memref<32x128xf32, #tpu.memory_space<hbm>>
        %dma_wait3A_525 = arith.constant 0 : i32
        %dma_wait3A_526 = arith.constant 0 : i32
        %dma_wait3A_527 = tpu.memref_slice %arg6[%dma_wait3A_517, %dma_wait3A_525, %dma_wait3A_526] : memref<4x32x128xf32, #tpu.memory_space<vmem>> -> memref<1x32x128xf32, #tpu.memory_space<vmem>>
        %dma_wait3A_528 = tpu.memref_squeeze %dma_wait3A_527 : memref<1x32x128xf32, #tpu.memory_space<vmem>> -> memref<32x128xf32, #tpu.memory_space<vmem>>
        %dma_wait3A_529 = arith.constant 0 : i32
        %dma_wait3A_530 = arith.constant 0 : i32
        %dma_wait3A_531 = tpu.memref_slice %arg3[%dma_wait3A_529, %dma_wait3A_530] : memref<64x1000000xf32, #tpu.memory_space<hbm>> -> memref<32x128xf32, #tpu.memory_space<hbm>>
        tpu.wait_dma2 semaphore(%arg9 : memref<!tpu.dma_semaphore, #tpu.memory_space<semaphore_mem>>) src(%dma_wait3A_531 : memref<32x128xf32, #tpu.memory_space<hbm>>) dst(%dma_wait3A_528 : memref<32x128xf32, #tpu.memory_space<vmem>>)
        %dma_wait3A_532 = arith.constant 2 : i32
        %dma_wait3A_533 = arith.constant 0 : i32
        %dma_wait3A_534 = arith.constant 0 : i32
        %dma_wait3A_535 = tpu.memref_slice %arg6[%dma_wait3A_532, %dma_wait3A_533, %dma_wait3A_534] : memref<4x32x128xf32, #tpu.memory_space<vmem>> -> memref<1x32x128xf32, #tpu.memory_space<vmem>>
        %dma_wait3A_536 = tpu.memref_squeeze %dma_wait3A_535 : memref<1x32x128xf32, #tpu.memory_space<vmem>> -> memref<32x128xf32, #tpu.memory_space<vmem>>
        %dma_wait3A_537 = arith.constant 0 : i32
        %dma_wait3A_538 = arith.constant 0 : i32
        %dma_wait3A_539 = tpu.memref_slice %arg3[%dma_wait3A_537, %dma_wait3A_538] : memref<64x1000000xf32, #tpu.memory_space<hbm>> -> memref<32x128xf32, #tpu.memory_space<hbm>>
        %dma_wait3A_540 = arith.constant 0 : i32
        %dma_wait3A_541 = arith.constant 0 : i32
        %dma_wait3A_542 = tpu.memref_slice %arg6[%dma_wait3A_532, %dma_wait3A_540, %dma_wait3A_541] : memref<4x32x128xf32, #tpu.memory_space<vmem>> -> memref<1x32x128xf32, #tpu.memory_space<vmem>>
        %dma_wait3A_543 = tpu.memref_squeeze %dma_wait3A_542 : memref<1x32x128xf32, #tpu.memory_space<vmem>> -> memref<32x128xf32, #tpu.memory_space<vmem>>
        %dma_wait3A_544 = arith.constant 0 : i32
        %dma_wait3A_545 = arith.constant 0 : i32
        %dma_wait3A_546 = tpu.memref_slice %arg3[%dma_wait3A_544, %dma_wait3A_545] : memref<64x1000000xf32, #tpu.memory_space<hbm>> -> memref<32x128xf32, #tpu.memory_space<hbm>>
        tpu.wait_dma2 semaphore(%arg9 : memref<!tpu.dma_semaphore, #tpu.memory_space<semaphore_mem>>) src(%dma_wait3A_546 : memref<32x128xf32, #tpu.memory_space<hbm>>) dst(%dma_wait3A_543 : memref<32x128xf32, #tpu.memory_space<vmem>>)
        %dma_wait3A_547 = arith.constant 3 : i32
        %dma_wait3A_548 = arith.constant 0 : i32
        %dma_wait3A_549 = arith.constant 0 : i32
        %dma_wait3A_550 = tpu.memref_slice %arg6[%dma_wait3A_547, %dma_wait3A_548, %dma_wait3A_549] : memref<4x32x128xf32, #tpu.memory_space<vmem>> -> memref<1x32x128xf32, #tpu.memory_space<vmem>>
        %dma_wait3A_551 = tpu.memref_squeeze %dma_wait3A_550 : memref<1x32x128xf32, #tpu.memory_space<vmem>> -> memref<32x128xf32, #tpu.memory_space<vmem>>
        %dma_wait3A_552 = arith.constant 0 : i32
        %dma_wait3A_553 = arith.constant 0 : i32
        %dma_wait3A_554 = tpu.memref_slice %arg3[%dma_wait3A_552, %dma_wait3A_553] : memref<64x1000000xf32, #tpu.memory_space<hbm>> -> memref<32x128xf32, #tpu.memory_space<hbm>>
        %dma_wait3A_555 = arith.constant 0 : i32
        %dma_wait3A_556 = arith.constant 0 : i32
        %dma_wait3A_557 = tpu.memref_slice %arg6[%dma_wait3A_547, %dma_wait3A_555, %dma_wait3A_556] : memref<4x32x128xf32, #tpu.memory_space<vmem>> -> memref<1x32x128xf32, #tpu.memory_space<vmem>>
        %dma_wait3A_558 = tpu.memref_squeeze %dma_wait3A_557 : memref<1x32x128xf32, #tpu.memory_space<vmem>> -> memref<32x128xf32, #tpu.memory_space<vmem>>
        %dma_wait3A_559 = arith.constant 0 : i32
        %dma_wait3A_560 = arith.constant 0 : i32
        %dma_wait3A_561 = tpu.memref_slice %arg3[%dma_wait3A_559, %dma_wait3A_560] : memref<64x1000000xf32, #tpu.memory_space<hbm>> -> memref<32x128xf32, #tpu.memory_space<hbm>>
        tpu.wait_dma2 semaphore(%arg9 : memref<!tpu.dma_semaphore, #tpu.memory_space<semaphore_mem>>) src(%dma_wait3A_561 : memref<32x128xf32, #tpu.memory_space<hbm>>) dst(%dma_wait3A_558 : memref<32x128xf32, #tpu.memory_space<vmem>>)
        %mul3A_562 = arith.constant 4 : i32
        %mul3A_563 = arith.muli %mul3A_562, %mul3A_256 : i32
        %jit3A_564 = arith.constant 16 : i32
        %div3A_565 = arith.divsi %mul3A_563, %jit3A_564 : i32
        %sign3A_566 = arith.constant 0 : i32
        %sign3A_567 = arith.cmpi sgt, %mul3A_563, %sign3A_566 : i32
        %sign3A_568 = arith.extui %sign3A_567 : i1 to i32
        %sign3A_569 = arith.constant 0 : i32
        %sign3A_570 = arith.cmpi slt, %mul3A_563, %sign3A_569 : i32
        %sign3A_571 = arith.extui %sign3A_570 : i1 to i32
        %sign3A_572 = arith.subi %sign3A_568, %sign3A_571 : i32
        %sign3A_573 = arith.constant 0 : i32
        %sign3A_574 = arith.cmpi sgt, %jit3A_564, %sign3A_573 : i32
        %sign3A_575 = arith.extui %sign3A_574 : i1 to i32
        %sign3A_576 = arith.constant 0 : i32
        %sign3A_577 = arith.cmpi slt, %jit3A_564, %sign3A_576 : i32
        %sign3A_578 = arith.extui %sign3A_577 : i1 to i32
        %sign3A_579 = arith.subi %sign3A_575, %sign3A_578 : i32
        %ne3A_580 = arith.cmpi ne, %sign3A_572, %sign3A_579 : i32
        %rem3A_581 = arith.remsi %mul3A_563, %jit3A_564 : i32
        %ne3A_582 = arith.constant 0 : i32
        %ne3A_583 = arith.cmpi ne, %rem3A_581, %ne3A_582 : i32
        %and3A_584 = arith.andi %ne3A_580, %ne3A_583 : i1
        %sub3A_585 = arith.constant 1 : i32
        %sub3A_586 = arith.subi %div3A_565, %sub3A_585 : i32
        %select_n3A_587 = arith.select %and3A_584, %sub3A_586, %div3A_565 : i32
        %mul3A_588 = arith.constant 16 : i32
        %mul3A_589 = arith.muli %select_n3A_587, %mul3A_588 : i32
        %get3A_590 = arith.index_cast %mul3A_589 : i32 to index
        %get3A_591 = tpu.vector_load %arg5[%get3A_590] {strides = array<i32>} : memref<112xi32, #tpu.memory_space<vmem>>, vector<16xi32>,
        %mul3A_592 = arith.constant 4 : i32
        %mul3A_593 = arith.muli %mul3A_592, %mul3A_256 : i32
        %jit3A_594 = arith.constant 16 : i32
        %eq3A_595 = arith.constant 0 : i32
        %eq3A_596 = arith.cmpi eq, %jit3A_594, %eq3A_595 : i32
        %jit3A_597 = arith.constant 1 : i32
        %select_n3A_598 = arith.select %eq3A_596, %jit3A_597, %jit3A_594 : i32
        %rem3A_599 = arith.remsi %mul3A_593, %select_n3A_598 : i32
        %ne3A_600 = arith.constant 0 : i32
        %ne3A_601 = arith.cmpi ne, %rem3A_599, %ne3A_600 : i32
        %lt3A_602 = arith.constant 0 : i32
        %lt3A_603 = arith.cmpi slt, %rem3A_599, %lt3A_602 : i32
        %lt3A_604 = arith.constant 0 : i32
        %lt3A_605 = arith.cmpi slt, %select_n3A_598, %lt3A_604 : i32
        %ne3A_606 = arith.xori %lt3A_603, %lt3A_605 : i1
        %and3A_607 = arith.andi %ne3A_606, %ne3A_601 : i1
        %add3A_608 = arith.addi %rem3A_599, %select_n3A_598 : i32
        %select_n3A_609 = arith.select %and3A_607, %add3A_608, %rem3A_599 : i32
        %add3A_610 = arith.constant 0 : i32
        %add3A_611 = arith.addi %select_n3A_609, %add3A_610 : i32
        %eq3A_612 = vector.broadcast %add3A_611 : i32 to vector<16xi32>
        %eq3A_613 = arith.cmpi eq, %iota3A, %eq3A_612 : vector<16xi32>
        %jit3A_614 = arith.constant 0 : i32
        %broadcast_in_dim3A_615 = vector.broadcast %jit3A_614 : i32 to vector<16xi32>
        %select_n3A_616 = arith.select %eq3A_613, %get3A_591, %broadcast_in_dim3A_615 : vector<16xi1>, vector<16xi32>
        %reduce_sum3A_617 = arith.constant true
        %reduce_sum3A_618 = vector.broadcast %reduce_sum3A_617 : i1 to vector<16xi1>
        %reduce_sum3A_619 = tpu.scan <sum>, %select_n3A_616 masked %reduce_sum3A_618 : vector<16xi32>, vector<16xi1> -> vector<16xi32>
        %reduce_sum3A_620 = vector.extract %reduce_sum3A_619[15] : i32 from vector<16xi32>
        %add3A_621 = arith.constant 1 : i32
        %add3A_622 = arith.addi %select_n3A_609, %add3A_621 : i32
        %eq3A_623 = vector.broadcast %add3A_622 : i32 to vector<16xi32>
        %eq3A_624 = arith.cmpi eq, %iota3A, %eq3A_623 : vector<16xi32>
        %jit3A_625 = arith.constant 0 : i32
        %broadcast_in_dim3A_626 = vector.broadcast %jit3A_625 : i32 to vector<16xi32>
        %select_n3A_627 = arith.select %eq3A_624, %get3A_591, %broadcast_in_dim3A_626 : vector<16xi1>, vector<16xi32>
        %reduce_sum3A_628 = arith.constant true
        %reduce_sum3A_629 = vector.broadcast %reduce_sum3A_628 : i1 to vector<16xi1>
        %reduce_sum3A_630 = tpu.scan <sum>, %select_n3A_627 masked %reduce_sum3A_629 : vector<16xi32>, vector<16xi1> -> vector<16xi32>
        %reduce_sum3A_631 = vector.extract %reduce_sum3A_630[15] : i32 from vector<16xi32>
        %add3A_632 = arith.constant 2 : i32
        %add3A_633 = arith.addi %select_n3A_609, %add3A_632 : i32
        %eq3A_634 = vector.broadcast %add3A_633 : i32 to vector<16xi32>
        %eq3A_635 = arith.cmpi eq, %iota3A, %eq3A_634 : vector<16xi32>
        %jit3A_636 = arith.constant 0 : i32
        %broadcast_in_dim3A_637 = vector.broadcast %jit3A_636 : i32 to vector<16xi32>
        %select_n3A_638 = arith.select %eq3A_635, %get3A_591, %broadcast_in_dim3A_637 : vector<16xi1>, vector<16xi32>
        %reduce_sum3A_639 = arith.constant true
        %reduce_sum3A_640 = vector.broadcast %reduce_sum3A_639 : i1 to vector<16xi1>
        %reduce_sum3A_641 = tpu.scan <sum>, %select_n3A_638 masked %reduce_sum3A_640 : vector<16xi32>, vector<16xi1> -> vector<16xi32>
        %reduce_sum3A_642 = vector.extract %reduce_sum3A_641[15] : i32 from vector<16xi32>
        %add3A_643 = arith.constant 3 : i32
        %add3A_644 = arith.addi %select_n3A_609, %add3A_643 : i32
        %eq3A_645 = vector.broadcast %add3A_644 : i32 to vector<16xi32>
        %eq3A_646 = arith.cmpi eq, %iota3A, %eq3A_645 : vector<16xi32>
        %jit3A_647 = arith.constant 0 : i32
        %broadcast_in_dim3A_648 = vector.broadcast %jit3A_647 : i32 to vector<16xi32>
        %select_n3A_649 = arith.select %eq3A_646, %get3A_591, %broadcast_in_dim3A_648 : vector<16xi1>, vector<16xi32>
        %reduce_sum3A_650 = arith.constant true
        %reduce_sum3A_651 = vector.broadcast %reduce_sum3A_650 : i1 to vector<16xi1>
        %reduce_sum3A_652 = tpu.scan <sum>, %select_n3A_649 masked %reduce_sum3A_651 : vector<16xi32>, vector<16xi1> -> vector<16xi32>
        %reduce_sum3A_653 = vector.extract %reduce_sum3A_652[15] : i32 from vector<16xi32>
        %jit3A_654 = arith.constant 128 : i32
        %eq3A_655 = arith.constant 0 : i32
        %eq3A_656 = arith.cmpi eq, %jit3A_654, %eq3A_655 : i32
        %jit3A_657 = arith.constant 1 : i32
        %select_n3A_658 = arith.select %eq3A_656, %jit3A_657, %jit3A_654 : i32
        %rem3A_659 = arith.remsi %reduce_sum3A_620, %select_n3A_658 : i32
        %ne3A_660 = arith.constant 0 : i32
        %ne3A_661 = arith.cmpi ne, %rem3A_659, %ne3A_660 : i32
        %lt3A_662 = arith.constant 0 : i32
        %lt3A_663 = arith.cmpi slt, %rem3A_659, %lt3A_662 : i32
        %lt3A_664 = arith.constant 0 : i32
        %lt3A_665 = arith.cmpi slt, %select_n3A_658, %lt3A_664 : i32
        %ne3A_666 = arith.xori %lt3A_663, %lt3A_665 : i1
        %and3A_667 = arith.andi %ne3A_666, %ne3A_661 : i1
        %add3A_668 = arith.addi %rem3A_659, %select_n3A_658 : i32
        %select_n3A_669 = arith.select %and3A_667, %add3A_668, %rem3A_659 : i32
        %broadcast_in_dim3A_670 = vector.broadcast %select_n3A_669 : i32 to vector<16xi32>
        %add3A_671 = arith.constant 0 : i32
        %add3A_672 = vector.broadcast %add3A_671 : i32 to vector<16xi32>
        %add3A_673 = arith.addi %iota3A, %add3A_672 : vector<16xi32>
        %gather3A = arith.constant 0 : i32
        %gather3A_674 = arith.constant 0 : i32
        %gather3A_675 = arith.constant 0 : i32
        %gather3A_676 = tpu.memref_slice %arg6[%gather3A, %gather3A_674, %gather3A_675] : memref<4x32x128xf32, #tpu.memory_space<vmem>> -> memref<1x32x128xf32, #tpu.memory_space<vmem>>
        %gather3A_677 = tpu.memref_squeeze %gather3A_676 : memref<1x32x128xf32, #tpu.memory_space<vmem>> -> memref<32x128xf32, #tpu.memory_space<vmem>>
        %gather3A_678 = tpu.vector_load_idx %gather3A_677[%add3A_673, %broadcast_in_dim3A_670] : memref<32x128xf32, #tpu.memory_space<vmem>>[vector<16xi32>, vector<16xi32>], vector<16xf32>,
        %add3A_679 = arith.addf %while3A_253, %gather3A_678 : vector<16xf32>
        %add3A_680 = arith.constant 16 : i32
        %add3A_681 = vector.broadcast %add3A_680 : i32 to vector<16xi32>
        %add3A_682 = arith.addi %iota3A, %add3A_681 : vector<16xi32>
        %gather3A_683 = arith.constant 0 : i32
        %gather3A_684 = arith.constant 0 : i32
        %gather3A_685 = arith.constant 0 : i32
        %gather3A_686 = tpu.memref_slice %arg6[%gather3A_683, %gather3A_684, %gather3A_685] : memref<4x32x128xf32, #tpu.memory_space<vmem>> -> memref<1x32x128xf32, #tpu.memory_space<vmem>>
        %gather3A_687 = tpu.memref_squeeze %gather3A_686 : memref<1x32x128xf32, #tpu.memory_space<vmem>> -> memref<32x128xf32, #tpu.memory_space<vmem>>
        %gather3A_688 = tpu.vector_load_idx %gather3A_687[%add3A_682, %broadcast_in_dim3A_670] : memref<32x128xf32, #tpu.memory_space<vmem>>[vector<16xi32>, vector<16xi32>], vector<16xf32>,
        %add3A_689 = arith.addf %while3A_254, %gather3A_688 : vector<16xf32>
        %jit3A_690 = arith.constant 128 : i32
        %eq3A_691 = arith.constant 0 : i32
        %eq3A_692 = arith.cmpi eq, %jit3A_690, %eq3A_691 : i32
        %jit3A_693 = arith.constant 1 : i32
        %select_n3A_694 = arith.select %eq3A_692, %jit3A_693, %jit3A_690 : i32
        %rem3A_695 = arith.remsi %reduce_sum3A_631, %select_n3A_694 : i32
        %ne3A_696 = arith.constant 0 : i32
        %ne3A_697 = arith.cmpi ne, %rem3A_695, %ne3A_696 : i32
        %lt3A_698 = arith.constant 0 : i32
        %lt3A_699 = arith.cmpi slt, %rem3A_695, %lt3A_698 : i32
        %lt3A_700 = arith.constant 0 : i32
        %lt3A_701 = arith.cmpi slt, %select_n3A_694, %lt3A_700 : i32
        %ne3A_702 = arith.xori %lt3A_699, %lt3A_701 : i1
        %and3A_703 = arith.andi %ne3A_702, %ne3A_697 : i1
        %add3A_704 = arith.addi %rem3A_695, %select_n3A_694 : i32
        %select_n3A_705 = arith.select %and3A_703, %add3A_704, %rem3A_695 : i32
        %broadcast_in_dim3A_706 = vector.broadcast %select_n3A_705 : i32 to vector<16xi32>
        %add3A_707 = arith.constant 0 : i32
        %add3A_708 = vector.broadcast %add3A_707 : i32 to vector<16xi32>
        %add3A_709 = arith.addi %iota3A, %add3A_708 : vector<16xi32>
        %gather3A_710 = arith.constant 1 : i32
        %gather3A_711 = arith.constant 0 : i32
        %gather3A_712 = arith.constant 0 : i32
        %gather3A_713 = tpu.memref_slice %arg6[%gather3A_710, %gather3A_711, %gather3A_712] : memref<4x32x128xf32, #tpu.memory_space<vmem>> -> memref<1x32x128xf32, #tpu.memory_space<vmem>>
        %gather3A_714 = tpu.memref_squeeze %gather3A_713 : memref<1x32x128xf32, #tpu.memory_space<vmem>> -> memref<32x128xf32, #tpu.memory_space<vmem>>
        %gather3A_715 = tpu.vector_load_idx %gather3A_714[%add3A_709, %broadcast_in_dim3A_706] : memref<32x128xf32, #tpu.memory_space<vmem>>[vector<16xi32>, vector<16xi32>], vector<16xf32>,
        %add3A_716 = arith.addf %add3A_679, %gather3A_715 : vector<16xf32>
        %add3A_717 = arith.constant 16 : i32
        %add3A_718 = vector.broadcast %add3A_717 : i32 to vector<16xi32>
        %add3A_719 = arith.addi %iota3A, %add3A_718 : vector<16xi32>
        %gather3A_720 = arith.constant 1 : i32
        %gather3A_721 = arith.constant 0 : i32
        %gather3A_722 = arith.constant 0 : i32
        %gather3A_723 = tpu.memref_slice %arg6[%gather3A_720, %gather3A_721, %gather3A_722] : memref<4x32x128xf32, #tpu.memory_space<vmem>> -> memref<1x32x128xf32, #tpu.memory_space<vmem>>
        %gather3A_724 = tpu.memref_squeeze %gather3A_723 : memref<1x32x128xf32, #tpu.memory_space<vmem>> -> memref<32x128xf32, #tpu.memory_space<vmem>>
        %gather3A_725 = tpu.vector_load_idx %gather3A_724[%add3A_719, %broadcast_in_dim3A_706] : memref<32x128xf32, #tpu.memory_space<vmem>>[vector<16xi32>, vector<16xi32>], vector<16xf32>,
        %add3A_726 = arith.addf %add3A_689, %gather3A_725 : vector<16xf32>
        %jit3A_727 = arith.constant 128 : i32
        %eq3A_728 = arith.constant 0 : i32
        %eq3A_729 = arith.cmpi eq, %jit3A_727, %eq3A_728 : i32
        %jit3A_730 = arith.constant 1 : i32
        %select_n3A_731 = arith.select %eq3A_729, %jit3A_730, %jit3A_727 : i32
        %rem3A_732 = arith.remsi %reduce_sum3A_642, %select_n3A_731 : i32
        %ne3A_733 = arith.constant 0 : i32
        %ne3A_734 = arith.cmpi ne, %rem3A_732, %ne3A_733 : i32
        %lt3A_735 = arith.constant 0 : i32
        %lt3A_736 = arith.cmpi slt, %rem3A_732, %lt3A_735 : i32
        %lt3A_737 = arith.constant 0 : i32
        %lt3A_738 = arith.cmpi slt, %select_n3A_731, %lt3A_737 : i32
        %ne3A_739 = arith.xori %lt3A_736, %lt3A_738 : i1
        %and3A_740 = arith.andi %ne3A_739, %ne3A_734 : i1
        %add3A_741 = arith.addi %rem3A_732, %select_n3A_731 : i32
        %select_n3A_742 = arith.select %and3A_740, %add3A_741, %rem3A_732 : i32
        %broadcast_in_dim3A_743 = vector.broadcast %select_n3A_742 : i32 to vector<16xi32>
        %add3A_744 = arith.constant 0 : i32
        %add3A_745 = vector.broadcast %add3A_744 : i32 to vector<16xi32>
        %add3A_746 = arith.addi %iota3A, %add3A_745 : vector<16xi32>
        %gather3A_747 = arith.constant 2 : i32
        %gather3A_748 = arith.constant 0 : i32
        %gather3A_749 = arith.constant 0 : i32
        %gather3A_750 = tpu.memref_slice %arg6[%gather3A_747, %gather3A_748, %gather3A_749] : memref<4x32x128xf32, #tpu.memory_space<vmem>> -> memref<1x32x128xf32, #tpu.memory_space<vmem>>
        %gather3A_751 = tpu.memref_squeeze %gather3A_750 : memref<1x32x128xf32, #tpu.memory_space<vmem>> -> memref<32x128xf32, #tpu.memory_space<vmem>>
        %gather3A_752 = tpu.vector_load_idx %gather3A_751[%add3A_746, %broadcast_in_dim3A_743] : memref<32x128xf32, #tpu.memory_space<vmem>>[vector<16xi32>, vector<16xi32>], vector<16xf32>,
        %add3A_753 = arith.addf %add3A_716, %gather3A_752 : vector<16xf32>
        %add3A_754 = arith.constant 16 : i32
        %add3A_755 = vector.broadcast %add3A_754 : i32 to vector<16xi32>
        %add3A_756 = arith.addi %iota3A, %add3A_755 : vector<16xi32>
        %gather3A_757 = arith.constant 2 : i32
        %gather3A_758 = arith.constant 0 : i32
        %gather3A_759 = arith.constant 0 : i32
        %gather3A_760 = tpu.memref_slice %arg6[%gather3A_757, %gather3A_758, %gather3A_759] : memref<4x32x128xf32, #tpu.memory_space<vmem>> -> memref<1x32x128xf32, #tpu.memory_space<vmem>>
        %gather3A_761 = tpu.memref_squeeze %gather3A_760 : memref<1x32x128xf32, #tpu.memory_space<vmem>> -> memref<32x128xf32, #tpu.memory_space<vmem>>
        %gather3A_762 = tpu.vector_load_idx %gather3A_761[%add3A_756, %broadcast_in_dim3A_743] : memref<32x128xf32, #tpu.memory_space<vmem>>[vector<16xi32>, vector<16xi32>], vector<16xf32>,
        %add3A_763 = arith.addf %add3A_726, %gather3A_762 : vector<16xf32>
        %jit3A_764 = arith.constant 128 : i32
        %eq3A_765 = arith.constant 0 : i32
        %eq3A_766 = arith.cmpi eq, %jit3A_764, %eq3A_765 : i32
        %jit3A_767 = arith.constant 1 : i32
        %select_n3A_768 = arith.select %eq3A_766, %jit3A_767, %jit3A_764 : i32
        %rem3A_769 = arith.remsi %reduce_sum3A_653, %select_n3A_768 : i32
        %ne3A_770 = arith.constant 0 : i32
        %ne3A_771 = arith.cmpi ne, %rem3A_769, %ne3A_770 : i32
        %lt3A_772 = arith.constant 0 : i32
        %lt3A_773 = arith.cmpi slt, %rem3A_769, %lt3A_772 : i32
        %lt3A_774 = arith.constant 0 : i32
        %lt3A_775 = arith.cmpi slt, %select_n3A_768, %lt3A_774 : i32
        %ne3A_776 = arith.xori %lt3A_773, %lt3A_775 : i1
        %and3A_777 = arith.andi %ne3A_776, %ne3A_771 : i1
        %add3A_778 = arith.addi %rem3A_769, %select_n3A_768 : i32
        %select_n3A_779 = arith.select %and3A_777, %add3A_778, %rem3A_769 : i32
        %broadcast_in_dim3A_780 = vector.broadcast %select_n3A_779 : i32 to vector<16xi32>
        %add3A_781 = arith.constant 0 : i32
        %add3A_782 = vector.broadcast %add3A_781 : i32 to vector<16xi32>
        %add3A_783 = arith.addi %iota3A, %add3A_782 : vector<16xi32>
        %gather3A_784 = arith.constant 3 : i32
        %gather3A_785 = arith.constant 0 : i32
        %gather3A_786 = arith.constant 0 : i32
        %gather3A_787 = tpu.memref_slice %arg6[%gather3A_784, %gather3A_785, %gather3A_786] : memref<4x32x128xf32, #tpu.memory_space<vmem>> -> memref<1x32x128xf32, #tpu.memory_space<vmem>>
        %gather3A_788 = tpu.memref_squeeze %gather3A_787 : memref<1x32x128xf32, #tpu.memory_space<vmem>> -> memref<32x128xf32, #tpu.memory_space<vmem>>
        %gather3A_789 = tpu.vector_load_idx %gather3A_788[%add3A_783, %broadcast_in_dim3A_780] : memref<32x128xf32, #tpu.memory_space<vmem>>[vector<16xi32>, vector<16xi32>], vector<16xf32>,
        %add3A_790 = arith.addf %add3A_753, %gather3A_789 : vector<16xf32>
        %add3A_791 = arith.constant 16 : i32
        %add3A_792 = vector.broadcast %add3A_791 : i32 to vector<16xi32>
        %add3A_793 = arith.addi %iota3A, %add3A_792 : vector<16xi32>
        %gather3A_794 = arith.constant 3 : i32
        %gather3A_795 = arith.constant 0 : i32
        %gather3A_796 = arith.constant 0 : i32
        %gather3A_797 = tpu.memref_slice %arg6[%gather3A_794, %gather3A_795, %gather3A_796] : memref<4x32x128xf32, #tpu.memory_space<vmem>> -> memref<1x32x128xf32, #tpu.memory_space<vmem>>
        %gather3A_798 = tpu.memref_squeeze %gather3A_797 : memref<1x32x128xf32, #tpu.memory_space<vmem>> -> memref<32x128xf32, #tpu.memory_space<vmem>>
        %gather3A_799 = tpu.vector_load_idx %gather3A_798[%add3A_793, %broadcast_in_dim3A_780] : memref<32x128xf32, #tpu.memory_space<vmem>>[vector<16xi32>, vector<16xi32>], vector<16xf32>,
        %add3A_800 = arith.addf %add3A_763, %gather3A_799 : vector<16xf32>
        %add3A_801 = arith.constant 2 : i32
        %add3A_802 = arith.addi %mul3A_256, %add3A_801 : i32
        %lt3A_803 = arith.cmpi slt, %add3A_802, %select_n3A_20 : i32
        %convert_element_type3A_804 = arith.extui %lt3A_803 : i1 to i32
        %cond3A_805 = arith.constant 0 : i32
        %cond3A_806 = arith.cmpi ne, %convert_element_type3A_804, %cond3A_805 : i32
        scf.if %cond3A_806 {
          %add3A_1109 = arith.constant 2 : i32
          %add3A_1110 = arith.addi %mul3A_256, %add3A_1109 : i32
          %mul3A_1111 = arith.constant 4 : i32
          %mul3A_1112 = arith.muli %mul3A_1111, %add3A_1110 : i32
          %jit3A_1113 = arith.constant 16 : i32
          %div3A_1114 = arith.divsi %mul3A_1112, %jit3A_1113 : i32
          %sign3A_1115 = arith.constant 0 : i32
          %sign3A_1116 = arith.cmpi sgt, %mul3A_1112, %sign3A_1115 : i32
          %sign3A_1117 = arith.extui %sign3A_1116 : i1 to i32
          %sign3A_1118 = arith.constant 0 : i32
          %sign3A_1119 = arith.cmpi slt, %mul3A_1112, %sign3A_1118 : i32
          %sign3A_1120 = arith.extui %sign3A_1119 : i1 to i32
          %sign3A_1121 = arith.subi %sign3A_1117, %sign3A_1120 : i32
          %sign3A_1122 = arith.constant 0 : i32
          %sign3A_1123 = arith.cmpi sgt, %jit3A_1113, %sign3A_1122 : i32
          %sign3A_1124 = arith.extui %sign3A_1123 : i1 to i32
          %sign3A_1125 = arith.constant 0 : i32
          %sign3A_1126 = arith.cmpi slt, %jit3A_1113, %sign3A_1125 : i32
          %sign3A_1127 = arith.extui %sign3A_1126 : i1 to i32
          %sign3A_1128 = arith.subi %sign3A_1124, %sign3A_1127 : i32
          %ne3A_1129 = arith.cmpi ne, %sign3A_1121, %sign3A_1128 : i32
          %rem3A_1130 = arith.remsi %mul3A_1112, %jit3A_1113 : i32
          %ne3A_1131 = arith.constant 0 : i32
          %ne3A_1132 = arith.cmpi ne, %rem3A_1130, %ne3A_1131 : i32
          %and3A_1133 = arith.andi %ne3A_1129, %ne3A_1132 : i1
          %sub3A_1134 = arith.constant 1 : i32
          %sub3A_1135 = arith.subi %div3A_1114, %sub3A_1134 : i32
          %select_n3A_1136 = arith.select %and3A_1133, %sub3A_1135, %div3A_1114 : i32
          %mul3A_1137 = arith.constant 16 : i32
          %mul3A_1138 = arith.muli %select_n3A_1136, %mul3A_1137 : i32
          %get3A_1139 = arith.index_cast %mul3A_1138 : i32 to index
          %get3A_1140 = tpu.vector_load %arg5[%get3A_1139] {strides = array<i32>} : memref<112xi32, #tpu.memory_space<vmem>>, vector<16xi32>,
          %mul3A_1141 = arith.constant 4 : i32
          %mul3A_1142 = arith.muli %mul3A_1141, %add3A_1110 : i32
          %jit3A_1143 = arith.constant 16 : i32
          %eq3A_1144 = arith.constant 0 : i32
          %eq3A_1145 = arith.cmpi eq, %jit3A_1143, %eq3A_1144 : i32
          %jit3A_1146 = arith.constant 1 : i32
          %select_n3A_1147 = arith.select %eq3A_1145, %jit3A_1146, %jit3A_1143 : i32
          %rem3A_1148 = arith.remsi %mul3A_1142, %select_n3A_1147 : i32
          %ne3A_1149 = arith.constant 0 : i32
          %ne3A_1150 = arith.cmpi ne, %rem3A_1148, %ne3A_1149 : i32
          %lt3A_1151 = arith.constant 0 : i32
          %lt3A_1152 = arith.cmpi slt, %rem3A_1148, %lt3A_1151 : i32
          %lt3A_1153 = arith.constant 0 : i32
          %lt3A_1154 = arith.cmpi slt, %select_n3A_1147, %lt3A_1153 : i32
          %ne3A_1155 = arith.xori %lt3A_1152, %lt3A_1154 : i1
          %and3A_1156 = arith.andi %ne3A_1155, %ne3A_1150 : i1
          %add3A_1157 = arith.addi %rem3A_1148, %select_n3A_1147 : i32
          %select_n3A_1158 = arith.select %and3A_1156, %add3A_1157, %rem3A_1148 : i32
          %add3A_1159 = arith.constant 0 : i32
          %add3A_1160 = arith.addi %select_n3A_1158, %add3A_1159 : i32
          %eq3A_1161 = vector.broadcast %add3A_1160 : i32 to vector<16xi32>
          %eq3A_1162 = arith.cmpi eq, %iota3A, %eq3A_1161 : vector<16xi32>
          %jit3A_1163 = arith.constant 0 : i32
          %broadcast_in_dim3A_1164 = vector.broadcast %jit3A_1163 : i32 to vector<16xi32>
          %select_n3A_1165 = arith.select %eq3A_1162, %get3A_1140, %broadcast_in_dim3A_1164 : vector<16xi1>, vector<16xi32>
          %reduce_sum3A_1166 = arith.constant true
          %reduce_sum3A_1167 = vector.broadcast %reduce_sum3A_1166 : i1 to vector<16xi1>
          %reduce_sum3A_1168 = tpu.scan <sum>, %select_n3A_1165 masked %reduce_sum3A_1167 : vector<16xi32>, vector<16xi1> -> vector<16xi32>
          %reduce_sum3A_1169 = vector.extract %reduce_sum3A_1168[15] : i32 from vector<16xi32>
          %add3A_1170 = arith.constant 1 : i32
          %add3A_1171 = arith.addi %select_n3A_1158, %add3A_1170 : i32
          %eq3A_1172 = vector.broadcast %add3A_1171 : i32 to vector<16xi32>
          %eq3A_1173 = arith.cmpi eq, %iota3A, %eq3A_1172 : vector<16xi32>
          %jit3A_1174 = arith.constant 0 : i32
          %broadcast_in_dim3A_1175 = vector.broadcast %jit3A_1174 : i32 to vector<16xi32>
          %select_n3A_1176 = arith.select %eq3A_1173, %get3A_1140, %broadcast_in_dim3A_1175 : vector<16xi1>, vector<16xi32>
          %reduce_sum3A_1177 = arith.constant true
          %reduce_sum3A_1178 = vector.broadcast %reduce_sum3A_1177 : i1 to vector<16xi1>
          %reduce_sum3A_1179 = tpu.scan <sum>, %select_n3A_1176 masked %reduce_sum3A_1178 : vector<16xi32>, vector<16xi1> -> vector<16xi32>
          %reduce_sum3A_1180 = vector.extract %reduce_sum3A_1179[15] : i32 from vector<16xi32>
          %add3A_1181 = arith.constant 2 : i32
          %add3A_1182 = arith.addi %select_n3A_1158, %add3A_1181 : i32
          %eq3A_1183 = vector.broadcast %add3A_1182 : i32 to vector<16xi32>
          %eq3A_1184 = arith.cmpi eq, %iota3A, %eq3A_1183 : vector<16xi32>
          %jit3A_1185 = arith.constant 0 : i32
          %broadcast_in_dim3A_1186 = vector.broadcast %jit3A_1185 : i32 to vector<16xi32>
          %select_n3A_1187 = arith.select %eq3A_1184, %get3A_1140, %broadcast_in_dim3A_1186 : vector<16xi1>, vector<16xi32>
          %reduce_sum3A_1188 = arith.constant true
          %reduce_sum3A_1189 = vector.broadcast %reduce_sum3A_1188 : i1 to vector<16xi1>
          %reduce_sum3A_1190 = tpu.scan <sum>, %select_n3A_1187 masked %reduce_sum3A_1189 : vector<16xi32>, vector<16xi1> -> vector<16xi32>
          %reduce_sum3A_1191 = vector.extract %reduce_sum3A_1190[15] : i32 from vector<16xi32>
          %add3A_1192 = arith.constant 3 : i32
          %add3A_1193 = arith.addi %select_n3A_1158, %add3A_1192 : i32
          %eq3A_1194 = vector.broadcast %add3A_1193 : i32 to vector<16xi32>
          %eq3A_1195 = arith.cmpi eq, %iota3A, %eq3A_1194 : vector<16xi32>
          %jit3A_1196 = arith.constant 0 : i32
          %broadcast_in_dim3A_1197 = vector.broadcast %jit3A_1196 : i32 to vector<16xi32>
          %select_n3A_1198 = arith.select %eq3A_1195, %get3A_1140, %broadcast_in_dim3A_1197 : vector<16xi1>, vector<16xi32>
          %reduce_sum3A_1199 = arith.constant true
          %reduce_sum3A_1200 = vector.broadcast %reduce_sum3A_1199 : i1 to vector<16xi1>
          %reduce_sum3A_1201 = tpu.scan <sum>, %select_n3A_1198 masked %reduce_sum3A_1200 : vector<16xi32>, vector<16xi1> -> vector<16xi32>
          %reduce_sum3A_1202 = vector.extract %reduce_sum3A_1201[15] : i32 from vector<16xi32>
          %jit3A_1203 = arith.constant 128 : i32
          %div3A_1204 = arith.divsi %reduce_sum3A_1169, %jit3A_1203 : i32
          %sign3A_1205 = arith.constant 0 : i32
          %sign3A_1206 = arith.cmpi sgt, %reduce_sum3A_1169, %sign3A_1205 : i32
          %sign3A_1207 = arith.extui %sign3A_1206 : i1 to i32
          %sign3A_1208 = arith.constant 0 : i32
          %sign3A_1209 = arith.cmpi slt, %reduce_sum3A_1169, %sign3A_1208 : i32
          %sign3A_1210 = arith.extui %sign3A_1209 : i1 to i32
          %sign3A_1211 = arith.subi %sign3A_1207, %sign3A_1210 : i32
          %sign3A_1212 = arith.constant 0 : i32
          %sign3A_1213 = arith.cmpi sgt, %jit3A_1203, %sign3A_1212 : i32
          %sign3A_1214 = arith.extui %sign3A_1213 : i1 to i32
          %sign3A_1215 = arith.constant 0 : i32
          %sign3A_1216 = arith.cmpi slt, %jit3A_1203, %sign3A_1215 : i32
          %sign3A_1217 = arith.extui %sign3A_1216 : i1 to i32
          %sign3A_1218 = arith.subi %sign3A_1214, %sign3A_1217 : i32
          %ne3A_1219 = arith.cmpi ne, %sign3A_1211, %sign3A_1218 : i32
          %rem3A_1220 = arith.remsi %reduce_sum3A_1169, %jit3A_1203 : i32
          %ne3A_1221 = arith.constant 0 : i32
          %ne3A_1222 = arith.cmpi ne, %rem3A_1220, %ne3A_1221 : i32
          %and3A_1223 = arith.andi %ne3A_1219, %ne3A_1222 : i1
          %sub3A_1224 = arith.constant 1 : i32
          %sub3A_1225 = arith.subi %div3A_1204, %sub3A_1224 : i32
          %select_n3A_1226 = arith.select %and3A_1223, %sub3A_1225, %div3A_1204 : i32
          %mul3A_1227 = arith.constant 128 : i32
          %mul3A_1228 = arith.muli %select_n3A_1226, %mul3A_1227 : i32
          %multiple_of3A_1229 = tpu.assume_multiple %mul3A_1228, 128 : i32
          %dma_start3A_1230 = arith.constant 0 : i32
          %dma_start3A_1231 = arith.constant 0 : i32
          %dma_start3A_1232 = arith.constant 0 : i32
          %dma_start3A_1233 = tpu.memref_slice %arg6[%dma_start3A_1230, %dma_start3A_1231, %dma_start3A_1232] : memref<4x32x128xf32, #tpu.memory_space<vmem>> -> memref<1x32x128xf32, #tpu.memory_space<vmem>>
          %dma_start3A_1234 = tpu.memref_squeeze %dma_start3A_1233 : memref<1x32x128xf32, #tpu.memory_space<vmem>> -> memref<32x128xf32, #tpu.memory_space<vmem>>
          %dma_start3A_1235 = tpu.memref_slice %arg3[%multiple_of3A, %multiple_of3A_1229] : memref<64x1000000xf32, #tpu.memory_space<hbm>> -> memref<32x128xf32, #tpu.memory_space<hbm>>
          %dma_start3A_1236 = arith.constant 0 : i32
          %dma_start3A_1237 = arith.constant 0 : i32
          %dma_start3A_1238 = tpu.memref_slice %arg6[%dma_start3A_1230, %dma_start3A_1236, %dma_start3A_1237] : memref<4x32x128xf32, #tpu.memory_space<vmem>> -> memref<1x32x128xf32, #tpu.memory_space<vmem>>
          %dma_start3A_1239 = tpu.memref_squeeze %dma_start3A_1238 : memref<1x32x128xf32, #tpu.memory_space<vmem>> -> memref<32x128xf32, #tpu.memory_space<vmem>>
          %dma_start3A_1240 = tpu.memref_slice %arg3[%multiple_of3A, %multiple_of3A_1229] : memref<64x1000000xf32, #tpu.memory_space<hbm>> -> memref<32x128xf32, #tpu.memory_space<hbm>>
          tpu.enqueue_dma source(%dma_start3A_1240 : memref<32x128xf32, #tpu.memory_space<hbm>>) target(%dma_start3A_1239 : memref<32x128xf32, #tpu.memory_space<vmem>>) target_semaphore(%arg9 : memref<!tpu.dma_semaphore, #tpu.memory_space<semaphore_mem>>)
          %jit3A_1241 = arith.constant 128 : i32
          %div3A_1242 = arith.divsi %reduce_sum3A_1180, %jit3A_1241 : i32
          %sign3A_1243 = arith.constant 0 : i32
          %sign3A_1244 = arith.cmpi sgt, %reduce_sum3A_1180, %sign3A_1243 : i32
          %sign3A_1245 = arith.extui %sign3A_1244 : i1 to i32
          %sign3A_1246 = arith.constant 0 : i32
          %sign3A_1247 = arith.cmpi slt, %reduce_sum3A_1180, %sign3A_1246 : i32
          %sign3A_1248 = arith.extui %sign3A_1247 : i1 to i32
          %sign3A_1249 = arith.subi %sign3A_1245, %sign3A_1248 : i32
          %sign3A_1250 = arith.constant 0 : i32
          %sign3A_1251 = arith.cmpi sgt, %jit3A_1241, %sign3A_1250 : i32
          %sign3A_1252 = arith.extui %sign3A_1251 : i1 to i32
          %sign3A_1253 = arith.constant 0 : i32
          %sign3A_1254 = arith.cmpi slt, %jit3A_1241, %sign3A_1253 : i32
          %sign3A_1255 = arith.extui %sign3A_1254 : i1 to i32
          %sign3A_1256 = arith.subi %sign3A_1252, %sign3A_1255 : i32
          %ne3A_1257 = arith.cmpi ne, %sign3A_1249, %sign3A_1256 : i32
          %rem3A_1258 = arith.remsi %reduce_sum3A_1180, %jit3A_1241 : i32
          %ne3A_1259 = arith.constant 0 : i32
          %ne3A_1260 = arith.cmpi ne, %rem3A_1258, %ne3A_1259 : i32
          %and3A_1261 = arith.andi %ne3A_1257, %ne3A_1260 : i1
          %sub3A_1262 = arith.constant 1 : i32
          %sub3A_1263 = arith.subi %div3A_1242, %sub3A_1262 : i32
          %select_n3A_1264 = arith.select %and3A_1261, %sub3A_1263, %div3A_1242 : i32
          %mul3A_1265 = arith.constant 128 : i32
          %mul3A_1266 = arith.muli %select_n3A_1264, %mul3A_1265 : i32
          %multiple_of3A_1267 = tpu.assume_multiple %mul3A_1266, 128 : i32
          %dma_start3A_1268 = arith.constant 1 : i32
          %dma_start3A_1269 = arith.constant 0 : i32
          %dma_start3A_1270 = arith.constant 0 : i32
          %dma_start3A_1271 = tpu.memref_slice %arg6[%dma_start3A_1268, %dma_start3A_1269, %dma_start3A_1270] : memref<4x32x128xf32, #tpu.memory_space<vmem>> -> memref<1x32x128xf32, #tpu.memory_space<vmem>>
          %dma_start3A_1272 = tpu.memref_squeeze %dma_start3A_1271 : memref<1x32x128xf32, #tpu.memory_space<vmem>> -> memref<32x128xf32, #tpu.memory_space<vmem>>
          %dma_start3A_1273 = tpu.memref_slice %arg3[%multiple_of3A, %multiple_of3A_1267] : memref<64x1000000xf32, #tpu.memory_space<hbm>> -> memref<32x128xf32, #tpu.memory_space<hbm>>
          %dma_start3A_1274 = arith.constant 0 : i32
          %dma_start3A_1275 = arith.constant 0 : i32
          %dma_start3A_1276 = tpu.memref_slice %arg6[%dma_start3A_1268, %dma_start3A_1274, %dma_start3A_1275] : memref<4x32x128xf32, #tpu.memory_space<vmem>> -> memref<1x32x128xf32, #tpu.memory_space<vmem>>
          %dma_start3A_1277 = tpu.memref_squeeze %dma_start3A_1276 : memref<1x32x128xf32, #tpu.memory_space<vmem>> -> memref<32x128xf32, #tpu.memory_space<vmem>>
          %dma_start3A_1278 = tpu.memref_slice %arg3[%multiple_of3A, %multiple_of3A_1267] : memref<64x1000000xf32, #tpu.memory_space<hbm>> -> memref<32x128xf32, #tpu.memory_space<hbm>>
          tpu.enqueue_dma source(%dma_start3A_1278 : memref<32x128xf32, #tpu.memory_space<hbm>>) target(%dma_start3A_1277 : memref<32x128xf32, #tpu.memory_space<vmem>>) target_semaphore(%arg9 : memref<!tpu.dma_semaphore, #tpu.memory_space<semaphore_mem>>)
          %jit3A_1279 = arith.constant 128 : i32
          %div3A_1280 = arith.divsi %reduce_sum3A_1191, %jit3A_1279 : i32
          %sign3A_1281 = arith.constant 0 : i32
          %sign3A_1282 = arith.cmpi sgt, %reduce_sum3A_1191, %sign3A_1281 : i32
          %sign3A_1283 = arith.extui %sign3A_1282 : i1 to i32
          %sign3A_1284 = arith.constant 0 : i32
          %sign3A_1285 = arith.cmpi slt, %reduce_sum3A_1191, %sign3A_1284 : i32
          %sign3A_1286 = arith.extui %sign3A_1285 : i1 to i32
          %sign3A_1287 = arith.subi %sign3A_1283, %sign3A_1286 : i32
          %sign3A_1288 = arith.constant 0 : i32
          %sign3A_1289 = arith.cmpi sgt, %jit3A_1279, %sign3A_1288 : i32
          %sign3A_1290 = arith.extui %sign3A_1289 : i1 to i32
          %sign3A_1291 = arith.constant 0 : i32
          %sign3A_1292 = arith.cmpi slt, %jit3A_1279, %sign3A_1291 : i32
          %sign3A_1293 = arith.extui %sign3A_1292 : i1 to i32
          %sign3A_1294 = arith.subi %sign3A_1290, %sign3A_1293 : i32
          %ne3A_1295 = arith.cmpi ne, %sign3A_1287, %sign3A_1294 : i32
          %rem3A_1296 = arith.remsi %reduce_sum3A_1191, %jit3A_1279 : i32
          %ne3A_1297 = arith.constant 0 : i32
          %ne3A_1298 = arith.cmpi ne, %rem3A_1296, %ne3A_1297 : i32
          %and3A_1299 = arith.andi %ne3A_1295, %ne3A_1298 : i1
          %sub3A_1300 = arith.constant 1 : i32
          %sub3A_1301 = arith.subi %div3A_1280, %sub3A_1300 : i32
          %select_n3A_1302 = arith.select %and3A_1299, %sub3A_1301, %div3A_1280 : i32
          %mul3A_1303 = arith.constant 128 : i32
          %mul3A_1304 = arith.muli %select_n3A_1302, %mul3A_1303 : i32
          %multiple_of3A_1305 = tpu.assume_multiple %mul3A_1304, 128 : i32
          %dma_start3A_1306 = arith.constant 2 : i32
          %dma_start3A_1307 = arith.constant 0 : i32
          %dma_start3A_1308 = arith.constant 0 : i32
          %dma_start3A_1309 = tpu.memref_slice %arg6[%dma_start3A_1306, %dma_start3A_1307, %dma_start3A_1308] : memref<4x32x128xf32, #tpu.memory_space<vmem>> -> memref<1x32x128xf32, #tpu.memory_space<vmem>>
          %dma_start3A_1310 = tpu.memref_squeeze %dma_start3A_1309 : memref<1x32x128xf32, #tpu.memory_space<vmem>> -> memref<32x128xf32, #tpu.memory_space<vmem>>
          %dma_start3A_1311 = tpu.memref_slice %arg3[%multiple_of3A, %multiple_of3A_1305] : memref<64x1000000xf32, #tpu.memory_space<hbm>> -> memref<32x128xf32, #tpu.memory_space<hbm>>
          %dma_start3A_1312 = arith.constant 0 : i32
          %dma_start3A_1313 = arith.constant 0 : i32
          %dma_start3A_1314 = tpu.memref_slice %arg6[%dma_start3A_1306, %dma_start3A_1312, %dma_start3A_1313] : memref<4x32x128xf32, #tpu.memory_space<vmem>> -> memref<1x32x128xf32, #tpu.memory_space<vmem>>
          %dma_start3A_1315 = tpu.memref_squeeze %dma_start3A_1314 : memref<1x32x128xf32, #tpu.memory_space<vmem>> -> memref<32x128xf32, #tpu.memory_space<vmem>>
          %dma_start3A_1316 = tpu.memref_slice %arg3[%multiple_of3A, %multiple_of3A_1305] : memref<64x1000000xf32, #tpu.memory_space<hbm>> -> memref<32x128xf32, #tpu.memory_space<hbm>>
          tpu.enqueue_dma source(%dma_start3A_1316 : memref<32x128xf32, #tpu.memory_space<hbm>>) target(%dma_start3A_1315 : memref<32x128xf32, #tpu.memory_space<vmem>>) target_semaphore(%arg9 : memref<!tpu.dma_semaphore, #tpu.memory_space<semaphore_mem>>)
          %jit3A_1317 = arith.constant 128 : i32
          %div3A_1318 = arith.divsi %reduce_sum3A_1202, %jit3A_1317 : i32
          %sign3A_1319 = arith.constant 0 : i32
          %sign3A_1320 = arith.cmpi sgt, %reduce_sum3A_1202, %sign3A_1319 : i32
          %sign3A_1321 = arith.extui %sign3A_1320 : i1 to i32
          %sign3A_1322 = arith.constant 0 : i32
          %sign3A_1323 = arith.cmpi slt, %reduce_sum3A_1202, %sign3A_1322 : i32
          %sign3A_1324 = arith.extui %sign3A_1323 : i1 to i32
          %sign3A_1325 = arith.subi %sign3A_1321, %sign3A_1324 : i32
          %sign3A_1326 = arith.constant 0 : i32
          %sign3A_1327 = arith.cmpi sgt, %jit3A_1317, %sign3A_1326 : i32
          %sign3A_1328 = arith.extui %sign3A_1327 : i1 to i32
          %sign3A_1329 = arith.constant 0 : i32
          %sign3A_1330 = arith.cmpi slt, %jit3A_1317, %sign3A_1329 : i32
          %sign3A_1331 = arith.extui %sign3A_1330 : i1 to i32
          %sign3A_1332 = arith.subi %sign3A_1328, %sign3A_1331 : i32
          %ne3A_1333 = arith.cmpi ne, %sign3A_1325, %sign3A_1332 : i32
          %rem3A_1334 = arith.remsi %reduce_sum3A_1202, %jit3A_1317 : i32
          %ne3A_1335 = arith.constant 0 : i32
          %ne3A_1336 = arith.cmpi ne, %rem3A_1334, %ne3A_1335 : i32
          %and3A_1337 = arith.andi %ne3A_1333, %ne3A_1336 : i1
          %sub3A_1338 = arith.constant 1 : i32
          %sub3A_1339 = arith.subi %div3A_1318, %sub3A_1338 : i32
          %select_n3A_1340 = arith.select %and3A_1337, %sub3A_1339, %div3A_1318 : i32
          %mul3A_1341 = arith.constant 128 : i32
          %mul3A_1342 = arith.muli %select_n3A_1340, %mul3A_1341 : i32
          %multiple_of3A_1343 = tpu.assume_multiple %mul3A_1342, 128 : i32
          %dma_start3A_1344 = arith.constant 3 : i32
          %dma_start3A_1345 = arith.constant 0 : i32
          %dma_start3A_1346 = arith.constant 0 : i32
          %dma_start3A_1347 = tpu.memref_slice %arg6[%dma_start3A_1344, %dma_start3A_1345, %dma_start3A_1346] : memref<4x32x128xf32, #tpu.memory_space<vmem>> -> memref<1x32x128xf32, #tpu.memory_space<vmem>>
          %dma_start3A_1348 = tpu.memref_squeeze %dma_start3A_1347 : memref<1x32x128xf32, #tpu.memory_space<vmem>> -> memref<32x128xf32, #tpu.memory_space<vmem>>
          %dma_start3A_1349 = tpu.memref_slice %arg3[%multiple_of3A, %multiple_of3A_1343] : memref<64x1000000xf32, #tpu.memory_space<hbm>> -> memref<32x128xf32, #tpu.memory_space<hbm>>
          %dma_start3A_1350 = arith.constant 0 : i32
          %dma_start3A_1351 = arith.constant 0 : i32
          %dma_start3A_1352 = tpu.memref_slice %arg6[%dma_start3A_1344, %dma_start3A_1350, %dma_start3A_1351] : memref<4x32x128xf32, #tpu.memory_space<vmem>> -> memref<1x32x128xf32, #tpu.memory_space<vmem>>
          %dma_start3A_1353 = tpu.memref_squeeze %dma_start3A_1352 : memref<1x32x128xf32, #tpu.memory_space<vmem>> -> memref<32x128xf32, #tpu.memory_space<vmem>>
          %dma_start3A_1354 = tpu.memref_slice %arg3[%multiple_of3A, %multiple_of3A_1343] : memref<64x1000000xf32, #tpu.memory_space<hbm>> -> memref<32x128xf32, #tpu.memory_space<hbm>>
          tpu.enqueue_dma source(%dma_start3A_1354 : memref<32x128xf32, #tpu.memory_space<hbm>>) target(%dma_start3A_1353 : memref<32x128xf32, #tpu.memory_space<vmem>>) target_semaphore(%arg9 : memref<!tpu.dma_semaphore, #tpu.memory_space<semaphore_mem>>)
        } else {
        }
        %dma_wait3A_807 = arith.constant 0 : i32
        %dma_wait3A_808 = arith.constant 0 : i32
        %dma_wait3A_809 = arith.constant 0 : i32
        %dma_wait3A_810 = tpu.memref_slice %arg7[%dma_wait3A_807, %dma_wait3A_808, %dma_wait3A_809] : memref<4x32x128xf32, #tpu.memory_space<vmem>> -> memref<1x32x128xf32, #tpu.memory_space<vmem>>
        %dma_wait3A_811 = tpu.memref_squeeze %dma_wait3A_810 : memref<1x32x128xf32, #tpu.memory_space<vmem>> -> memref<32x128xf32, #tpu.memory_space<vmem>>
        %dma_wait3A_812 = arith.constant 0 : i32
        %dma_wait3A_813 = arith.constant 0 : i32
        %dma_wait3A_814 = tpu.memref_slice %arg3[%dma_wait3A_812, %dma_wait3A_813] : memref<64x1000000xf32, #tpu.memory_space<hbm>> -> memref<32x128xf32, #tpu.memory_space<hbm>>
        %dma_wait3A_815 = arith.constant 0 : i32
        %dma_wait3A_816 = arith.constant 0 : i32
        %dma_wait3A_817 = tpu.memref_slice %arg7[%dma_wait3A_807, %dma_wait3A_815, %dma_wait3A_816] : memref<4x32x128xf32, #tpu.memory_space<vmem>> -> memref<1x32x128xf32, #tpu.memory_space<vmem>>
        %dma_wait3A_818 = tpu.memref_squeeze %dma_wait3A_817 : memref<1x32x128xf32, #tpu.memory_space<vmem>> -> memref<32x128xf32, #tpu.memory_space<vmem>>
        %dma_wait3A_819 = arith.constant 0 : i32
        %dma_wait3A_820 = arith.constant 0 : i32
        %dma_wait3A_821 = tpu.memref_slice %arg3[%dma_wait3A_819, %dma_wait3A_820] : memref<64x1000000xf32, #tpu.memory_space<hbm>> -> memref<32x128xf32, #tpu.memory_space<hbm>>
        tpu.wait_dma2 semaphore(%arg10 : memref<!tpu.dma_semaphore, #tpu.memory_space<semaphore_mem>>) src(%dma_wait3A_821 : memref<32x128xf32, #tpu.memory_space<hbm>>) dst(%dma_wait3A_818 : memref<32x128xf32, #tpu.memory_space<vmem>>)
        %dma_wait3A_822 = arith.constant 1 : i32
        %dma_wait3A_823 = arith.constant 0 : i32
        %dma_wait3A_824 = arith.constant 0 : i32
        %dma_wait3A_825 = tpu.memref_slice %arg7[%dma_wait3A_822, %dma_wait3A_823, %dma_wait3A_824] : memref<4x32x128xf32, #tpu.memory_space<vmem>> -> memref<1x32x128xf32, #tpu.memory_space<vmem>>
        %dma_wait3A_826 = tpu.memref_squeeze %dma_wait3A_825 : memref<1x32x128xf32, #tpu.memory_space<vmem>> -> memref<32x128xf32, #tpu.memory_space<vmem>>
        %dma_wait3A_827 = arith.constant 0 : i32
        %dma_wait3A_828 = arith.constant 0 : i32
        %dma_wait3A_829 = tpu.memref_slice %arg3[%dma_wait3A_827, %dma_wait3A_828] : memref<64x1000000xf32, #tpu.memory_space<hbm>> -> memref<32x128xf32, #tpu.memory_space<hbm>>
        %dma_wait3A_830 = arith.constant 0 : i32
        %dma_wait3A_831 = arith.constant 0 : i32
        %dma_wait3A_832 = tpu.memref_slice %arg7[%dma_wait3A_822, %dma_wait3A_830, %dma_wait3A_831] : memref<4x32x128xf32, #tpu.memory_space<vmem>> -> memref<1x32x128xf32, #tpu.memory_space<vmem>>
        %dma_wait3A_833 = tpu.memref_squeeze %dma_wait3A_832 : memref<1x32x128xf32, #tpu.memory_space<vmem>> -> memref<32x128xf32, #tpu.memory_space<vmem>>
        %dma_wait3A_834 = arith.constant 0 : i32
        %dma_wait3A_835 = arith.constant 0 : i32
        %dma_wait3A_836 = tpu.memref_slice %arg3[%dma_wait3A_834, %dma_wait3A_835] : memref<64x1000000xf32, #tpu.memory_space<hbm>> -> memref<32x128xf32, #tpu.memory_space<hbm>>
        tpu.wait_dma2 semaphore(%arg10 : memref<!tpu.dma_semaphore, #tpu.memory_space<semaphore_mem>>) src(%dma_wait3A_836 : memref<32x128xf32, #tpu.memory_space<hbm>>) dst(%dma_wait3A_833 : memref<32x128xf32, #tpu.memory_space<vmem>>)
        %dma_wait3A_837 = arith.constant 2 : i32
        %dma_wait3A_838 = arith.constant 0 : i32
        %dma_wait3A_839 = arith.constant 0 : i32
        %dma_wait3A_840 = tpu.memref_slice %arg7[%dma_wait3A_837, %dma_wait3A_838, %dma_wait3A_839] : memref<4x32x128xf32, #tpu.memory_space<vmem>> -> memref<1x32x128xf32, #tpu.memory_space<vmem>>
        %dma_wait3A_841 = tpu.memref_squeeze %dma_wait3A_840 : memref<1x32x128xf32, #tpu.memory_space<vmem>> -> memref<32x128xf32, #tpu.memory_space<vmem>>
        %dma_wait3A_842 = arith.constant 0 : i32
        %dma_wait3A_843 = arith.constant 0 : i32
        %dma_wait3A_844 = tpu.memref_slice %arg3[%dma_wait3A_842, %dma_wait3A_843] : memref<64x1000000xf32, #tpu.memory_space<hbm>> -> memref<32x128xf32, #tpu.memory_space<hbm>>
        %dma_wait3A_845 = arith.constant 0 : i32
        %dma_wait3A_846 = arith.constant 0 : i32
        %dma_wait3A_847 = tpu.memref_slice %arg7[%dma_wait3A_837, %dma_wait3A_845, %dma_wait3A_846] : memref<4x32x128xf32, #tpu.memory_space<vmem>> -> memref<1x32x128xf32, #tpu.memory_space<vmem>>
        %dma_wait3A_848 = tpu.memref_squeeze %dma_wait3A_847 : memref<1x32x128xf32, #tpu.memory_space<vmem>> -> memref<32x128xf32, #tpu.memory_space<vmem>>
        %dma_wait3A_849 = arith.constant 0 : i32
        %dma_wait3A_850 = arith.constant 0 : i32
        %dma_wait3A_851 = tpu.memref_slice %arg3[%dma_wait3A_849, %dma_wait3A_850] : memref<64x1000000xf32, #tpu.memory_space<hbm>> -> memref<32x128xf32, #tpu.memory_space<hbm>>
        tpu.wait_dma2 semaphore(%arg10 : memref<!tpu.dma_semaphore, #tpu.memory_space<semaphore_mem>>) src(%dma_wait3A_851 : memref<32x128xf32, #tpu.memory_space<hbm>>) dst(%dma_wait3A_848 : memref<32x128xf32, #tpu.memory_space<vmem>>)
        %dma_wait3A_852 = arith.constant 3 : i32
        %dma_wait3A_853 = arith.constant 0 : i32
        %dma_wait3A_854 = arith.constant 0 : i32
        %dma_wait3A_855 = tpu.memref_slice %arg7[%dma_wait3A_852, %dma_wait3A_853, %dma_wait3A_854] : memref<4x32x128xf32, #tpu.memory_space<vmem>> -> memref<1x32x128xf32, #tpu.memory_space<vmem>>
        %dma_wait3A_856 = tpu.memref_squeeze %dma_wait3A_855 : memref<1x32x128xf32, #tpu.memory_space<vmem>> -> memref<32x128xf32, #tpu.memory_space<vmem>>
        %dma_wait3A_857 = arith.constant 0 : i32
        %dma_wait3A_858 = arith.constant 0 : i32
        %dma_wait3A_859 = tpu.memref_slice %arg3[%dma_wait3A_857, %dma_wait3A_858] : memref<64x1000000xf32, #tpu.memory_space<hbm>> -> memref<32x128xf32, #tpu.memory_space<hbm>>
        %dma_wait3A_860 = arith.constant 0 : i32
        %dma_wait3A_861 = arith.constant 0 : i32
        %dma_wait3A_862 = tpu.memref_slice %arg7[%dma_wait3A_852, %dma_wait3A_860, %dma_wait3A_861] : memref<4x32x128xf32, #tpu.memory_space<vmem>> -> memref<1x32x128xf32, #tpu.memory_space<vmem>>
        %dma_wait3A_863 = tpu.memref_squeeze %dma_wait3A_862 : memref<1x32x128xf32, #tpu.memory_space<vmem>> -> memref<32x128xf32, #tpu.memory_space<vmem>>
        %dma_wait3A_864 = arith.constant 0 : i32
        %dma_wait3A_865 = arith.constant 0 : i32
        %dma_wait3A_866 = tpu.memref_slice %arg3[%dma_wait3A_864, %dma_wait3A_865] : memref<64x1000000xf32, #tpu.memory_space<hbm>> -> memref<32x128xf32, #tpu.memory_space<hbm>>
        tpu.wait_dma2 semaphore(%arg10 : memref<!tpu.dma_semaphore, #tpu.memory_space<semaphore_mem>>) src(%dma_wait3A_866 : memref<32x128xf32, #tpu.memory_space<hbm>>) dst(%dma_wait3A_863 : memref<32x128xf32, #tpu.memory_space<vmem>>)
        %add3A_867 = arith.constant 1 : i32
        %add3A_868 = arith.addi %mul3A_256, %add3A_867 : i32
        %mul3A_869 = arith.constant 4 : i32
        %mul3A_870 = arith.muli %mul3A_869, %add3A_868 : i32
        %jit3A_871 = arith.constant 16 : i32
        %div3A_872 = arith.divsi %mul3A_870, %jit3A_871 : i32
        %sign3A_873 = arith.constant 0 : i32
        %sign3A_874 = arith.cmpi sgt, %mul3A_870, %sign3A_873 : i32
        %sign3A_875 = arith.extui %sign3A_874 : i1 to i32
        %sign3A_876 = arith.constant 0 : i32
        %sign3A_877 = arith.cmpi slt, %mul3A_870, %sign3A_876 : i32
        %sign3A_878 = arith.extui %sign3A_877 : i1 to i32
        %sign3A_879 = arith.subi %sign3A_875, %sign3A_878 : i32
        %sign3A_880 = arith.constant 0 : i32
        %sign3A_881 = arith.cmpi sgt, %jit3A_871, %sign3A_880 : i32
        %sign3A_882 = arith.extui %sign3A_881 : i1 to i32
        %sign3A_883 = arith.constant 0 : i32
        %sign3A_884 = arith.cmpi slt, %jit3A_871, %sign3A_883 : i32
        %sign3A_885 = arith.extui %sign3A_884 : i1 to i32
        %sign3A_886 = arith.subi %sign3A_882, %sign3A_885 : i32
        %ne3A_887 = arith.cmpi ne, %sign3A_879, %sign3A_886 : i32
        %rem3A_888 = arith.remsi %mul3A_870, %jit3A_871 : i32
        %ne3A_889 = arith.constant 0 : i32
        %ne3A_890 = arith.cmpi ne, %rem3A_888, %ne3A_889 : i32
        %and3A_891 = arith.andi %ne3A_887, %ne3A_890 : i1
        %sub3A_892 = arith.constant 1 : i32
        %sub3A_893 = arith.subi %div3A_872, %sub3A_892 : i32
        %select_n3A_894 = arith.select %and3A_891, %sub3A_893, %div3A_872 : i32
        %mul3A_895 = arith.constant 16 : i32
        %mul3A_896 = arith.muli %select_n3A_894, %mul3A_895 : i32
        %get3A_897 = arith.index_cast %mul3A_896 : i32 to index
        %get3A_898 = tpu.vector_load %arg5[%get3A_897] {strides = array<i32>} : memref<112xi32, #tpu.memory_space<vmem>>, vector<16xi32>,
        %mul3A_899 = arith.constant 4 : i32
        %mul3A_900 = arith.muli %mul3A_899, %add3A_868 : i32
        %jit3A_901 = arith.constant 16 : i32
        %eq3A_902 = arith.constant 0 : i32
        %eq3A_903 = arith.cmpi eq, %jit3A_901, %eq3A_902 : i32
        %jit3A_904 = arith.constant 1 : i32
        %select_n3A_905 = arith.select %eq3A_903, %jit3A_904, %jit3A_901 : i32
        %rem3A_906 = arith.remsi %mul3A_900, %select_n3A_905 : i32
        %ne3A_907 = arith.constant 0 : i32
        %ne3A_908 = arith.cmpi ne, %rem3A_906, %ne3A_907 : i32
        %lt3A_909 = arith.constant 0 : i32
        %lt3A_910 = arith.cmpi slt, %rem3A_906, %lt3A_909 : i32
        %lt3A_911 = arith.constant 0 : i32
        %lt3A_912 = arith.cmpi slt, %select_n3A_905, %lt3A_911 : i32
        %ne3A_913 = arith.xori %lt3A_910, %lt3A_912 : i1
        %and3A_914 = arith.andi %ne3A_913, %ne3A_908 : i1
        %add3A_915 = arith.addi %rem3A_906, %select_n3A_905 : i32
        %select_n3A_916 = arith.select %and3A_914, %add3A_915, %rem3A_906 : i32
        %add3A_917 = arith.constant 0 : i32
        %add3A_918 = arith.addi %select_n3A_916, %add3A_917 : i32
        %eq3A_919 = vector.broadcast %add3A_918 : i32 to vector<16xi32>
        %eq3A_920 = arith.cmpi eq, %iota3A, %eq3A_919 : vector<16xi32>
        %jit3A_921 = arith.constant 0 : i32
        %broadcast_in_dim3A_922 = vector.broadcast %jit3A_921 : i32 to vector<16xi32>
        %select_n3A_923 = arith.select %eq3A_920, %get3A_898, %broadcast_in_dim3A_922 : vector<16xi1>, vector<16xi32>
        %reduce_sum3A_924 = arith.constant true
        %reduce_sum3A_925 = vector.broadcast %reduce_sum3A_924 : i1 to vector<16xi1>
        %reduce_sum3A_926 = tpu.scan <sum>, %select_n3A_923 masked %reduce_sum3A_925 : vector<16xi32>, vector<16xi1> -> vector<16xi32>
        %reduce_sum3A_927 = vector.extract %reduce_sum3A_926[15] : i32 from vector<16xi32>
        %add3A_928 = arith.constant 1 : i32
        %add3A_929 = arith.addi %select_n3A_916, %add3A_928 : i32
        %eq3A_930 = vector.broadcast %add3A_929 : i32 to vector<16xi32>
        %eq3A_931 = arith.cmpi eq, %iota3A, %eq3A_930 : vector<16xi32>
        %jit3A_932 = arith.constant 0 : i32
        %broadcast_in_dim3A_933 = vector.broadcast %jit3A_932 : i32 to vector<16xi32>
        %select_n3A_934 = arith.select %eq3A_931, %get3A_898, %broadcast_in_dim3A_933 : vector<16xi1>, vector<16xi32>
        %reduce_sum3A_935 = arith.constant true
        %reduce_sum3A_936 = vector.broadcast %reduce_sum3A_935 : i1 to vector<16xi1>
        %reduce_sum3A_937 = tpu.scan <sum>, %select_n3A_934 masked %reduce_sum3A_936 : vector<16xi32>, vector<16xi1> -> vector<16xi32>
        %reduce_sum3A_938 = vector.extract %reduce_sum3A_937[15] : i32 from vector<16xi32>
        %add3A_939 = arith.constant 2 : i32
        %add3A_940 = arith.addi %select_n3A_916, %add3A_939 : i32
        %eq3A_941 = vector.broadcast %add3A_940 : i32 to vector<16xi32>
        %eq3A_942 = arith.cmpi eq, %iota3A, %eq3A_941 : vector<16xi32>
        %jit3A_943 = arith.constant 0 : i32
        %broadcast_in_dim3A_944 = vector.broadcast %jit3A_943 : i32 to vector<16xi32>
        %select_n3A_945 = arith.select %eq3A_942, %get3A_898, %broadcast_in_dim3A_944 : vector<16xi1>, vector<16xi32>
        %reduce_sum3A_946 = arith.constant true
        %reduce_sum3A_947 = vector.broadcast %reduce_sum3A_946 : i1 to vector<16xi1>
        %reduce_sum3A_948 = tpu.scan <sum>, %select_n3A_945 masked %reduce_sum3A_947 : vector<16xi32>, vector<16xi1> -> vector<16xi32>
        %reduce_sum3A_949 = vector.extract %reduce_sum3A_948[15] : i32 from vector<16xi32>
        %add3A_950 = arith.constant 3 : i32
        %add3A_951 = arith.addi %select_n3A_916, %add3A_950 : i32
        %eq3A_952 = vector.broadcast %add3A_951 : i32 to vector<16xi32>
        %eq3A_953 = arith.cmpi eq, %iota3A, %eq3A_952 : vector<16xi32>
        %jit3A_954 = arith.constant 0 : i32
        %broadcast_in_dim3A_955 = vector.broadcast %jit3A_954 : i32 to vector<16xi32>
        %select_n3A_956 = arith.select %eq3A_953, %get3A_898, %broadcast_in_dim3A_955 : vector<16xi1>, vector<16xi32>
        %reduce_sum3A_957 = arith.constant true
        %reduce_sum3A_958 = vector.broadcast %reduce_sum3A_957 : i1 to vector<16xi1>
        %reduce_sum3A_959 = tpu.scan <sum>, %select_n3A_956 masked %reduce_sum3A_958 : vector<16xi32>, vector<16xi1> -> vector<16xi32>
        %reduce_sum3A_960 = vector.extract %reduce_sum3A_959[15] : i32 from vector<16xi32>
        %jit3A_961 = arith.constant 128 : i32
        %eq3A_962 = arith.constant 0 : i32
        %eq3A_963 = arith.cmpi eq, %jit3A_961, %eq3A_962 : i32
        %jit3A_964 = arith.constant 1 : i32
        %select_n3A_965 = arith.select %eq3A_963, %jit3A_964, %jit3A_961 : i32
        %rem3A_966 = arith.remsi %reduce_sum3A_927, %select_n3A_965 : i32
        %ne3A_967 = arith.constant 0 : i32
        %ne3A_968 = arith.cmpi ne, %rem3A_966, %ne3A_967 : i32
        %lt3A_969 = arith.constant 0 : i32
        %lt3A_970 = arith.cmpi slt, %rem3A_966, %lt3A_969 : i32
        %lt3A_971 = arith.constant 0 : i32
        %lt3A_972 = arith.cmpi slt, %select_n3A_965, %lt3A_971 : i32
        %ne3A_973 = arith.xori %lt3A_970, %lt3A_972 : i1
        %and3A_974 = arith.andi %ne3A_973, %ne3A_968 : i1
        %add3A_975 = arith.addi %rem3A_966, %select_n3A_965 : i32
        %select_n3A_976 = arith.select %and3A_974, %add3A_975, %rem3A_966 : i32
        %broadcast_in_dim3A_977 = vector.broadcast %select_n3A_976 : i32 to vector<16xi32>
        %add3A_978 = arith.constant 0 : i32
        %add3A_979 = vector.broadcast %add3A_978 : i32 to vector<16xi32>
        %add3A_980 = arith.addi %iota3A, %add3A_979 : vector<16xi32>
        %gather3A_981 = arith.constant 0 : i32
        %gather3A_982 = arith.constant 0 : i32
        %gather3A_983 = arith.constant 0 : i32
        %gather3A_984 = tpu.memref_slice %arg7[%gather3A_981, %gather3A_982, %gather3A_983] : memref<4x32x128xf32, #tpu.memory_space<vmem>> -> memref<1x32x128xf32, #tpu.memory_space<vmem>>
        %gather3A_985 = tpu.memref_squeeze %gather3A_984 : memref<1x32x128xf32, #tpu.memory_space<vmem>> -> memref<32x128xf32, #tpu.memory_space<vmem>>
        %gather3A_986 = tpu.vector_load_idx %gather3A_985[%add3A_980, %broadcast_in_dim3A_977] : memref<32x128xf32, #tpu.memory_space<vmem>>[vector<16xi32>, vector<16xi32>], vector<16xf32>,
        %add3A_987 = arith.addf %add3A_790, %gather3A_986 : vector<16xf32>
        %add3A_988 = arith.constant 16 : i32
        %add3A_989 = vector.broadcast %add3A_988 : i32 to vector<16xi32>
        %add3A_990 = arith.addi %iota3A, %add3A_989 : vector<16xi32>
        %gather3A_991 = arith.constant 0 : i32
        %gather3A_992 = arith.constant 0 : i32
        %gather3A_993 = arith.constant 0 : i32
        %gather3A_994 = tpu.memref_slice %arg7[%gather3A_991, %gather3A_992, %gather3A_993] : memref<4x32x128xf32, #tpu.memory_space<vmem>> -> memref<1x32x128xf32, #tpu.memory_space<vmem>>
        %gather3A_995 = tpu.memref_squeeze %gather3A_994 : memref<1x32x128xf32, #tpu.memory_space<vmem>> -> memref<32x128xf32, #tpu.memory_space<vmem>>
        %gather3A_996 = tpu.vector_load_idx %gather3A_995[%add3A_990, %broadcast_in_dim3A_977] : memref<32x128xf32, #tpu.memory_space<vmem>>[vector<16xi32>, vector<16xi32>], vector<16xf32>,
        %add3A_997 = arith.addf %add3A_800, %gather3A_996 : vector<16xf32>
        %jit3A_998 = arith.constant 128 : i32
        %eq3A_999 = arith.constant 0 : i32
        %eq3A_1000 = arith.cmpi eq, %jit3A_998, %eq3A_999 : i32
        %jit3A_1001 = arith.constant 1 : i32
        %select_n3A_1002 = arith.select %eq3A_1000, %jit3A_1001, %jit3A_998 : i32
        %rem3A_1003 = arith.remsi %reduce_sum3A_938, %select_n3A_1002 : i32
        %ne3A_1004 = arith.constant 0 : i32
        %ne3A_1005 = arith.cmpi ne, %rem3A_1003, %ne3A_1004 : i32
        %lt3A_1006 = arith.constant 0 : i32
        %lt3A_1007 = arith.cmpi slt, %rem3A_1003, %lt3A_1006 : i32
        %lt3A_1008 = arith.constant 0 : i32
        %lt3A_1009 = arith.cmpi slt, %select_n3A_1002, %lt3A_1008 : i32
        %ne3A_1010 = arith.xori %lt3A_1007, %lt3A_1009 : i1
        %and3A_1011 = arith.andi %ne3A_1010, %ne3A_1005 : i1
        %add3A_1012 = arith.addi %rem3A_1003, %select_n3A_1002 : i32
        %select_n3A_1013 = arith.select %and3A_1011, %add3A_1012, %rem3A_1003 : i32
        %broadcast_in_dim3A_1014 = vector.broadcast %select_n3A_1013 : i32 to vector<16xi32>
        %add3A_1015 = arith.constant 0 : i32
        %add3A_1016 = vector.broadcast %add3A_1015 : i32 to vector<16xi32>
        %add3A_1017 = arith.addi %iota3A, %add3A_1016 : vector<16xi32>
        %gather3A_1018 = arith.constant 1 : i32
        %gather3A_1019 = arith.constant 0 : i32
        %gather3A_1020 = arith.constant 0 : i32
        %gather3A_1021 = tpu.memref_slice %arg7[%gather3A_1018, %gather3A_1019, %gather3A_1020] : memref<4x32x128xf32, #tpu.memory_space<vmem>> -> memref<1x32x128xf32, #tpu.memory_space<vmem>>
        %gather3A_1022 = tpu.memref_squeeze %gather3A_1021 : memref<1x32x128xf32, #tpu.memory_space<vmem>> -> memref<32x128xf32, #tpu.memory_space<vmem>>
        %gather3A_1023 = tpu.vector_load_idx %gather3A_1022[%add3A_1017, %broadcast_in_dim3A_1014] : memref<32x128xf32, #tpu.memory_space<vmem>>[vector<16xi32>, vector<16xi32>], vector<16xf32>,
        %add3A_1024 = arith.addf %add3A_987, %gather3A_1023 : vector<16xf32>
        %add3A_1025 = arith.constant 16 : i32
        %add3A_1026 = vector.broadcast %add3A_1025 : i32 to vector<16xi32>
        %add3A_1027 = arith.addi %iota3A, %add3A_1026 : vector<16xi32>
        %gather3A_1028 = arith.constant 1 : i32
        %gather3A_1029 = arith.constant 0 : i32
        %gather3A_1030 = arith.constant 0 : i32
        %gather3A_1031 = tpu.memref_slice %arg7[%gather3A_1028, %gather3A_1029, %gather3A_1030] : memref<4x32x128xf32, #tpu.memory_space<vmem>> -> memref<1x32x128xf32, #tpu.memory_space<vmem>>
        %gather3A_1032 = tpu.memref_squeeze %gather3A_1031 : memref<1x32x128xf32, #tpu.memory_space<vmem>> -> memref<32x128xf32, #tpu.memory_space<vmem>>
        %gather3A_1033 = tpu.vector_load_idx %gather3A_1032[%add3A_1027, %broadcast_in_dim3A_1014] : memref<32x128xf32, #tpu.memory_space<vmem>>[vector<16xi32>, vector<16xi32>], vector<16xf32>,
        %add3A_1034 = arith.addf %add3A_997, %gather3A_1033 : vector<16xf32>
        %jit3A_1035 = arith.constant 128 : i32
        %eq3A_1036 = arith.constant 0 : i32
        %eq3A_1037 = arith.cmpi eq, %jit3A_1035, %eq3A_1036 : i32
        %jit3A_1038 = arith.constant 1 : i32
        %select_n3A_1039 = arith.select %eq3A_1037, %jit3A_1038, %jit3A_1035 : i32
        %rem3A_1040 = arith.remsi %reduce_sum3A_949, %select_n3A_1039 : i32
        %ne3A_1041 = arith.constant 0 : i32
        %ne3A_1042 = arith.cmpi ne, %rem3A_1040, %ne3A_1041 : i32
        %lt3A_1043 = arith.constant 0 : i32
        %lt3A_1044 = arith.cmpi slt, %rem3A_1040, %lt3A_1043 : i32
        %lt3A_1045 = arith.constant 0 : i32
        %lt3A_1046 = arith.cmpi slt, %select_n3A_1039, %lt3A_1045 : i32
        %ne3A_1047 = arith.xori %lt3A_1044, %lt3A_1046 : i1
        %and3A_1048 = arith.andi %ne3A_1047, %ne3A_1042 : i1
        %add3A_1049 = arith.addi %rem3A_1040, %select_n3A_1039 : i32
        %select_n3A_1050 = arith.select %and3A_1048, %add3A_1049, %rem3A_1040 : i32
        %broadcast_in_dim3A_1051 = vector.broadcast %select_n3A_1050 : i32 to vector<16xi32>
        %add3A_1052 = arith.constant 0 : i32
        %add3A_1053 = vector.broadcast %add3A_1052 : i32 to vector<16xi32>
        %add3A_1054 = arith.addi %iota3A, %add3A_1053 : vector<16xi32>
        %gather3A_1055 = arith.constant 2 : i32
        %gather3A_1056 = arith.constant 0 : i32
        %gather3A_1057 = arith.constant 0 : i32
        %gather3A_1058 = tpu.memref_slice %arg7[%gather3A_1055, %gather3A_1056, %gather3A_1057] : memref<4x32x128xf32, #tpu.memory_space<vmem>> -> memref<1x32x128xf32, #tpu.memory_space<vmem>>
        %gather3A_1059 = tpu.memref_squeeze %gather3A_1058 : memref<1x32x128xf32, #tpu.memory_space<vmem>> -> memref<32x128xf32, #tpu.memory_space<vmem>>
        %gather3A_1060 = tpu.vector_load_idx %gather3A_1059[%add3A_1054, %broadcast_in_dim3A_1051] : memref<32x128xf32, #tpu.memory_space<vmem>>[vector<16xi32>, vector<16xi32>], vector<16xf32>,
        %add3A_1061 = arith.addf %add3A_1024, %gather3A_1060 : vector<16xf32>
        %add3A_1062 = arith.constant 16 : i32
        %add3A_1063 = vector.broadcast %add3A_1062 : i32 to vector<16xi32>
        %add3A_1064 = arith.addi %iota3A, %add3A_1063 : vector<16xi32>
        %gather3A_1065 = arith.constant 2 : i32
        %gather3A_1066 = arith.constant 0 : i32
        %gather3A_1067 = arith.constant 0 : i32
        %gather3A_1068 = tpu.memref_slice %arg7[%gather3A_1065, %gather3A_1066, %gather3A_1067] : memref<4x32x128xf32, #tpu.memory_space<vmem>> -> memref<1x32x128xf32, #tpu.memory_space<vmem>>
        %gather3A_1069 = tpu.memref_squeeze %gather3A_1068 : memref<1x32x128xf32, #tpu.memory_space<vmem>> -> memref<32x128xf32, #tpu.memory_space<vmem>>
        %gather3A_1070 = tpu.vector_load_idx %gather3A_1069[%add3A_1064, %broadcast_in_dim3A_1051] : memref<32x128xf32, #tpu.memory_space<vmem>>[vector<16xi32>, vector<16xi32>], vector<16xf32>,
        %add3A_1071 = arith.addf %add3A_1034, %gather3A_1070 : vector<16xf32>
        %jit3A_1072 = arith.constant 128 : i32
        %eq3A_1073 = arith.constant 0 : i32
        %eq3A_1074 = arith.cmpi eq, %jit3A_1072, %eq3A_1073 : i32
        %jit3A_1075 = arith.constant 1 : i32
        %select_n3A_1076 = arith.select %eq3A_1074, %jit3A_1075, %jit3A_1072 : i32
        %rem3A_1077 = arith.remsi %reduce_sum3A_960, %select_n3A_1076 : i32
        %ne3A_1078 = arith.constant 0 : i32
        %ne3A_1079 = arith.cmpi ne, %rem3A_1077, %ne3A_1078 : i32
        %lt3A_1080 = arith.constant 0 : i32
        %lt3A_1081 = arith.cmpi slt, %rem3A_1077, %lt3A_1080 : i32
        %lt3A_1082 = arith.constant 0 : i32
        %lt3A_1083 = arith.cmpi slt, %select_n3A_1076, %lt3A_1082 : i32
        %ne3A_1084 = arith.xori %lt3A_1081, %lt3A_1083 : i1
        %and3A_1085 = arith.andi %ne3A_1084, %ne3A_1079 : i1
        %add3A_1086 = arith.addi %rem3A_1077, %select_n3A_1076 : i32
        %select_n3A_1087 = arith.select %and3A_1085, %add3A_1086, %rem3A_1077 : i32
        %broadcast_in_dim3A_1088 = vector.broadcast %select_n3A_1087 : i32 to vector<16xi32>
        %add3A_1089 = arith.constant 0 : i32
        %add3A_1090 = vector.broadcast %add3A_1089 : i32 to vector<16xi32>
        %add3A_1091 = arith.addi %iota3A, %add3A_1090 : vector<16xi32>
        %gather3A_1092 = arith.constant 3 : i32
        %gather3A_1093 = arith.constant 0 : i32
        %gather3A_1094 = arith.constant 0 : i32
        %gather3A_1095 = tpu.memref_slice %arg7[%gather3A_1092, %gather3A_1093, %gather3A_1094] : memref<4x32x128xf32, #tpu.memory_space<vmem>> -> memref<1x32x128xf32, #tpu.memory_space<vmem>>
        %gather3A_1096 = tpu.memref_squeeze %gather3A_1095 : memref<1x32x128xf32, #tpu.memory_space<vmem>> -> memref<32x128xf32, #tpu.memory_space<vmem>>
        %gather3A_1097 = tpu.vector_load_idx %gather3A_1096[%add3A_1091, %broadcast_in_dim3A_1088] : memref<32x128xf32, #tpu.memory_space<vmem>>[vector<16xi32>, vector<16xi32>], vector<16xf32>,
        %add3A_1098 = arith.addf %add3A_1061, %gather3A_1097 : vector<16xf32>
        %add3A_1099 = arith.constant 16 : i32
        %add3A_1100 = vector.broadcast %add3A_1099 : i32 to vector<16xi32>
        %add3A_1101 = arith.addi %iota3A, %add3A_1100 : vector<16xi32>
        %gather3A_1102 = arith.constant 3 : i32
        %gather3A_1103 = arith.constant 0 : i32
        %gather3A_1104 = arith.constant 0 : i32
        %gather3A_1105 = tpu.memref_slice %arg7[%gather3A_1102, %gather3A_1103, %gather3A_1104] : memref<4x32x128xf32, #tpu.memory_space<vmem>> -> memref<1x32x128xf32, #tpu.memory_space<vmem>>
        %gather3A_1106 = tpu.memref_squeeze %gather3A_1105 : memref<1x32x128xf32, #tpu.memory_space<vmem>> -> memref<32x128xf32, #tpu.memory_space<vmem>>
        %gather3A_1107 = tpu.vector_load_idx %gather3A_1106[%add3A_1101, %broadcast_in_dim3A_1088] : memref<32x128xf32, #tpu.memory_space<vmem>>[vector<16xi32>, vector<16xi32>], vector<16xf32>,
        %add3A_1108 = arith.addf %add3A_1071, %gather3A_1107 : vector<16xf32>
        scf.yield %add3A_1098, %add3A_1108 : vector<16xf32>, vector<16xf32>
      }
      %swap3A = arith.constant 0 : index
      %swap3A_246 = tpu.vector_load %arg8[%swap3A] {strides = array<i32>} : memref<32xf32, #tpu.memory_space<vmem>>, vector<16xf32>,
      tpu.vector_store %arg8[%swap3A], %while3A_245#0 {strides = array<i32>} : memref<32xf32, #tpu.memory_space<vmem>>, vector<16xf32>,
      %swap3A_247 = arith.constant 16 : index
      %swap3A_248 = tpu.vector_load %arg8[%swap3A_247] {strides = array<i32>} : memref<32xf32, #tpu.memory_space<vmem>>, vector<16xf32>,
      tpu.vector_store %arg8[%swap3A_247], %while3A_245#1 {strides = array<i32>} : memref<32xf32, #tpu.memory_space<vmem>>, vector<16xf32>,
      %mul3A_249 = arith.constant 16 : i32
      %mul3A_250 = arith.muli %arg0, %mul3A_249 : i32
      %add3A_251 = arith.addi %mul3A_250, %arg1 : i32
      "tpu.region"() ({
        %run_scoped3A = tpu.sem_alloc : memref<!tpu.dma_semaphore, #tpu.memory_space<semaphore_mem>>
        %dma_start3A_252 = arith.constant 0 : i32
        %dma_start3A_253 = tpu.memref_slice %arg4[%add3A_251, %dma_start3A_252] : memref<32x32xf32, #tpu.memory_space<hbm>> -> memref<1x32xf32, #tpu.memory_space<hbm>>
        %dma_start3A_254 = tpu.memref_squeeze %dma_start3A_253 : memref<1x32xf32, #tpu.memory_space<hbm>> -> memref<32xf32, #tpu.memory_space<hbm>>
        %dma_start3A_255 = arith.constant 0 : i32
        %dma_start3A_256 = tpu.memref_slice %arg4[%add3A_251, %dma_start3A_255] : memref<32x32xf32, #tpu.memory_space<hbm>> -> memref<1x32xf32, #tpu.memory_space<hbm>>
        %dma_start3A_257 = tpu.memref_squeeze %dma_start3A_256 : memref<1x32xf32, #tpu.memory_space<hbm>> -> memref<32xf32, #tpu.memory_space<hbm>>
        tpu.enqueue_dma source(%arg8 : memref<32xf32, #tpu.memory_space<vmem>>) target(%dma_start3A_257 : memref<32xf32, #tpu.memory_space<hbm>>) target_semaphore(%run_scoped3A : memref<!tpu.dma_semaphore, #tpu.memory_space<semaphore_mem>>)
        %dma_wait3A = arith.constant 0 : i32
        %dma_wait3A_258 = tpu.memref_slice %arg4[%add3A_251, %dma_wait3A] : memref<32x32xf32, #tpu.memory_space<hbm>> -> memref<1x32xf32, #tpu.memory_space<hbm>>
        %dma_wait3A_259 = tpu.memref_squeeze %dma_wait3A_258 : memref<1x32xf32, #tpu.memory_space<hbm>> -> memref<32xf32, #tpu.memory_space<hbm>>
        %dma_wait3A_260 = arith.constant 0 : i32
        %dma_wait3A_261 = tpu.memref_slice %arg4[%add3A_251, %dma_wait3A_260] : memref<32x32xf32, #tpu.memory_space<hbm>> -> memref<1x32xf32, #tpu.memory_space<hbm>>
        %dma_wait3A_262 = tpu.memref_squeeze %dma_wait3A_261 : memref<1x32xf32, #tpu.memory_space<hbm>> -> memref<32xf32, #tpu.memory_space<hbm>>
        tpu.wait_dma2 semaphore(%run_scoped3A : memref<!tpu.dma_semaphore, #tpu.memory_space<semaphore_mem>>) src(%arg8 : memref<32xf32, #tpu.memory_space<vmem>>) dst(%dma_wait3A_262 : memref<32xf32, #tpu.memory_space<hbm>>)
        tpu.yield
      }) : () -> ()
    } else {
    }
    %ge3A = arith.constant 14 : i32
    %ge3A_3 = arith.cmpi sge, %arg1, %ge3A : i32
    %convert_element_type3A_4 = arith.extui %ge3A_3 : i1 to i32
    %cond3A_5 = arith.constant 0 : i32
    %cond3A_6 = arith.cmpi ne, %convert_element_type3A_4, %cond3A_5 : i32
    scf.if %cond3A_6 {
      %broadcast_in_dim3A = arith.constant 0.000000e+00 : f32
      %broadcast_in_dim3A_7 = vector.broadcast %broadcast_in_dim3A : f32 to vector<16xf32>
      %swap3A = arith.constant 0 : index
      %swap3A_8 = tpu.vector_load %arg8[%swap3A] {strides = array<i32>} : memref<32xf32, #tpu.memory_space<vmem>>, vector<16xf32>,
      tpu.vector_store %arg8[%swap3A], %broadcast_in_dim3A_7 {strides = array<i32>} : memref<32xf32, #tpu.memory_space<vmem>>, vector<16xf32>,
      %broadcast_in_dim3A_9 = arith.constant 0.000000e+00 : f32
      %broadcast_in_dim3A_10 = vector.broadcast %broadcast_in_dim3A_9 : f32 to vector<16xf32>
      %swap3A_11 = arith.constant 16 : index
      %swap3A_12 = tpu.vector_load %arg8[%swap3A_11] {strides = array<i32>} : memref<32xf32, #tpu.memory_space<vmem>>, vector<16xf32>,
      tpu.vector_store %arg8[%swap3A_11], %broadcast_in_dim3A_10 {strides = array<i32>} : memref<32xf32, #tpu.memory_space<vmem>>, vector<16xf32>,
      %mul3A_13 = arith.constant 16 : i32
      %mul3A_14 = arith.muli %arg0, %mul3A_13 : i32
      %add3A = arith.addi %mul3A_14, %arg1 : i32
      "tpu.region"() ({
        %run_scoped3A = tpu.sem_alloc : memref<!tpu.dma_semaphore, #tpu.memory_space<semaphore_mem>>
        %dma_start3A = arith.constant 0 : i32
        %dma_start3A_15 = tpu.memref_slice %arg4[%add3A, %dma_start3A] : memref<32x32xf32, #tpu.memory_space<hbm>> -> memref<1x32xf32, #tpu.memory_space<hbm>>
        %dma_start3A_16 = tpu.memref_squeeze %dma_start3A_15 : memref<1x32xf32, #tpu.memory_space<hbm>> -> memref<32xf32, #tpu.memory_space<hbm>>
        %dma_start3A_17 = arith.constant 0 : i32
        %dma_start3A_18 = tpu.memref_slice %arg4[%add3A, %dma_start3A_17] : memref<32x32xf32, #tpu.memory_space<hbm>> -> memref<1x32xf32, #tpu.memory_space<hbm>>
        %dma_start3A_19 = tpu.memref_squeeze %dma_start3A_18 : memref<1x32xf32, #tpu.memory_space<hbm>> -> memref<32xf32, #tpu.memory_space<hbm>>
        tpu.enqueue_dma source(%arg8 : memref<32xf32, #tpu.memory_space<vmem>>) target(%dma_start3A_19 : memref<32xf32, #tpu.memory_space<hbm>>) target_semaphore(%run_scoped3A : memref<!tpu.dma_semaphore, #tpu.memory_space<semaphore_mem>>)
        %dma_wait3A = arith.constant 0 : i32
        %dma_wait3A_20 = tpu.memref_slice %arg4[%add3A, %dma_wait3A] : memref<32x32xf32, #tpu.memory_space<hbm>> -> memref<1x32xf32, #tpu.memory_space<hbm>>
        %dma_wait3A_21 = tpu.memref_squeeze %dma_wait3A_20 : memref<1x32xf32, #tpu.memory_space<hbm>> -> memref<32xf32, #tpu.memory_space<hbm>>
        %dma_wait3A_22 = arith.constant 0 : i32
        %dma_wait3A_23 = tpu.memref_slice %arg4[%add3A, %dma_wait3A_22] : memref<32x32xf32, #tpu.memory_space<hbm>> -> memref<1x32xf32, #tpu.memory_space<hbm>>
        %dma_wait3A_24 = tpu.memref_squeeze %dma_wait3A_23 : memref<1x32xf32, #tpu.memory_space<hbm>> -> memref<32xf32, #tpu.memory_space<hbm>>
        tpu.wait_dma2 semaphore(%run_scoped3A : memref<!tpu.dma_semaphore, #tpu.memory_space<semaphore_mem>>) src(%arg8 : memref<32xf32, #tpu.memory_space<vmem>>) dst(%dma_wait3A_24 : memref<32xf32, #tpu.memory_space<hbm>>)
        tpu.yield
      }) : () -> ()
    } else {
    }
    return
  }
}

module attributes {stable_mosaic.version = 14 : i64} {
  func.func @_reduce_body(%arg0: memref<32x32xf32, #tpu.memory_space<vmem>>, %arg1: memref<32x1xf32, #tpu.memory_space<vmem>>, %arg2: memref<1x64xf32, #tpu.memory_space<vmem>>) attributes {dimension_semantics = [], scalar_prefetch = 0 : i64, scratch_operands = 0 : i64, tpu.core_type = #tpu.core_type<tc>} {
    %get3A = arith.constant 0 : index
    %get3A_0 = arith.constant 0 : index
    %get3A_1 = vector.load %arg0[%get3A, %get3A_0] : memref<32x32xf32, #tpu.memory_space<vmem>>, vector<32x32xf32>
    %get3A_2 = arith.constant 0 : index
    %get3A_3 = arith.constant 0 : index
    %get3A_4 = vector.load %arg1[%get3A_2, %get3A_3] : memref<32x1xf32, #tpu.memory_space<vmem>>, vector<32x1xf32>
    %mul3A = vector.broadcast %get3A_4 : vector<32x1xf32> to vector<32x32xf32>
    %mul3A_5 = arith.mulf %get3A_1, %mul3A : vector<32x32xf32>
    %slice3A = vector.extract_strided_slice %mul3A_5 {offsets = [0, 0], sizes = [16, 32], strides = [1, 1]} : vector<32x32xf32> to vector<16x32xf32>
    %reduce_sum3A = arith.constant dense<0.000000e+00> : vector<32xf32>
    %reduce_sum3A_6 = vector.multi_reduction <add>, %slice3A, %reduce_sum3A [0] : vector<16x32xf32> to vector<32xf32>
    %slice3A_7 = vector.extract_strided_slice %mul3A_5 {offsets = [16, 0], sizes = [16, 32], strides = [1, 1]} : vector<32x32xf32> to vector<16x32xf32>
    %reduce_sum3A_8 = arith.constant dense<0.000000e+00> : vector<32xf32>
    %reduce_sum3A_9 = vector.multi_reduction <add>, %slice3A_7, %reduce_sum3A_8 [0] : vector<16x32xf32> to vector<32xf32>
    %concatenate3A = tpu.concatenate %reduce_sum3A_6, %reduce_sum3A_9 in 0 : vector<32xf32>, vector<32xf32> -> vector<64xf32>
    %broadcast_in_dim3A = vector.shape_cast %concatenate3A : vector<64xf32> to vector<1x64xf32>
    %swap3A = arith.constant 0 : index
    %swap3A_10 = arith.constant 0 : index
    %swap3A_11 = vector.load %arg2[%swap3A, %swap3A_10] : memref<1x64xf32, #tpu.memory_space<vmem>>, vector<1x64xf32>
    tpu.vector_store %arg2[%swap3A, %swap3A_10], %broadcast_in_dim3A {strides = array<i32>} : memref<1x64xf32, #tpu.memory_space<vmem>>, vector<1x64xf32>,
    return
  }
}

</mosaic_0001>

<sc_bundles>
// kernel: kernel.4.cloned.1.call-start
scs
__scs_entry_jumppad:
0x0: {  	(pc) =	sbr.rel $0x88, $3  }
0x1: {  	(tag) =	ssettag $0x0;
	lr =	simm.s32 $0x1  }
0x2: {  	[smem:$0x3F9F] =	sst lr;
	_ =	strace $0xD0000000  }
0x3: {  	_ = 	snop  }
0x4: {  	_ = 	snop  }
0x5: {  	_ = 	snop  }
0x6: {  	_ = 	snop  }
0x7: {  	_ = 	snop  }
__scs_overlays_trampoline_lowered:
0x8: {  	[smem:$0x3FAE] =	sst s0  }
0x9: {  	[smem:$0x3FAF] =	sst s1  }
0xa: {  	[smem:$0x3FB0] =	sst s2  }
0xb: {  	[smem:$0x3FB1] =	sst s3  }
0xc: {  	[smem:$0x3FB2] =	sst s4  }
0xd: {  	[smem:$0x3FB3] =	sst s5  }
0xe: {  	[smem:$0x3FB4] =	sst s6  }
0xf: {  	[smem:$0x3FB5] =	sst s7  }
0x10: {  	[smem:$0x3FB6] =	sst s8  }
0x11: {  	[smem:$0x3FB7] =	sst s9;
	s0 =	simm.s32 @!p0 $0x0  }
0x12: {  	s1 =	sld [smem:$0x3F9D];
	s0 =	simm.s32 @p0 $0x1  }
0x13: {  	[smem:$0x3FB8] =	sst s0;
	s0 =	simm.s32 @!p1 $0x0  }
0x14: {  	s2 =	sld [smem:$0x3F9C];
	s0 =	simm.s32 @p1 $0x1  }
0x15: {  	[smem:$0x3FB9] =	sst s0;
	s0 =	simm.s32 @!p2 $0x0  }
0x16: {  	s3 =	sld [smem:$0x3FDB];
	s0 =	simm.s32 @p2 $0x1  }
0x17: {  	s4 =	simm.s32 $0x1BF5;
	[smem:$0x3FBB] =	sst s0  }
0x18: {  	s0 =	sld [smem:$0x3F9E];
	_ =	swait.ge [sflag:s4], $0x0  }
0x19: {  	s7 =	sld [smem:$0x3F9F]  }
0x1a: {  	s8 =	sadd.s32 $0xFFFFE003, lr  }
0x1b: {  	s9 =	sadd.s32 $0xFFFFFEF7, lr;
	s5 =	simm.s32 $0xFFFFFFFF;
	p2 =	slt.u32 s8, $0xFFFFF086  }
0x1c: {  	p1 =	slt.u32 s9, $0xF7A;
	s5 =	simm.s32 @!p2 $0x0  }
0x1d: {  	s5 =	simm.s32 @p1 $0x1;
	p0 =	seq.s32 s7, s2  }
0x1e: {  	s7 =	smul.u32 @!p0 $0xF7A, s2;
	p2 =	seq.s32 @!p0 s5, $0x0  }
0x1f: {  	s9 =	smul.u32 $0xF7A, s1;
	s8 =	simm.s32 @!p0 $0x1BF5;
	p2 =	por !p2, p0  }
0x20: {  	[sflag:s8] =	ssyncset.s32 @!p0 $0xFFFFF086;
	s6 =	sadd.s32 @!p0 s3, s7;
	s7 =	simm.s32 @!p0 $0x108  }
0x21: {  	s3 =	sadd.s32 s3, s9;
	s6 =	sadd.s32 @!p0 $0x88, s6;
	s7 =	simm.s32 @p2 $0x1082  }
0x22: {  	[simem:s7], [sflag:s8] =	dma.local @!p0 [hbm:s6], $0xF7A  }
0x23: {  	s9 =	sor.u32 $0xD0000000, s2;
	s6 =	simm.s32 $0x108;
	_ =	swait.ge @!p0 [sflag:s8], $0x0  }
0x24: {  	s3 =	sadd.s32 $0x88, s3;
	s6 =	simm.s32 @!p1 $0x1082;
	[sflag:s4] =	ssyncset.s32 $0xFFFFF086  }
0x25: {  	[simem:s6], [sflag:s4] =	dma.local [hbm:s3], $0xF7A  }
0x26: {  	[smem:$0x3F9F] =	sst s1;
	(tag) =	ssettag s2;
	_ =	strace s9  }
0x27: {  	s1 =	sld [smem:$0x3FAF]  }
0x28: {  	s2 =	sld [smem:$0x3FB0]  }
0x29: {  	s4 =	sld [smem:$0x3FB2]  }
0x2a: {  	p0 =	seq.s32 s5, $0x0;
	s5 =	sld [smem:$0x3FB3]  }
0x2b: {  	s6 =	sld [smem:$0x3FB4]  }
0x2c: {  	s7 =	sld [smem:$0x3FB5]  }
0x2d: {  	s3 =	simm.s32 $0x108;
	s8 =	sld [smem:$0x3FB6]  }
0x2e: {  	s3 =	simm.s32 @!p0 $0x1082;
	s9 =	sld [smem:$0x3FB7]  }
0x2f: {  	lr =	sadd.s32 s0, s3;
	s0 =	sld [smem:$0x3FAE]  }
0x30: {  	s3 =	sld [smem:$0x3FB1]  }
0x31: {  	[smem:$0x3FBA] =	sst s10  }
0x32: {  	s10 =	sld [smem:$0x3FB8];
	_ =	sdelay $0x3  }
0x33: {  	p0 =	seq.s32 s10, $0x1;
	s10 =	sld [smem:$0x3FBA];
	_ =	sdelay $0x3  }
0x34: {  	[smem:$0x3FBA] =	sst s10  }
0x35: {  	s10 =	sld [smem:$0x3FB9];
	_ =	sdelay $0x3  }
0x36: {  	p1 =	seq.s32 s10, $0x1;
	s10 =	sld [smem:$0x3FBA];
	_ =	sdelay $0x3  }
0x37: {  	[smem:$0x3FBA] =	sst s10  }
0x38: {  	s10 =	sld [smem:$0x3FBB]  }
0x39: {  	_ = 	snop;
	(pc) =	sbr.ind lr, $3  }
0x3a: {  	_ = 	snop  }
0x3b: {  	_ = 	snop  }
0x3c: {  	p2 =	seq.s32 s10, $0x1;
	s10 =	sld [smem:$0x3FBA]  }
0x3d: {  	_ =	shalt  }
0x3e: {  	_ =	shalt  }
0x3f: {  	_ =	shalt  }
0x40: {  	_ =	shalt  }
0x41: {  	_ =	shalt  }
0x42: {  	_ =	shalt  }
0x43: {  	_ =	shalt  }
0x44: {  	_ =	shalt  }
0x45: {  	_ =	shalt  }
0x46: {  	_ =	shalt  }
0x47: {  	_ =	shalt  }
0x48: {  	_ =	shalt  }
0x49: {  	_ =	shalt  }
0x4a: {  	_ =	shalt  }
0x4b: {  	_ =	shalt  }
0x4c: {  	_ =	shalt  }
0x4d: {  	_ =	shalt  }
0x4e: {  	_ =	shalt  }
0x4f: {  	_ =	shalt  }
0x50: {  	_ =	shalt  }
0x51: {  	_ =	shalt  }
0x52: {  	_ =	shalt  }
0x53: {  	_ =	shalt  }
0x54: {  	_ =	shalt  }
0x55: {  	_ =	shalt  }
0x56: {  	_ =	shalt  }
0x57: {  	_ =	shalt  }
0x58: {  	_ =	shalt  }
0x59: {  	_ =	shalt  }
0x5a: {  	_ =	shalt  }
0x5b: {  	_ =	shalt  }
0x5c: {  	_ =	shalt  }
0x5d: {  	_ =	shalt  }
0x5e: {  	_ =	shalt  }
0x5f: {  	_ =	shalt  }
0x60: {  	_ =	shalt  }
0x61: {  	_ =	shalt  }
0x62: {  	_ =	shalt  }
0x63: {  	_ =	shalt  }
0x64: {  	_ =	shalt  }
0x65: {  	_ =	shalt  }
0x66: {  	_ =	shalt  }
0x67: {  	_ =	shalt  }
0x68: {  	_ =	shalt  }
0x69: {  	_ =	shalt  }
0x6a: {  	_ =	shalt  }
0x6b: {  	_ =	shalt  }
0x6c: {  	_ =	shalt  }
0x6d: {  	_ =	shalt  }
0x6e: {  	_ =	shalt  }
0x6f: {  	_ =	shalt  }
0x70: {  	_ =	shalt  }
0x71: {  	_ =	shalt  }
0x72: {  	_ =	shalt  }
0x73: {  	_ =	shalt  }
0x74: {  	_ =	shalt  }
0x75: {  	_ =	shalt  }
0x76: {  	_ =	shalt  }
0x77: {  	_ =	shalt  }
0x78: {  	_ =	shalt  }
0x79: {  	_ =	shalt  }
0x7a: {  	_ =	shalt  }
0x7b: {  	_ =	shalt  }
0x7c: {  	_ =	shalt  }
0x7d: {  	_ =	shalt  }
0x7e: {  	_ =	shalt  }
0x7f: {  	_ =	shalt  }
0x80: {  	_ =	shalt  }
0x81: {  	_ =	shalt  }
0x82: {  	_ =	shalt  }
0x83: {  	_ =	shalt  }
0x84: {  	_ =	shalt  }
0x85: {  	_ =	shalt  }
0x86: {  	_ =	shalt  }
0x87: {  	_ =	shalt  }
.Lfunc_end0:
.L_simem_size_0:
called_computation_lowered:
.L_overlay_start_0:
0x88: {  	s2 =	sld [smem:$0x3FD9]  }
0x89: {  	s3 =	sld [smem:$0x3FFE];
	_ =	sdelay $0x1  }
0x8a: {  	s1 =	srdreg.scid  }
0x8b: {  	s0 =	sand.u32 $0x1, s1  }
0x8c: {  	s17 =	sshll.u32 s0, $0xA;
	s2 =	sadd.s32 s3, s2  }
0x8d: {  	s2 =	sadd.s32 s2, s17  }
0x8e: {  	[smem:$0x3FC6] =	sst s2  }
0x8f: {  	_ = 	snop  }
0x90: {  	s2 =	sld [smem:$0x3FC8];
	(tm) =	ssettm $0x1  }
0x91: {  	s18 =	sld [smem:$0x3FFB];
	_ =	sdelay $0x3  }
0x92: {  	_ =	strace s18  }
0x93: {  	s3 =	sld [smem:$0x3FFC];
	_ =	sdelay $0x3  }
0x94: {  	_ =	strace s3  }
0x95: {  	s3 =	sld [smem:$0x3FFD];
	_ =	sdelay $0x3  }
0x96: {  	_ =	strace s3  }
0x97: {  	_ =	strace $0x8FFFFFFF  }
0x98: {  	s19 =	sld [smem:$0x3FDB];
	_ =	sdelay $0x1  }
0x99: {  	s4 =	simm.s32 $_scs_section_size  }
0x9a: {  	s5 =	simm.s32 $_size__tile_overlayer_lowered;
	s6 =	simm.s32 $_tile_overlayer_lowered  }
0x9b: {  	s22 =	simm.s32 $0x1BFF;
	s21 =	sshll.u32 s6, $0x1;
	s3 =	sadd.s32 s4, s19  }
0x9c: {  	s7 =	simm.s32 $0x0;
	s20 =	sshll.u32 s5, $0x1;
	s5 =	sadd.s32 s21, s3  }
0x9d: {  	[timem:s7], [sflag:s22] =	dma.local [hbm:s5], s20  }
0x9e: {  	_ =	swait.ge [sflag:s22], s20  }
0x9f: {  	s4 =	ssub.s32 $0x0, s20;
	[sflag:s22] =	ssyncset.done $0x0  }
0xa0: {  	[sflag:s22] =	ssyncadd.s32 s4;
	_ =	sdelay $0x1  }
0xa1: {  	s23 =	simm.s32 $0x1B8B  }
0xa2: {  	_ =	swait.ge [sflag:s23], $0x1  }
0xa3: {  	[sflag:s23] =	ssyncset.done $0x0  }
0xa4: {  	s25 =	simm.s32 $0x1B8E;
	s24 =	sld [smem:$0x3FFE];
	[sflag:s23] =	ssyncadd.s32 $0xFFFFFFFF  }
0xa5: {  	s26 =	simm.s32 $execute0_lowered;
	[smem:$0x3FD2] =	sst s25  }
0xa6: {  	s5 =	sshll.u32 s26, $0x1;
	_ =	strace $0x80000046;
	[dreg:$0x1] =	wrdreg $0xFFFFFFFF  }
0xa7: {  	s28 =	simm.s32 $_size_execute0_lowered;
	s3 =	sadd.s32 s3, s5;
	[dreg:$0x0] =	wrdreg $0x0  }
0xa8: {  	s5 =	sshll.u32 s28, $0x1;
	[dreg:$0x2] =	wrdreg s3  }
0xa9: {  	[dreg:$0x3] =	wrdreg s5  }
0xaa: {  	[dreg:$0x4] =	wrdreg $0xC0  }
0xab: {  	_ =	task [dreg:s7], $0x5FFFF  }
0xac: {  	[dreg:$0x1] =	wrdreg $0xFFFFFFFF  }
0xad: {  	[dreg:$0x0] =	wrdreg $0x60  }
0xae: {  	[dreg:$0x2] =	wrdreg s24  }
0xaf: {  	[dreg:$0x3] =	wrdreg s2  }
0xb0: {  	[dreg:$0x4] =	wrdreg $0x9  }
0xb1: {  	_ =	task.clear_ibuf [dreg:s7], $0x5FFFF;
	_ =	strace $0x90000046  }
0xb2: {  	s29 =	simm.s32 $0x9;
	_ =	strace $0x80000048  }
0xb3: {  	_ =	swait.ge [sflag:s29], $0x1  }
0xb4: {  	[sflag:s29] =	ssyncadd.s32 $0xFFFFFFFF  }
0xb5: {  	_ =	strace $0x90000048  }
0xb6: {  	_ =	sfence  }
0xb7: {  	s30 =	sld [smem:$0x0];
	_ =	sdelay $0x2  }
0xb8: {  	s31 =	sshll.u32 s1, $0xD;
	s1 =	sshrl.u32 s1, $0x2  }
0xb9: {  	s3 =	sand.u32 $0x4000, s31;
	s1 =	sadd.s32 s1, s30  }
0xba: {  	s0 =	sor.u32 s3, s0;
	s1 =	sshll.u32 s1, $0x11  }
0xbb: {  	s0 =	sor.u32 s1, s0  }
0xbc: {  	s0 =	sadd.s32 $0x8F2B, s0  }
0xbd: {  	[sflag:s0] =	ssyncadd.remote.s32 $0x1  }
0xbe: {  	_ =	sfence.sel $0xFFFF  }
0xbf: {  	[dreg:$0x0] =	wrdreg $0xFFFFFFFF;
	(pc) =	sbr.abs _section_cstart, $3  }
0xc0: {  	[dreg:$0x1] =	wrdreg $0xFFFFFFFF  }
0xc1: {  	_ =	task.clear_ibuf [dreg:s7], $0x2FFFF;
	_ =	strace $0x9FFFFFFF  }
0xc2: {  	(tm) =	ssettm $0x7FFFFFFF  }
0xc3: {  	_ =	shalt  }
tec
execute0_lowered:
.L_overlay_start_1:
0x0: {  	(tag) =	ssettag $0x1  }
0x1: {  	s4 =	rddreg [dreg:$0x0]  }
0x2: {  	s1 =	rddreg [dreg:$0x1];
	s2 =	simm.s32 $0x0  }
0x3: {  	s5 =	srdreg.scid;
	s0 =	stileid.u32;
	s10 =	simm.s32 $0x3  }
0x4: {  	s11 =	simm.s32 $0x1;
	s12 =	simm.s32 $0x400;
	s13 =	simm.s32 $0x7A1400  }
0x5: {  	s14 =	simm.s32 $0x80;
	s15 =	simm.s32 $0x1080;
	s16 =	simm.s32 $0x2080  }
0x6: {  	s17 =	simm.s32 $0x3080;
	s18 =	simm.s32 $0x4080;
	s19 =	simm.s32 $0x5080  }
0x7: {  	s20 =	simm.s32 $0x6080;
	s21 =	simm.s32 $0x7080;
	s22 =	simm.s32 $0x2  }
0x8: {  	s23 =	simm.s32 $0x8080;
	s24 =	simm.s32 $0x0;
	[smem:$0x7FF] =	sst s2  }
0x9: {  	s7 =	sand.u32 $0x1, s5;
	s26 =	sshll.u32 s0, $0x4;
	s31 =	sand.u32 $0x1, s0  }
0xa: {  	s5 =	simm.s32 $0x16;
	_ =	strace $0x80000047;
	s6 =	ssub.s32 $0x2, s7  }
.Ltmp0:
0xb: {  	s8 =	sadd.s32 s26, s4;
	s29 =	sshll.u32 s7, $0x8;
	(pc) =	sbr.rel .LBB2_1-.Ltmp0, $4  }
0xc: {  	v0 =	vlaneseq.u32;
	p0 =	seq.s32 s31, $0x1;
	s7 =	smul.u32 $0x1E85000, s7;
	s28 =	sshrl.u32 s6, $0x1  }
0xd: {  	v1 =	vmul.u32 $0x80, v0;
	s30 =	sadd.s32 s29, s8;
	s5 =	simm.s32 @!p0 $0x1C;
	s3 =	sadd.s32 $0x400, s8  }
0xe: {  	vm0 =	vcmask $0x70C;
	vm1 =	vcmask $0xB10;
	vm2 =	vmmov $0x1;
	p0 =	sgt.u32 s0, $0xD;
	s9 =	ssub.s32 s6, s28;
	s4 =	sadd.s32 $0x600, s30  }
0xf: {  	vm3 =	vcmask $0x308;
	v3 =	vimm.f32 $0.0e+00;
	v2 =	vor.u32 $0x800, v1;
	[dreg:$0x3] =	wrdreg s3;
	s8 =	smax.u32 s9, $0x1;
	s9 =	sshll.u32 s5, $0x2  }
.LBB2_7:
0x10: {  	[tilespmem:$0x8080] =	vst v3  }
0x11: {  	[tilespmem:$0x8090] =	vst v3  }
.LBB2_8:
0x12: {  	s24 =	sadd.s32 $0x1, s24  }
0x13: {  	p1 =	sne.s32 s24, s8  }
.Ltmp1:
0x14: {  	_ = 	snop;
	(pc) =	sbr.rel @!p1 .LBB2_9-.Ltmp1, $4  }
0x15: {  	[hbm4b:s4+s2] =	stream.linear.scatter [tilespmem:s23], [sflag:$0x3], $0x80, $0x38;
	[tilespmem:$0x8100] =	vst v63  }
0x16: {  	_ =	swait.ge [sflag:s10], $0x80  }
0x17: {  	[sflag:s10] =	ssyncset.done $0x0  }
0x18: {  	[sflag:s10] =	ssyncadd.s32 $0xFFFFFF80  }
.LBB2_1:
.Ltmp2:
0x19: {  	(pc) =	sbr.rel @p0 .LBB2_7-.Ltmp2, $1  }
0x1a: {  	_ =	sdelay $0x3  }
0x1b: {  	s25 =	simm.s32 $0x0;
	s0 =	rddreg [dreg:$0x3]  }
0x1c: {  	[tilespmem:s25], [sflag:$0x3] =	stream.linear.gather [hbm4b:s0+s25], $0x80, $0x38;
	[tilespmem:$0x8100] =	vst v63  }
0x1d: {  	_ =	swait.ge [sflag:s10], $0x80  }
0x1e: {  	[sflag:s10] =	ssyncset.done $0x0  }
0x1f: {  	[sflag:s10] =	ssyncadd.s32 $0xFFFFFF80  }
0x20: {  	v4 =	vld [tilespmem:$0x0];
	_ =	sdelay $0x4  }
0x21: {  	v5 =	vsel vm0, $0x0, v4  }
0x22: {  	(xrf0) =	vadd.scan.msk.s32 $0xffff, v5;
	v5 =	vsel vm1, $0x0, v4  }
0x23: {  	(xrf0) =	vadd.scan.msk.s32 $0xffff, v5;
	v5 =	vnsel vm2, $0x0, v4  }
0x24: {  	(xrf0) =	vadd.scan.msk.s32 $0xffff, v5;
	_ =	sdelay $0x3  }
0x25: {  	v5, _, _ =	vpop (xrf0)  }
0x26: {  	v6, _, _ =	vpop (xrf0);
	(v2sf) =	vpush v5, $0xF  }
0x27: {  	v4 =	vsel vm3, $0x0, v4;
	(v2sf) =	vpush v6, $0xF;
	v5, _, _ =	vpop (xrf0)  }
0x28: {  	(xrf0) =	vadd.scan.msk.s32 $0xffff, v4;
	(v2sf) =	vpush v5, $0xF;
	_ =	sdelay $0x5  }
0x29: {  	v4, _, _ =	vpop (xrf0)  }
0x2a: {  	(v2sf) =	vpush v4, $0xF;
	_ =	sdelay $0x5  }
0x2b: {  	s26 =	spop (v2sf)  }
0x2c: {  	s28 =	spop (v2sf)  }
0x2d: {  	s29 =	spop (v2sf)  }
0x2e: {  	s30 =	sand.u32 $0x7F, s29  }
0x2f: {  	s2 =	sshra.s32 s29, $0x1F;
	p2 =	slt.s32 s29, $0x1;
	p1 =	sne.s32 s30, $0x0  }
0x30: {  	s30 =	sshrl.u32 s2, $0x19;
	p1 =	por !p2, !p1  }
0x31: {  	s29 =	sadd.s32 s30, s29;
	s30 =	simm.s32 $0x1;
	p1 =	por !p1, !p1  }
0x32: {  	s29 =	sshrl.u32 s29, $0x7;
	s30 =	simm.s32 @!p1 $0x0  }
0x33: {  	s29 =	ssub.s32 s29, s30  }
0x34: {  	s3 =	spop (v2sf);
	s29 =	sshll.u32 s29, $0xA  }
0x35: {  	s6 =	sand.u32 $0x7F, s3;
	s31 =	sshra.s32 s3, $0x1F;
	s29 =	sadd.s32 s7, s29  }
0x36: {  	p6 =	slt.s32 s3, $0x1;
	p5 =	sne.s32 s6, $0x0;
	s29 =	sshrl.u32 s29, $0x3  }
0x37: {  	s30 =	sshrl.u32 s31, $0x19;
	p1 =	por !p6, !p5;
	s29 =	sadd.s32 s1, s29  }
0x38: {  	[tilespmem:s14], [sflag:$0x1] =	stream.strided.gather [hbm4b:s29+s12], $0x1000, s13, s12, $0x38;
	[tilespmem:$0x8100] =	vst v63  }
0x39: {  	p1 =	por !p1, !p1;
	s29 =	sadd.s32 s30, s3;
	s30 =	simm.s32 $0x1  }
0x3a: {  	s29 =	sshrl.u32 s29, $0x7;
	s30 =	simm.s32 @!p1 $0x0  }
0x3b: {  	s29 =	ssub.s32 s29, s30  }
0x3c: {  	s29 =	sshll.u32 s29, $0xA  }
0x3d: {  	s0 =	sand.u32 $0x7F, s26;
	p3 =	slt.s32 s26, $0x1;
	s29 =	sadd.s32 s7, s29  }
0x3e: {  	p4 =	sne.s32 s0, $0x0;
	s2 =	sshra.s32 s26, $0x1F;
	s29 =	sshrl.u32 s29, $0x3  }
0x3f: {  	s3 =	sshrl.u32 s2, $0x19;
	p1 =	por !p3, !p4;
	s29 =	sadd.s32 s1, s29  }
0x40: {  	[tilespmem:s15], [sflag:$0x1] =	stream.strided.gather [hbm4b:s29+s12], $0x1000, s13, s12, $0x38;
	[tilespmem:$0x8100] =	vst v63  }
0x41: {  	s26 =	sadd.s32 s3, s26;
	p1 =	por !p1, !p1;
	s29 =	simm.s32 $0x1  }
0x42: {  	s26 =	sshrl.u32 s26, $0x7;
	s29 =	simm.s32 @!p1 $0x0  }
0x43: {  	s26 =	ssub.s32 s26, s29  }
0x44: {  	s26 =	sshll.u32 s26, $0xA  }
0x45: {  	s6 =	sand.u32 $0x7F, s28;
	p5 =	slt.s32 s28, $0x1;
	s26 =	sadd.s32 s7, s26  }
0x46: {  	p6 =	sne.s32 s6, $0x0;
	s30 =	sshra.s32 s28, $0x1F;
	s26 =	sshrl.u32 s26, $0x3  }
0x47: {  	s31 =	sshrl.u32 s30, $0x19;
	p1 =	por !p5, !p6;
	s26 =	sadd.s32 s1, s26  }
0x48: {  	[tilespmem:s16], [sflag:$0x1] =	stream.strided.gather [hbm4b:s26+s12], $0x1000, s13, s12, $0x38;
	[tilespmem:$0x8100] =	vst v63  }
0x49: {  	p1 =	por !p1, !p1;
	s26 =	sadd.s32 s31, s28;
	s28 =	simm.s32 $0x1  }
0x4a: {  	s26 =	sshrl.u32 s26, $0x7;
	s28 =	simm.s32 @!p1 $0x0  }
0x4b: {  	s26 =	ssub.s32 s26, s28  }
0x4c: {  	s26 =	sshll.u32 s26, $0xA  }
.Ltmp3:
0x4d: {  	s26 =	sadd.s32 s7, s26;
	(pc) =	sbr.rel .LBB2_3-.Ltmp3, $4  }
0x4e: {  	s26 =	sshrl.u32 s26, $0x3  }
0x4f: {  	s26 =	sadd.s32 s1, s26  }
0x50: {  	[tilespmem:s17], [sflag:$0x1] =	stream.strided.gather [hbm4b:s26+s12], $0x1000, s13, s12, $0x38;
	[tilespmem:$0x8100] =	vst v63  }
0x51: {  	v5 =	vimm.f32 $0.0e+00;
	v4 =	vimm.f32 $0.0e+00;
	s28 =	simm.s32 $0x2;
	s26 =	simm.s32 $0x20  }
.LBB2_5:
0x52: {  	_ =	swait.ge [sflag:s22], $0x1000  }
0x53: {  	[sflag:s22] =	ssyncset.done $0x0  }
0x54: {  	[sflag:s22] =	ssyncadd.s32 $0xFFFFF000  }
0x55: {  	_ =	swait.ge [sflag:s22], $0x1000  }
0x56: {  	[sflag:s22] =	ssyncset.done $0x0  }
0x57: {  	[sflag:s22] =	ssyncadd.s32 $0xFFFFF000  }
0x58: {  	_ =	swait.ge [sflag:s22], $0x1000  }
0x59: {  	[sflag:s22] =	ssyncset.done $0x0  }
0x5a: {  	[sflag:s22] =	ssyncadd.s32 $0xFFFFF000  }
0x5b: {  	_ =	swait.ge [sflag:s22], $0x1000  }
0x5c: {  	[sflag:s22] =	ssyncset.done $0x0  }
0x5d: {  	[sflag:s22] =	ssyncadd.s32 $0xFFFFF000  }
0x5e: {  	v14 =	vld [tilespmem:s29+$0x0];
	_ =	sdelay $0x4  }
0x5f: {  	v15 =	vnsel vm6, $0x0, v14  }
0x60: {  	(xrf0) =	vadd.scan.msk.s32 $0xffff, v15  }
0x61: {  	v47 =	vnsel vm7, $0x0, v14  }
0x62: {  	(xrf0) =	vadd.scan.msk.s32 $0xffff, v47  }
0x63: {  	v48 =	vnsel vm4, $0x0, v14  }
0x64: {  	(xrf0) =	vadd.scan.msk.s32 $0xffff, v48  }
0x65: {  	v14 =	vnsel vm5, $0x0, v14  }
0x66: {  	v49, _, _ =	vpop (xrf0);
	(xrf0) =	vadd.scan.msk.s32 $0xffff, v14  }
0x67: {  	(v2sf) =	vpush v49, $0xF  }
0x68: {  	v50, _, _ =	vpop (xrf0)  }
0x69: {  	(v2sf) =	vpush v50, $0xF  }
0x6a: {  	v51, _, _ =	vpop (xrf0)  }
0x6b: {  	(v2sf) =	vpush v51, $0xF  }
0x6c: {  	v52, _, _ =	vpop (xrf0)  }
0x6d: {  	(v2sf) =	vpush v52, $0xF;
	_ =	sdelay $0x8  }
0x6e: {  	s0 =	spop (v2sf)  }
0x6f: {  	s0 =	sand.u32 $0x7F, s0  }
0x70: {  	s2 =	spop (v2sf);
	v53 =	vor.u32 s0, v1  }
0x71: {  	v54 =	vor.u32 s0, v2;
	s3 =	sand.u32 $0x7F, s2  }
0x72: {  	s6 =	spop (v2sf);
	v16 =	vor.u32 s3, v1  }
0x73: {  	v5 =	vadd.f32 v11, v5;
	v4 =	vadd.f32 v13, v4;
	v55 =	vor.u32 s3, v2;
	s29 =	sand.u32 $0x7F, s6  }
0x74: {  	v56 =	vor.u32 s29, v1;
	s30 =	spop (v2sf)  }
0x75: {  	v5 =	vadd.f32 v10, v5;
	v4 =	vadd.f32 v12, v4;
	v58 =	vor.u32 s29, v2;
	v57 =	vld.idx.msk [tilespmem:v53+s18+$0x0], $0xffff;
	s31 =	sand.u32 $0x7F, s30  }
0x76: {  	v59 =	vld.idx.msk [tilespmem:v54+s18+$0x0], $0xffff;
	v60 =	vor.u32 s31, v1  }
0x77: {  	v5 =	vadd.f32 v8, v5;
	v4 =	vadd.f32 v9, v4;
	v61 =	vld.idx.msk [tilespmem:v16+s19+$0x0], $0xffff;
	v62 =	vor.u32 s31, v2  }
0x78: {  	v11 =	vld.idx.msk [tilespmem:v55+s19+$0x0], $0xffff  }
0x79: {  	v5 =	vadd.f32 v6, v5;
	v4 =	vadd.f32 v7, v4;
	v6 =	vld.idx.msk [tilespmem:v56+s20+$0x0], $0xffff  }
0x7a: {  	v7 =	vld.idx.msk [tilespmem:v58+s20+$0x0], $0xffff  }
0x7b: {  	s25 =	sadd.s32 $0x8, s25;
	v5 =	vadd.f32 v57, v5;
	v4 =	vadd.f32 v59, v4;
	v63 =	vld.idx.msk [tilespmem:v60+s21+$0x0], $0xffff  }
0x7c: {  	p1 =	sne.s32 s9, s25;
	v9 =	vld.idx.msk [tilespmem:v62+s21+$0x0], $0xffff  }
.Ltmp4:
0x7d: {  	v5 =	vadd.f32 v61, v5;
	v4 =	vadd.f32 v11, v4;
	(pc) =	sbr.rel @!p1 .LBB2_6-.Ltmp4, $3  }
0x7e: {  	_ = 	snop  }
0x7f: {  	v5 =	vadd.f32 v6, v5;
	v4 =	vadd.f32 v7, v4;
	_ =	sdelay $0x1  }
0x80: {  	s26 =	sadd.s32 $0x20, s26;
	s28 =	sadd.s32 $0x2, s28;
	v5 =	vadd.f32 v63, v5;
	v4 =	vadd.f32 v9, v4  }
.LBB2_3:
0x81: {  	s31 =	sshrl.u32 s25, $0x4;
	s29 =	sshra.s32 s25, $0x1F  }
0x82: {  	s29 =	sadd.s32 s29, s31  }
0x83: {  	s29 =	sshll.u32 s29, $0x6  }
0x84: {  	s29 =	sshra.s32 s29, $0x2  }
0x85: {  	v6 =	vld [tilespmem:s29+$0x0]  }
0x86: {  	s30 =	sand.u32 $0x8, s25  }
0x87: {  	s0 =	sor.u32 $0x6, s30  }
0x88: {  	s6 =	sor.u32 $0x7, s30;
	v7 =	vmov s0  }
0x89: {  	s2 =	sor.u32 $0x4, s30;
	vm4 =	veq.s32 v7, v0;
	v7 =	vmov s6  }
0x8a: {  	v8 =	vmov s2;
	vm5 =	veq.s32 v7, v0;
	v9 =	vnsel vm4, $0x0, v6  }
0x8b: {  	vm6 =	veq.s32 v8, v0;
	v7 =	vnsel vm5, $0x0, v6;
	(xrf0) =	vadd.scan.msk.s32 $0xffff, v9  }
0x8c: {  	(xrf0) =	vadd.scan.msk.s32 $0xffff, v7;
	v7 =	vnsel vm6, $0x0, v6  }
0x8d: {  	(xrf0) =	vadd.scan.msk.s32 $0xffff, v7;
	_ =	sdelay $0x3  }
0x8e: {  	v7, _, _ =	vpop (xrf0)  }
0x8f: {  	(v2sf) =	vpush v7, $0xF;
	v7, _, _ =	vpop (xrf0)  }
0x90: {  	(v2sf) =	vpush v7, $0xF;
	v7, _, _ =	vpop (xrf0)  }
0x91: {  	(v2sf) =	vpush v7, $0xF  }
0x92: {  	s3 =	sor.u32 $0x5, s30  }
0x93: {  	v7 =	vmov s3  }
0x94: {  	vm7 =	veq.s32 v7, v0  }
0x95: {  	v6 =	vnsel vm7, $0x0, v6  }
0x96: {  	(xrf0) =	vadd.scan.msk.s32 $0xffff, v6;
	_ =	sdelay $0x5  }
0x97: {  	v6, _, _ =	vpop (xrf0)  }
0x98: {  	(v2sf) =	vpush v6, $0xF  }
0x99: {  	s0 =	spop (v2sf)  }
0x9a: {  	s2 =	spop (v2sf)  }
0x9b: {  	s3 =	spop (v2sf)  }
0x9c: {  	s6 =	sand.u32 $0x7F, s3  }
0x9d: {  	p2 =	slt.s32 s3, $0x1;
	p1 =	sne.s32 s6, $0x0;
	s6 =	sshra.s32 s3, $0x1F  }
0x9e: {  	s6 =	sshrl.u32 s6, $0x19;
	p1 =	por !p2, !p1  }
0x9f: {  	s3 =	sadd.s32 s6, s3;
	p1 =	por !p1, !p1;
	s6 =	simm.s32 $0x1  }
0xa0: {  	s3 =	sshrl.u32 s3, $0x7;
	s6 =	simm.s32 @!p1 $0x0  }
0xa1: {  	s3 =	ssub.s32 s3, s6  }
0xa2: {  	s3 =	sshll.u32 s3, $0xA  }
0xa3: {  	s3 =	sadd.s32 s7, s3  }
0xa4: {  	s3 =	sshrl.u32 s3, $0x3  }
0xa5: {  	s3 =	sadd.s32 s1, s3  }
0xa6: {  	[tilespmem:s18], [sflag:$0x2] =	stream.strided.gather [hbm4b:s3+s12], $0x1000, s13, s12, $0x38;
	[tilespmem:$0x8100] =	vst v63  }
0xa7: {  	s3 =	spop (v2sf)  }
0xa8: {  	s6 =	sand.u32 $0x7F, s3  }
0xa9: {  	p6 =	slt.s32 s3, $0x1;
	p5 =	sne.s32 s6, $0x0;
	s6 =	sshra.s32 s3, $0x1F  }
0xaa: {  	s6 =	sshrl.u32 s6, $0x19;
	p1 =	por !p6, !p5  }
0xab: {  	s3 =	sadd.s32 s6, s3;
	p1 =	por !p1, !p1;
	s6 =	simm.s32 $0x1  }
0xac: {  	s3 =	sshrl.u32 s3, $0x7;
	s6 =	simm.s32 @!p1 $0x0  }
0xad: {  	s3 =	ssub.s32 s3, s6  }
0xae: {  	s3 =	sshll.u32 s3, $0xA  }
0xaf: {  	s3 =	sadd.s32 s7, s3  }
0xb0: {  	s3 =	sshrl.u32 s3, $0x3  }
0xb1: {  	s3 =	sadd.s32 s1, s3  }
0xb2: {  	[tilespmem:s19], [sflag:$0x2] =	stream.strided.gather [hbm4b:s3+s12], $0x1000, s13, s12, $0x38;
	[tilespmem:$0x8100] =	vst v63  }
0xb3: {  	s3 =	sand.u32 $0x7F, s0  }
0xb4: {  	p3 =	slt.s32 s0, $0x1;
	s6 =	sshra.s32 s0, $0x1F;
	p4 =	sne.s32 s3, $0x0  }
0xb5: {  	s6 =	sshrl.u32 s6, $0x19;
	p1 =	por !p3, !p4  }
0xb6: {  	s0 =	sadd.s32 s6, s0;
	s3 =	simm.s32 $0x1;
	p1 =	por !p1, !p1  }
0xb7: {  	s0 =	sshrl.u32 s0, $0x7;
	s3 =	simm.s32 @!p1 $0x0  }
0xb8: {  	s0 =	ssub.s32 s0, s3  }
0xb9: {  	s0 =	sshll.u32 s0, $0xA  }
0xba: {  	p5 =	slt.s32 s2, $0x1;
	s3 =	sand.u32 $0x7F, s2;
	s0 =	sadd.s32 s7, s0  }
0xbb: {  	s6 =	sshra.s32 s2, $0x1F;
	p6 =	sne.s32 s3, $0x0;
	s0 =	sshrl.u32 s0, $0x3  }
0xbc: {  	s6 =	sshrl.u32 s6, $0x19;
	p1 =	por !p5, !p6;
	s0 =	sadd.s32 s1, s0  }
0xbd: {  	[tilespmem:s20], [sflag:$0x2] =	stream.strided.gather [hbm4b:s0+s12], $0x1000, s13, s12, $0x38;
	[tilespmem:$0x8100] =	vst v63  }
0xbe: {  	p1 =	por !p1, !p1;
	s0 =	sadd.s32 s6, s2;
	s2 =	simm.s32 $0x1  }
0xbf: {  	s0 =	sshrl.u32 s0, $0x7;
	s2 =	simm.s32 @!p1 $0x0  }
0xc0: {  	s0 =	ssub.s32 s0, s2  }
0xc1: {  	s0 =	sshll.u32 s0, $0xA  }
0xc2: {  	s0 =	sadd.s32 s7, s0  }
0xc3: {  	s0 =	sshrl.u32 s0, $0x3  }
0xc4: {  	s0 =	sadd.s32 s1, s0  }
0xc5: {  	[tilespmem:s21], [sflag:$0x2] =	stream.strided.gather [hbm4b:s0+s12], $0x1000, s13, s12, $0x38;
	[tilespmem:$0x8100] =	vst v63  }
0xc6: {  	_ =	swait.ge [sflag:s11], $0x1000  }
0xc7: {  	[sflag:s11] =	ssyncset.done $0x0  }
0xc8: {  	[sflag:s11] =	ssyncadd.s32 $0xFFFFF000  }
0xc9: {  	_ =	swait.ge [sflag:s11], $0x1000  }
0xca: {  	[sflag:s11] =	ssyncset.done $0x0  }
0xcb: {  	[sflag:s11] =	ssyncadd.s32 $0xFFFFF000  }
0xcc: {  	_ =	swait.ge [sflag:s11], $0x1000  }
0xcd: {  	[sflag:s11] =	ssyncset.done $0x0  }
0xce: {  	[sflag:s11] =	ssyncadd.s32 $0xFFFFF000  }
0xcf: {  	_ =	swait.ge [sflag:s11], $0x1000  }
0xd0: {  	s31 =	sshll.u32 s31, $0x6;
	[sflag:s11] =	ssyncset.done $0x0  }
0xd1: {  	s0 =	sshra.s32 s31, $0x2;
	[sflag:s11] =	ssyncadd.s32 $0xFFFFF000  }
0xd2: {  	v6 =	vld [tilespmem:s0+$0x0];
	_ =	sdelay $0x2  }
0xd3: {  	v7 =	vmov s30  }
0xd4: {  	vm8 =	veq.s32 v7, v0;
	s2 =	sor.u32 $0x1, s30  }
0xd5: {  	v8 =	vmov s2;
	v7 =	vnsel vm8, $0x0, v6  }
0xd6: {  	s3 =	sor.u32 $0x2, s30;
	vm8 =	veq.s32 v8, v0;
	(xrf0) =	vadd.scan.msk.s32 $0xffff, v7  }
0xd7: {  	v8 =	vmov s3;
	v7 =	vnsel vm8, $0x0, v6  }
0xd8: {  	s6 =	sor.u32 $0x3, s30;
	vm8 =	veq.s32 v8, v0;
	(xrf0) =	vadd.scan.msk.s32 $0xffff, v7  }
0xd9: {  	v8 =	vmov s6;
	v7 =	vnsel vm8, $0x0, v6  }
0xda: {  	vm8 =	veq.s32 v8, v0;
	(xrf0) =	vadd.scan.msk.s32 $0xffff, v7  }
0xdb: {  	v6 =	vnsel vm8, $0x0, v6  }
0xdc: {  	v7, _, _ =	vpop (xrf0);
	(xrf0) =	vadd.scan.msk.s32 $0xffff, v6  }
0xdd: {  	(v2sf) =	vpush v7, $0xF  }
0xde: {  	v6, _, _ =	vpop (xrf0)  }
0xdf: {  	(v2sf) =	vpush v6, $0xF  }
0xe0: {  	v6, _, _ =	vpop (xrf0)  }
0xe1: {  	(v2sf) =	vpush v6, $0xF  }
0xe2: {  	v6, _, _ =	vpop (xrf0)  }
0xe3: {  	(v2sf) =	vpush v6, $0xF;
	_ =	sdelay $0x8  }
0xe4: {  	s30 =	spop (v2sf)  }
0xe5: {  	s0 =	sand.u32 $0x7F, s30  }
0xe6: {  	s31 =	spop (v2sf);
	v6 =	vor.u32 s0, v1  }
0xe7: {  	v7 =	vor.u32 s0, v2;
	s2 =	sand.u32 $0x7F, s31  }
0xe8: {  	s3 =	spop (v2sf);
	v8 =	vor.u32 s2, v1  }
0xe9: {  	v9 =	vor.u32 s2, v2;
	s6 =	sand.u32 $0x7F, s3  }
0xea: {  	v14 =	vor.u32 s6, v1;
	s30 =	spop (v2sf)  }
0xeb: {  	v11 =	vld.idx.msk [tilespmem:v6+s14+$0x0], $0xffff;
	v6 =	vor.u32 s6, v2;
	s31 =	sand.u32 $0x7F, s30  }
0xec: {  	v13 =	vld.idx.msk [tilespmem:v7+s14+$0x0], $0xffff;
	v7 =	vor.u32 s31, v1  }
0xed: {  	p1 =	sge.u32 s28, s5;
	v10 =	vld.idx.msk [tilespmem:v8+s15+$0x0], $0xffff;
	v15 =	vor.u32 s31, v2  }
.Ltmp5:
0xee: {  	v12 =	vld.idx.msk [tilespmem:v9+s15+$0x0], $0xffff;
	(pc) =	sbr.rel @p1 .LBB2_5-.Ltmp5, $4  }
0xef: {  	v8 =	vld.idx.msk [tilespmem:v14+s16+$0x0], $0xffff  }
0xf0: {  	v9 =	vld.idx.msk [tilespmem:v6+s16+$0x0], $0xffff  }
0xf1: {  	v6 =	vld.idx.msk [tilespmem:v7+s17+$0x0], $0xffff  }
0xf2: {  	v7 =	vld.idx.msk [tilespmem:v15+s17+$0x0], $0xffff  }
0xf3: {  	s0 =	sand.u32 $0x7FFFFFC0, s26  }
0xf4: {  	s0 =	sshrl.u32 s0, $0x2  }
0xf5: {  	s2 =	sxor.u32 $0xFFFFFFFF, s25;
	v14 =	vld [tilespmem:s0+$0x0]  }
0xf6: {  	s3 =	sand.u32 $0x8, s2  }
0xf7: {  	s2 =	sor.u32 $0x2, s3  }
0xf8: {  	s6 =	sor.u32 $0x3, s3;
	v15 =	vmov s2  }
0xf9: {  	vm8 =	veq.s32 v15, v0;
	v15 =	vmov s6  }
0xfa: {  	v16 =	vnsel vm8, $0x0, v14;
	vm8 =	veq.s32 v15, v0;
	v15 =	vmov s3  }
0xfb: {  	(xrf0) =	vadd.scan.msk.s32 $0xffff, v16;
	v63 =	vnsel vm8, $0x0, v14;
	vm8 =	veq.s32 v15, v0  }
0xfc: {  	(xrf0) =	vadd.scan.msk.s32 $0xffff, v63;
	v15 =	vnsel vm8, $0x0, v14  }
0xfd: {  	(xrf0) =	vadd.scan.msk.s32 $0xffff, v15;
	_ =	sdelay $0x3  }
0xfe: {  	v15, _, _ =	vpop (xrf0)  }
0xff: {  	v16, _, _ =	vpop (xrf0);
	(v2sf) =	vpush v15, $0xF  }
0x100: {  	(v2sf) =	vpush v16, $0xF;
	v15, _, _ =	vpop (xrf0)  }
0x101: {  	(v2sf) =	vpush v15, $0xF  }
0x102: {  	s0 =	sor.u32 $0x1, s3  }
0x103: {  	v15 =	vmov s0  }
0x104: {  	vm8 =	veq.s32 v15, v0  }
0x105: {  	v14 =	vnsel vm8, $0x0, v14  }
0x106: {  	(xrf0) =	vadd.scan.msk.s32 $0xffff, v14;
	_ =	sdelay $0x5  }
0x107: {  	v14, _, _ =	vpop (xrf0)  }
0x108: {  	(v2sf) =	vpush v14, $0xF  }
0x109: {  	s0 =	spop (v2sf)  }
0x10a: {  	s2 =	spop (v2sf)  }
0x10b: {  	s3 =	spop (v2sf)  }
0x10c: {  	s6 =	sand.u32 $0x7F, s3  }
0x10d: {  	s30 =	sshra.s32 s3, $0x1F;
	p1 =	slt.s32 s3, $0x1;
	p2 =	sne.s32 s6, $0x0  }
0x10e: {  	s30 =	sshrl.u32 s30, $0x19;
	p1 =	por !p1, !p2  }
0x10f: {  	s6 =	simm.s32 $0x1;
	s3 =	sadd.s32 s30, s3;
	p1 =	por !p1, !p1  }
0x110: {  	s3 =	sshrl.u32 s3, $0x7;
	s6 =	simm.s32 @!p1 $0x0  }
0x111: {  	s3 =	ssub.s32 s3, s6  }
0x112: {  	s3 =	sshll.u32 s3, $0xA  }
0x113: {  	s3 =	sadd.s32 s7, s3  }
0x114: {  	s3 =	sshrl.u32 s3, $0x3  }
0x115: {  	s3 =	sadd.s32 s1, s3  }
0x116: {  	[tilespmem:s14], [sflag:$0x1] =	stream.strided.gather [hbm4b:s3+s12], $0x1000, s13, s12, $0x38;
	[tilespmem:$0x8100] =	vst v63  }
0x117: {  	s3 =	spop (v2sf)  }
0x118: {  	s6 =	sand.u32 $0x7F, s3  }
0x119: {  	s31 =	sshra.s32 s3, $0x1F;
	p5 =	slt.s32 s3, $0x1;
	p6 =	sne.s32 s6, $0x0  }
0x11a: {  	s31 =	sshrl.u32 s31, $0x19;
	p1 =	por !p5, !p6  }
0x11b: {  	s6 =	simm.s32 $0x1;
	s3 =	sadd.s32 s31, s3;
	p1 =	por !p1, !p1  }
0x11c: {  	s3 =	sshrl.u32 s3, $0x7;
	s6 =	simm.s32 @!p1 $0x0  }
0x11d: {  	s3 =	ssub.s32 s3, s6  }
0x11e: {  	s3 =	sshll.u32 s3, $0xA  }
0x11f: {  	p3 =	slt.s32 s0, $0x1;
	s6 =	sand.u32 $0x7F, s0;
	s3 =	sadd.s32 s7, s3  }
0x120: {  	s30 =	sshra.s32 s0, $0x1F;
	p4 =	sne.s32 s6, $0x0;
	s3 =	sshrl.u32 s3, $0x3  }
0x121: {  	s31 =	sshrl.u32 s30, $0x19;
	p1 =	por !p3, !p4;
	s3 =	sadd.s32 s1, s3  }
0x122: {  	[tilespmem:s15], [sflag:$0x1] =	stream.strided.gather [hbm4b:s3+s12], $0x1000, s13, s12, $0x38;
	[tilespmem:$0x8100] =	vst v63  }
0x123: {  	s0 =	sadd.s32 s31, s0;
	p1 =	por !p1, !p1;
	s3 =	simm.s32 $0x1  }
0x124: {  	s0 =	sshrl.u32 s0, $0x7;
	s3 =	simm.s32 @!p1 $0x0  }
0x125: {  	s0 =	ssub.s32 s0, s3  }
0x126: {  	s0 =	sshll.u32 s0, $0xA  }
0x127: {  	s30 =	sshra.s32 s2, $0x1F;
	s6 =	sand.u32 $0x7F, s2;
	s0 =	sadd.s32 s7, s0  }
0x128: {  	p5 =	slt.s32 s2, $0x1;
	p6 =	sne.s32 s6, $0x0;
	s0 =	sshrl.u32 s0, $0x3  }
0x129: {  	s31 =	sshrl.u32 s30, $0x19;
	p1 =	por !p5, !p6;
	s0 =	sadd.s32 s1, s0  }
0x12a: {  	[tilespmem:s16], [sflag:$0x1] =	stream.strided.gather [hbm4b:s0+s12], $0x1000, s13, s12, $0x38;
	[tilespmem:$0x8100] =	vst v63  }
0x12b: {  	p1 =	por !p1, !p1;
	s0 =	sadd.s32 s31, s2;
	s2 =	simm.s32 $0x1  }
0x12c: {  	s0 =	sshrl.u32 s0, $0x7;
	s2 =	simm.s32 @!p1 $0x0  }
0x12d: {  	s0 =	ssub.s32 s0, s2  }
.Ltmp6:
0x12e: {  	s0 =	sshll.u32 s0, $0xA;
	(pc) =	sbr.rel .LBB2_5-.Ltmp6, $4  }
0x12f: {  	s0 =	sadd.s32 s7, s0  }
0x130: {  	s0 =	sshrl.u32 s0, $0x3  }
0x131: {  	s0 =	sadd.s32 s1, s0  }
0x132: {  	[tilespmem:s17], [sflag:$0x1] =	stream.strided.gather [hbm4b:s0+s12], $0x1000, s13, s12, $0x38;
	[tilespmem:$0x8100] =	vst v63  }
.LBB2_6:
.Ltmp7:
0x133: {  	(pc) =	sbr.rel .LBB2_8-.Ltmp7, $3  }
0x134: {  	_ =	sdelay $0x1  }
0x135: {  	[tilespmem:$0x8080] =	vst v5  }
0x136: {  	s2 =	simm.s32 $0x0;
	[tilespmem:$0x8090] =	vst v4  }
.LBB2_9:
0x137: {  	_ =	sfence.sel $0x180000  }
0x138: {  	[bflag:$0x0] =	sbarrier.arrive $0xFFFF  }
0x139: {  	_ =	strace $0x90000047  }
0x13a: {  	s0 =	stileid.u32;
	[bflag:$0x2] =	sbarrier.arrive $0xFFFF  }
0x13b: {  	p0 =	sne.s32 s0, $0x0;
	s0 =	rddreg [dreg:$0x2]  }
0x13c: {  	s0 =	sadd.s32 @!p0 $0x100000, s0  }
0x13d: {  	[sflag:s0] =	ssyncadd.tile.s32 @!p0 $0x1;
	_ =	shalt  }
.Lfunc_end2:
_tile_overlayer_lowered:
.L_overlay_start_2:
0x13e: {  	(tag) =	ssettag $0x2  }
0x13f: {  	s0 =	rddreg [dreg:$0x0];
	s2 =	stileid.u32  }
0x140: {  	s1 =	rddreg [dreg:$0x1];
	p0 =	sne.s32 s2, $0x0  }
0x141: {  	s3 =	rddreg [dreg:$0x2];
	[bflag:$0x3] =	sbarrier.arrive $0xFFFF;
	s2 =	simm.s32 @!p0 $0x1C03  }
0x142: {  	[timem:s3], [sflag:s2] =	dma.local @!p0 [hbm:s0], s1  }
0x143: {  	s0 =	simm.s32 @!p0 $0x3  }
0x144: {  	_ =	swait.ge @!p0 [sflag:s0], s1  }
0x145: {  	s1 =	ssub.s32 @!p0 $0x0, s1;
	[sflag:s0] =	ssyncset.done @!p0 $0x0  }
0x146: {  	[sflag:s0] =	ssyncadd.s32 @!p0 s1  }
0x147: {  	[bflag:$0x3] =	sbarrier.arrive $0xFFFF  }
0x148: {  	_ =	shalt  }

</sc_bundles>
